<compile_context>
chip_gen: v7x
topology: tpu7x:2x2x1
jax: 0.10.2.dev20260603
libtpu: 0.0.44.dev20260713+nightly
codegen_flags: <defaults>
</compile_context>

<pallas_src>
import jax
import jax.numpy as jnp
from jax import lax
from jax.experimental import pallas as pl
from jax.experimental.pallas import tpu as pltpu
from jax.experimental.pallas import tpu_sc as plsc

N_BOXES = 20000
TOP_K = 2000
MAX_DET = 100
IOU_THRESH = 0.5
NUM_SUBCORES = 16
PER_TILE = 1264
N_PAD = NUM_SUBCORES * PER_TILE
NV = PER_TILE // 16
CAP = PER_TILE + 16
CAPV = CAP // 16
KEY_HI = 0x3F800000
NEG = -1

_mesh = plsc.VectorSubcoreMesh(
    core_axis_name="c", subcore_axis_name="s",
    num_cores=2, num_subcores=NUM_SUBCORES)


_KERNEL_KWARGS = dict(
    out_type=jax.ShapeDtypeStruct((MAX_DET * 5,), jnp.int32),
    mesh=_mesh,
    scratch_types=[
        pltpu.VMEM((PER_TILE,), jnp.float32),
        pltpu.VMEM((PER_TILE,), jnp.float32),
        pltpu.VMEM((PER_TILE,), jnp.float32),
        pltpu.VMEM((PER_TILE,), jnp.float32),
        pltpu.VMEM((PER_TILE,), jnp.int32),
        pltpu.VMEM((CAP,), jnp.float32),
        pltpu.VMEM((CAP,), jnp.float32),
        pltpu.VMEM((CAP,), jnp.float32),
        pltpu.VMEM((CAP,), jnp.float32),
        pltpu.VMEM((CAP,), jnp.float32),
        pltpu.VMEM((CAP,), jnp.int32),
        pltpu.VMEM((16,), jnp.int32),
        pltpu.VMEM((256,), jnp.int32),
        pltpu.VMEM((MAX_DET * 5,), jnp.int32),
        pltpu.VMEM_SHARED((512,), jnp.int32),
        pltpu.SemaphoreType.DMA,
    ],
    compiler_params=pltpu.CompilerParams(needs_layout_passes=False),
)


def _nms_body(x1h, y1h, x2h, y2h, kh, outh,
              x1v, y1v, x2v, y2v, kv,
              x1c, y1c, x2c, y2c, ac, kc,
              stg, xb, ov, sb, dsem):
    lanes = lax.iota(jnp.int32, 16)
    sid = lax.axis_index("s")
    cid = lax.axis_index("c")
    base = sid * PER_TILE

    LAST = N_BOXES - 15 * PER_TILE

    def kvfill(r, c):
        kv[pl.ds(r * 16, 16)] = jnp.full((16,), NEG, jnp.int32)
        return c
    lax.fori_loop(0, NV, kvfill, jnp.int32(0))

    @pl.when(sid < 15)
    def _():
        cps = [pltpu.async_copy(h.at[pl.ds(base, PER_TILE)], v, dsem)
               for h, v in ((x1h, x1v), (y1h, y1v), (x2h, x2v), (y2h, y2v),
                            (kh, kv))]
        for cp in cps:
            cp.wait()

    @pl.when(sid == 15)
    def _():
        cps = [pltpu.async_copy(h.at[pl.ds(base, LAST)],
                                v.at[pl.ds(0, LAST)], dsem)
               for h, v in ((x1h, x1v), (y1h, y1v), (x2h, x2v), (y2h, y2v),
                            (kh, kv))]
        for cp in cps:
            cp.wait()

    def exchange(rnd, pub):
        stg[...] = pub
        off = (rnd & 1) * 256
        pltpu.sync_copy(stg, sb.at[pl.ds(off + sid * 16, 16)])
        plsc.subcore_barrier()
        pltpu.sync_copy(sb.at[pl.ds(off, 256)], xb)

    def bis_step(t, c):
        lo, hi = c
        d = jnp.maximum((hi - lo) >> 3, jnp.int32(1))
        ts = [lo + d * i for i in range(1, 8)]

        def cnt_body(r, accs):
            v = kv[pl.ds(r * 16, 16)]
            return tuple(a + jnp.where(v >= ti, jnp.int32(1), jnp.int32(0))
                         for a, ti in zip(accs, ts))
        accs = lax.fori_loop(
            0, NV, cnt_body,
            tuple(jnp.zeros((16,), jnp.int32) for _ in range(7)))
        pub = jnp.zeros((16,), jnp.int32)
        for i, a in enumerate(accs):
            pub = jnp.where(lanes == i, jnp.sum(a), pub)
        exchange(t, pub)
        totals = [jnp.sum(plsc.load_gather(xb, [lanes * 16 + i]))
                  for i in range(7)]
        nlo, nhi = lo, hi
        for ti, tot in zip(ts, totals):
            nlo = jnp.where(tot >= TOP_K, ti, nlo)
        for ti, tot in zip(reversed(ts), reversed(totals)):
            nhi = jnp.where(tot < TOP_K, ti, nhi)
        return (nlo, nhi)

    tstar, _ = lax.fori_loop(
        0, 12, bis_step, (jnp.int32(0), jnp.int32(KEY_HI)))

    def cnt2_body(r, c):
        g, e = c
        v = kv[pl.ds(r * 16, 16)]
        g = g + jnp.sum(jnp.where(v > tstar, jnp.int32(1), jnp.int32(0)))
        e = e + jnp.sum(jnp.where(v == tstar, jnp.int32(1), jnp.int32(0)))
        return (g, e)
    cgt, ceq = lax.fori_loop(0, NV, cnt2_body, (jnp.int32(0), jnp.int32(0)))
    exchange(12, jnp.where(lanes == 0, cgt,
                           jnp.where(lanes == 1, ceq, jnp.int32(0))))
    gtv = plsc.load_gather(xb, [lanes * 16])
    eqv = plsc.load_gather(xb, [lanes * 16 + 1])
    k2 = jnp.int32(TOP_K) - jnp.sum(gtv)
    eqpre = jnp.sum(jnp.where(lanes < sid, eqv, jnp.int32(0)))

    zf = jnp.zeros((16,), jnp.float32)

    def prefill(r, c):
        s = pl.ds(r * 16, 16)
        kc[s] = jnp.full((16,), NEG, jnp.int32)
        x1c[s] = zf
        y1c[s] = zf
        x2c[s] = zf
        y2c[s] = zf
        ac[s] = zf
        return c
    lax.fori_loop(0, CAPV, prefill, jnp.int32(0))

    def init_body(r, carry):
        cnt, eqc = carry
        s = pl.ds(r * 16, 16)
        v = kv[s]
        eq = v == tstar
        eqi = jnp.where(eq, jnp.int32(1), jnp.int32(0))
        rank = eqpre + eqc + (plsc.cumsum(eqi) - eqi)
        sel = jnp.logical_or(v > tstar, jnp.logical_and(eq, rank < k2))
        seli = jnp.where(sel, jnp.int32(1), jnp.int32(0))
        pos = cnt + plsc.cumsum(seli) - seli
        x1 = x1v[s]
        y1 = y1v[s]
        x2 = x2v[s]
        y2 = y2v[s]
        plsc.store_scatter(kc, [pos], v, mask=sel)
        plsc.store_scatter(x1c, [pos], x1, mask=sel)
        plsc.store_scatter(y1c, [pos], y1, mask=sel)
        plsc.store_scatter(x2c, [pos], x2, mask=sel)
        plsc.store_scatter(y2c, [pos], y2, mask=sel)
        plsc.store_scatter(ac, [pos], (x2 - x1) * (y2 - y1), mask=sel)
        return (cnt + jnp.sum(seli), eqc + jnp.sum(eqi))
    cnt, _ = lax.fori_loop(0, NV, init_body, (jnp.int32(0), jnp.int32(0)))
    nvc = jnp.maximum((cnt + 15) >> 4, jnp.int32(1))

    THRf = jnp.float32(IOU_THRESH)

    def nms_cond(carry):
        outcnt, rnd, saved = carry
        return outcnt < MAX_DET

    def nms_step(carry):
        outcnt, rnd, saved = carry

        def scan(exc1, exc2):
            def amax_body(r, c):
                bv, br = c
                v = kc[pl.ds(r * 16, 16)]
                idxv = r * 16 + lanes
                m = jnp.logical_and(
                    v > bv, jnp.logical_and(idxv != exc1, idxv != exc2))
                return (jnp.where(m, v, bv), jnp.where(m, r, br))
            bv, br = lax.fori_loop(
                0, nvc, amax_body,
                (jnp.full((16,), -2, jnp.int32), jnp.zeros((16,), jnp.int32)))
            g = jnp.max(bv)
            lid = jnp.min(jnp.where(bv == g, br * 16 + lanes,
                                    jnp.int32(1 << 30)))
            return g, lid

        g1, l1 = scan(jnp.int32(-1), jnp.int32(-1))
        g2, l2 = scan(l1, jnp.int32(-1))
        g3, l3 = scan(l1, l2)

        def gbox(lid):
            lv = jnp.full((16,), lid, jnp.int32)
            return (plsc.bitcast(plsc.load_gather(x1c, [lv]), jnp.int32),
                    plsc.bitcast(plsc.load_gather(y1c, [lv]), jnp.int32),
                    plsc.bitcast(plsc.load_gather(x2c, [lv]), jnp.int32),
                    plsc.bitcast(plsc.load_gather(y2c, [lv]), jnp.int32))
        b11, b12, b13, b14 = gbox(l1)
        b21, b22, b23, b24 = gbox(l2)
        b31, b32, b33, b34 = gbox(l3)
        pub = jnp.where(lanes == 0, g1,
              jnp.where(lanes == 1, b11,
              jnp.where(lanes == 2, b12,
              jnp.where(lanes == 3, b13,
              jnp.where(lanes == 4, b14,
              jnp.where(lanes == 5, g2,
              jnp.where(lanes == 6, b21,
              jnp.where(lanes == 7, b22,
              jnp.where(lanes == 8, b23,
              jnp.where(lanes == 9, b24,
              jnp.where(lanes == 10, g3,
              jnp.where(lanes == 11, b31,
              jnp.where(lanes == 12, b32,
              jnp.where(lanes == 13, b33, b34))))))))))))))
        exchange(13 + rnd, pub)

        keys1 = plsc.load_gather(xb, [lanes * 16])
        keys2 = plsc.load_gather(xb, [lanes * 16 + 5])
        keys3 = plsc.load_gather(xb, [lanes * 16 + 10])
        c1 = jnp.max(keys1)
        w1 = jnp.min(jnp.where(keys1 == c1, lanes, jnp.int32(999)))
        k2cand = jnp.where(lanes == w1, keys2, keys1)
        c2 = jnp.max(k2cand)
        w2 = jnp.min(jnp.where(k2cand == c2, lanes, jnp.int32(999)))
        slot2 = jnp.where(w2 == w1, jnp.int32(1), jnp.int32(0))
        k3cand = jnp.where(lanes == w2,
                           jnp.where(slot2 == 1, keys3, keys2), k2cand)
        c3 = jnp.max(k3cand)
        w3 = jnp.min(jnp.where(k3cand == c3, lanes, jnp.int32(999)))
        slot3 = (jnp.where(w3 == w1, jnp.int32(1), jnp.int32(0))
                 + jnp.where(w3 == w2, jnp.int32(1), jnp.int32(0)))

        colidx = jnp.where(lanes < 4, lanes + 1, jnp.int32(0))

        def crow(w, slot):
            base = w * 16 + slot * 5
            vals = plsc.load_gather(xb, [base + colidx])

            def bc(off):
                return plsc.bitcast(
                    plsc.load_gather(
                        xb, [jnp.full((16,), base + off, jnp.int32)]),
                    jnp.float32)
            X1, Y1, X2, Y2 = bc(1), bc(2), bc(3), bc(4)
            return vals, X1, Y1, X2, Y2, (X2 - X1) * (Y2 - Y1)

        vals1, X11, Y11, X21, Y21, A1 = crow(w1, jnp.int32(0))
        vals2, X12, Y12, X22, Y22, A2 = crow(w2, slot2)
        vals3, X13, Y13, X23, Y23, A3 = crow(w3, slot3)

        def viou_ok(xa1, ya1, xa2, ya2, aa, xb1, yb1, xb2, yb2, ab):
            ix1 = jnp.maximum(xa1, xb1)
            iy1 = jnp.maximum(ya1, yb1)
            ix2 = jnp.minimum(xa2, xb2)
            iy2 = jnp.minimum(ya2, yb2)
            inter = (jnp.maximum(ix2 - ix1, jnp.float32(0.0))
                     * jnp.maximum(iy2 - iy1, jnp.float32(0.0)))
            iou = inter / (aa + ab - inter + jnp.float32(1e-8))
            return jnp.max(jnp.where(iou <= THRf, jnp.int32(1), jnp.int32(0)))

        ok12 = viou_ok(X11, Y11, X21, Y21, A1, X12, Y12, X22, Y22, A2)
        ok13 = viou_ok(X11, Y11, X21, Y21, A1, X13, Y13, X23, Y23, A3)
        ok23 = viou_ok(X12, Y12, X22, Y22, A2, X13, Y13, X23, Y23, A3)

        deg = c1 < 0
        deg = c1 < 0
        a2 = jnp.logical_and(jnp.logical_and(c2 >= 0, ok12 == 1),
                             jnp.logical_not(deg))
        a3 = jnp.logical_and(
            jnp.logical_and(jnp.logical_and(c3 >= 0, ok13 == 1),
                            jnp.logical_or(jnp.logical_not(a2), ok23 == 1)),
            jnp.logical_not(deg))
        a2i = jnp.where(a2, jnp.int32(1), jnp.int32(0))
        a3i = jnp.where(a3, jnp.int32(1), jnp.int32(0))

        def sup_body(r, c):
            s = pl.ds(r * 16, 16)
            xv1 = x1c[s]
            yv1 = y1c[s]
            xv2 = x2c[s]
            yv2 = y2c[s]
            av = ac[s]

            def viou(PX1, PY1, PX2, PY2, PA):
                xx1 = jnp.maximum(xv1, PX1)
                yy1 = jnp.maximum(yv1, PY1)
                xx2 = jnp.minimum(xv2, PX2)
                yy2 = jnp.minimum(yv2, PY2)
                inter = (jnp.maximum(xx2 - xx1, jnp.float32(0.0))
                         * jnp.maximum(yy2 - yy1, jnp.float32(0.0)))
                return inter / (PA + av - inter + jnp.float32(1e-8))

            s1 = viou(X11, Y11, X21, Y21, A1) > THRf
            s2 = jnp.logical_and(viou(X12, Y12, X22, Y22, A2) > THRf, a2)
            s3 = jnp.logical_and(viou(X13, Y13, X23, Y23, A3) > THRf, a3)
            sup = jnp.logical_or(s1, jnp.logical_or(s2, s3))
            kc[s] = jnp.where(sup, NEG, kc[s])
            return c
        lax.fori_loop(0, nvc, sup_body, jnp.int32(0))

        vals1f = jnp.where(deg, saved, vals1)
        saved = jnp.where(rnd == 0, vals1f, saved)
        i2 = outcnt + 1
        i3 = outcnt + 1 + a2i
        m1 = lanes < 5
        m2 = jnp.logical_and(m1, jnp.logical_and(a2, i2 < MAX_DET))
        m3 = jnp.logical_and(m1, jnp.logical_and(a3, i3 < MAX_DET))
        plsc.store_scatter(
            ov, [jnp.where(m1, outcnt * 5 + lanes, jnp.int32(0))],
            vals1f, mask=m1)
        plsc.store_scatter(
            ov, [jnp.where(m2, i2 * 5 + lanes, jnp.int32(0))], vals2, mask=m2)
        plsc.store_scatter(
            ov, [jnp.where(m3, i3 * 5 + lanes, jnp.int32(0))], vals3, mask=m3)
        return (outcnt + 1 + a2i + a3i, rnd + 1, saved)

    lax.while_loop(nms_cond, nms_step,
                   (jnp.int32(0), jnp.int32(0), jnp.zeros((16,), jnp.int32)))

    @pl.when(jnp.logical_and(cid == 0, sid == 0))
    def _write_out():
        pltpu.sync_copy(ov, outh)


_nms_sc = pl.kernel(_nms_body, **_KERNEL_KWARGS)


def kernel(boxes, scores):
    out = _nms_sc(boxes[:, 0], boxes[:, 1], boxes[:, 2], boxes[:, 3],
                  lax.bitcast_convert_type(scores, jnp.int32))
    return lax.bitcast_convert_type(out, jnp.float32).reshape(MAX_DET, 5)

# --- scband reference (transcript-rebuilt; emitter-appended) ---
"""Pipeline reference for scband-object-detection-performer-652835029534 (READ-ONLY COPY).

The authoritative reference and input builder live on the scoring server;
editing this copy changes nothing except your own understanding.
"""

import jax, jax.numpy as jnp
import numpy as np

N_BOXES = 20000
PRE_NMS_TOP_N = 2000   # rpn_pre_nms_top_n_train=2000
NMS_THRESH = 0.5       # box_nms_thresh=0.5
MAX_DET = 100          # box_detections_per_img=100
IMAGE_SIZE = 800.0


def setup_inputs(seed: int = 0) -> dict:
    key = jax.random.key(seed)
    k1, k2 = jax.random.split(key)
    raw = jax.random.uniform(k1, (N_BOXES, 4), dtype=jnp.float32)
    # build valid xyxy boxes inside an 800x800 image (positive width/height)
    xy = raw[:, :2] * (IMAGE_SIZE - 128.0)
    wh = raw[:, 2:] * 100.0 + 1.0
    boxes = jnp.concatenate([xy, xy + wh], axis=1)
    scores = jax.random.uniform(k2, (N_BOXES,), dtype=jnp.float32)
    return {"boxes": boxes, "scores": scores}


def _iou_one_vs_all(box, boxes):
    x1 = jnp.maximum(box[0], boxes[:, 0])
    y1 = jnp.maximum(box[1], boxes[:, 1])
    x2 = jnp.minimum(box[2], boxes[:, 2])
    y2 = jnp.minimum(box[3], boxes[:, 3])
    inter = jnp.clip(x2 - x1, 0.0) * jnp.clip(y2 - y1, 0.0)
    area1 = (box[2] - box[0]) * (box[3] - box[1])
    area2 = (boxes[:, 2] - boxes[:, 0]) * (boxes[:, 3] - boxes[:, 1])
    return inter / (area1 + area2 - inter + 1e-8)


def _nms_indices(boxes, scores, iou_thresh, max_det):
    # iterative greedy NMS producing `max_det` keep indices (torchvision nms semantics)
    def step(scores_m, _):
        idx = jnp.argmax(scores_m)
        ious = _iou_one_vs_all(boxes[idx], boxes)
        suppress = ious > iou_thresh
        scores_m = jnp.where(suppress, -jnp.inf, scores_m)
        scores_m = scores_m.at[idx].set(-jnp.inf)
        return scores_m, idx.astype(jnp.int32)
    _, keep = jax.lax.scan(step, scores, None, length=max_det)
    return keep


def reference(boxes, scores):
    # pre-NMS top-k filtering (filter_proposals in the RPN / RoI heads)
    vals, idx = jax.lax.top_k(scores, PRE_NMS_TOP_N)
    boxes_t = jnp.take(boxes, idx, axis=0)
    # greedy NMS; index selection is non-differentiable (as in torchvision.ops.nms)
    keep = _nms_indices(jax.lax.stop_gradient(boxes_t),
                        jax.lax.stop_gradient(vals),
                        NMS_THRESH, MAX_DET)
    kept_boxes = jnp.take(boxes_t, keep, axis=0)
    kept_scores = jnp.take(vals, keep, axis=0)
    # detections as [x1, y1, x2, y2, score]
    return jnp.concatenate([kept_boxes, kept_scores[:, None]], axis=1)

if __name__ == "__main__":
    import jax
    _d = setup_inputs()
    print(jax.jit(kernel)(*tuple(_d.values())))

</pallas_src>

<mosaic_0001>
#map = affine_map<(d0, d1) -> (0)>
module attributes {stable_mosaic.version = 14 : i64} {
  func.func @_nms_body(%arg0: i32, %arg1: i32, %arg2: memref<20000xf32, #tpu.memory_space<hbm>>, %arg3: memref<20000xf32, #tpu.memory_space<hbm>>, %arg4: memref<20000xf32, #tpu.memory_space<hbm>>, %arg5: memref<20000xf32, #tpu.memory_space<hbm>>, %arg6: memref<20000xi32, #tpu.memory_space<hbm>>, %arg7: memref<500xi32, #tpu.memory_space<hbm>>, %arg8: memref<1264xf32, #tpu.memory_space<vmem>>, %arg9: memref<1264xf32, #tpu.memory_space<vmem>>, %arg10: memref<1264xf32, #tpu.memory_space<vmem>>, %arg11: memref<1264xf32, #tpu.memory_space<vmem>>, %arg12: memref<1264xi32, #tpu.memory_space<vmem>>, %arg13: memref<1280xf32, #tpu.memory_space<vmem>>, %arg14: memref<1280xf32, #tpu.memory_space<vmem>>, %arg15: memref<1280xf32, #tpu.memory_space<vmem>>, %arg16: memref<1280xf32, #tpu.memory_space<vmem>>, %arg17: memref<1280xf32, #tpu.memory_space<vmem>>, %arg18: memref<1280xi32, #tpu.memory_space<vmem>>, %arg19: memref<16xi32, #tpu.memory_space<vmem>>, %arg20: memref<256xi32, #tpu.memory_space<vmem>>, %arg21: memref<500xi32, #tpu.memory_space<vmem>>, %arg22: memref<512xi32, #tpu.memory_space<vmem_shared>>, %arg23: memref<!tpu.dma_semaphore, #tpu.memory_space<semaphore_mem>>) attributes {dimension_semantics = [#tpu.dimension_semantics<core_parallel>, #tpu.dimension_semantics<subcore_parallel>], iteration_bounds = array<i64: 2, 16>, scalar_prefetch = 0 : i64, scratch_operands = 16 : i64, tpu.core_type = #tpu.core_type<sc_vector_subcore>, window_params = [{transform_indices = #map}, {transform_indices = #map}, {transform_indices = #map}, {transform_indices = #map}, {transform_indices = #map}, {transform_indices = #map}]} {
    %iota3A = tpu.iota {dimensions = array<i32: 0>} : vector<16xi32>
    %mul3A = arith.constant 1264 : i32
    %mul3A_0 = arith.muli %arg1, %mul3A : i32
    %scan3A = arith.constant 0 : i32
    %scan3A_1 = arith.constant 0 : i32
    %scan3A_2 = arith.constant 79 : i32
    %scan3A_3 = arith.addi %scan3A_1, %scan3A_2 : i32
    %scan3A_4 = arith.constant 1 : i32
    scf.for %scan3A_96 = %scan3A_1 to %scan3A_3 step %scan3A_4  : i32 {
      %broadcast_in_dim3A_97 = arith.constant -1 : i32
      %broadcast_in_dim3A_98 = vector.broadcast %broadcast_in_dim3A_97 : i32 to vector<16xi32>
      %mul3A_99 = arith.constant 16 : i32
      %mul3A_100 = arith.muli %scan3A_96, %mul3A_99 : i32
      %swap3A_101 = arith.index_cast %mul3A_100 : i32 to index
      %swap3A_102 = tpu.vector_load %arg12[%swap3A_101] {strides = array<i32>} : memref<1264xi32, #tpu.memory_space<vmem>>, vector<16xi32>,
      tpu.vector_store %arg12[%swap3A_101], %broadcast_in_dim3A_98 {strides = array<i32>} : memref<1264xi32, #tpu.memory_space<vmem>>, vector<16xi32>,
    }
    %scan3A_5 = arith.constant 79 : i32
    %lt3A = arith.constant 15 : i32
    %lt3A_6 = arith.cmpi slt, %arg1, %lt3A : i32
    %convert_element_type3A = arith.extui %lt3A_6 : i1 to i32
    %cond3A = arith.constant 0 : i32
    %cond3A_7 = arith.cmpi ne, %convert_element_type3A, %cond3A : i32
    scf.if %cond3A_7 {
      %dma_start3A = tpu.memref_slice %arg2[%mul3A_0] : memref<20000xf32, #tpu.memory_space<hbm>> -> memref<1264xf32, #tpu.memory_space<hbm>>
      %dma_start3A_96 = tpu.memref_slice %arg2[%mul3A_0] : memref<20000xf32, #tpu.memory_space<hbm>> -> memref<1264xf32, #tpu.memory_space<hbm>>
      tpu.enqueue_dma source(%dma_start3A_96 : memref<1264xf32, #tpu.memory_space<hbm>>) target(%arg8 : memref<1264xf32, #tpu.memory_space<vmem>>) target_semaphore(%arg23 : memref<!tpu.dma_semaphore, #tpu.memory_space<semaphore_mem>>)
      %dma_start3A_97 = tpu.memref_slice %arg3[%mul3A_0] : memref<20000xf32, #tpu.memory_space<hbm>> -> memref<1264xf32, #tpu.memory_space<hbm>>
      %dma_start3A_98 = tpu.memref_slice %arg3[%mul3A_0] : memref<20000xf32, #tpu.memory_space<hbm>> -> memref<1264xf32, #tpu.memory_space<hbm>>
      tpu.enqueue_dma source(%dma_start3A_98 : memref<1264xf32, #tpu.memory_space<hbm>>) target(%arg9 : memref<1264xf32, #tpu.memory_space<vmem>>) target_semaphore(%arg23 : memref<!tpu.dma_semaphore, #tpu.memory_space<semaphore_mem>>)
      %dma_start3A_99 = tpu.memref_slice %arg4[%mul3A_0] : memref<20000xf32, #tpu.memory_space<hbm>> -> memref<1264xf32, #tpu.memory_space<hbm>>
      %dma_start3A_100 = tpu.memref_slice %arg4[%mul3A_0] : memref<20000xf32, #tpu.memory_space<hbm>> -> memref<1264xf32, #tpu.memory_space<hbm>>
      tpu.enqueue_dma source(%dma_start3A_100 : memref<1264xf32, #tpu.memory_space<hbm>>) target(%arg10 : memref<1264xf32, #tpu.memory_space<vmem>>) target_semaphore(%arg23 : memref<!tpu.dma_semaphore, #tpu.memory_space<semaphore_mem>>)
      %dma_start3A_101 = tpu.memref_slice %arg5[%mul3A_0] : memref<20000xf32, #tpu.memory_space<hbm>> -> memref<1264xf32, #tpu.memory_space<hbm>>
      %dma_start3A_102 = tpu.memref_slice %arg5[%mul3A_0] : memref<20000xf32, #tpu.memory_space<hbm>> -> memref<1264xf32, #tpu.memory_space<hbm>>
      tpu.enqueue_dma source(%dma_start3A_102 : memref<1264xf32, #tpu.memory_space<hbm>>) target(%arg11 : memref<1264xf32, #tpu.memory_space<vmem>>) target_semaphore(%arg23 : memref<!tpu.dma_semaphore, #tpu.memory_space<semaphore_mem>>)
      %dma_start3A_103 = tpu.memref_slice %arg6[%mul3A_0] : memref<20000xi32, #tpu.memory_space<hbm>> -> memref<1264xi32, #tpu.memory_space<hbm>>
      %dma_start3A_104 = tpu.memref_slice %arg6[%mul3A_0] : memref<20000xi32, #tpu.memory_space<hbm>> -> memref<1264xi32, #tpu.memory_space<hbm>>
      tpu.enqueue_dma source(%dma_start3A_104 : memref<1264xi32, #tpu.memory_space<hbm>>) target(%arg12 : memref<1264xi32, #tpu.memory_space<vmem>>) target_semaphore(%arg23 : memref<!tpu.dma_semaphore, #tpu.memory_space<semaphore_mem>>)
      %dma_wait3A = tpu.memref_slice %arg2[%mul3A_0] : memref<20000xf32, #tpu.memory_space<hbm>> -> memref<1264xf32, #tpu.memory_space<hbm>>
      %dma_wait3A_105 = tpu.memref_slice %arg2[%mul3A_0] : memref<20000xf32, #tpu.memory_space<hbm>> -> memref<1264xf32, #tpu.memory_space<hbm>>
      tpu.wait_dma2 semaphore(%arg23 : memref<!tpu.dma_semaphore, #tpu.memory_space<semaphore_mem>>) src(%dma_wait3A_105 : memref<1264xf32, #tpu.memory_space<hbm>>) dst(%arg8 : memref<1264xf32, #tpu.memory_space<vmem>>)
      %dma_wait3A_106 = tpu.memref_slice %arg3[%mul3A_0] : memref<20000xf32, #tpu.memory_space<hbm>> -> memref<1264xf32, #tpu.memory_space<hbm>>
      %dma_wait3A_107 = tpu.memref_slice %arg3[%mul3A_0] : memref<20000xf32, #tpu.memory_space<hbm>> -> memref<1264xf32, #tpu.memory_space<hbm>>
      tpu.wait_dma2 semaphore(%arg23 : memref<!tpu.dma_semaphore, #tpu.memory_space<semaphore_mem>>) src(%dma_wait3A_107 : memref<1264xf32, #tpu.memory_space<hbm>>) dst(%arg9 : memref<1264xf32, #tpu.memory_space<vmem>>)
      %dma_wait3A_108 = tpu.memref_slice %arg4[%mul3A_0] : memref<20000xf32, #tpu.memory_space<hbm>> -> memref<1264xf32, #tpu.memory_space<hbm>>
      %dma_wait3A_109 = tpu.memref_slice %arg4[%mul3A_0] : memref<20000xf32, #tpu.memory_space<hbm>> -> memref<1264xf32, #tpu.memory_space<hbm>>
      tpu.wait_dma2 semaphore(%arg23 : memref<!tpu.dma_semaphore, #tpu.memory_space<semaphore_mem>>) src(%dma_wait3A_109 : memref<1264xf32, #tpu.memory_space<hbm>>) dst(%arg10 : memref<1264xf32, #tpu.memory_space<vmem>>)
      %dma_wait3A_110 = tpu.memref_slice %arg5[%mul3A_0] : memref<20000xf32, #tpu.memory_space<hbm>> -> memref<1264xf32, #tpu.memory_space<hbm>>
      %dma_wait3A_111 = tpu.memref_slice %arg5[%mul3A_0] : memref<20000xf32, #tpu.memory_space<hbm>> -> memref<1264xf32, #tpu.memory_space<hbm>>
      tpu.wait_dma2 semaphore(%arg23 : memref<!tpu.dma_semaphore, #tpu.memory_space<semaphore_mem>>) src(%dma_wait3A_111 : memref<1264xf32, #tpu.memory_space<hbm>>) dst(%arg11 : memref<1264xf32, #tpu.memory_space<vmem>>)
      %dma_wait3A_112 = tpu.memref_slice %arg6[%mul3A_0] : memref<20000xi32, #tpu.memory_space<hbm>> -> memref<1264xi32, #tpu.memory_space<hbm>>
      %dma_wait3A_113 = tpu.memref_slice %arg6[%mul3A_0] : memref<20000xi32, #tpu.memory_space<hbm>> -> memref<1264xi32, #tpu.memory_space<hbm>>
      tpu.wait_dma2 semaphore(%arg23 : memref<!tpu.dma_semaphore, #tpu.memory_space<semaphore_mem>>) src(%dma_wait3A_113 : memref<1264xi32, #tpu.memory_space<hbm>>) dst(%arg12 : memref<1264xi32, #tpu.memory_space<vmem>>)
    } else {
    }
    %eq3A = arith.constant 15 : i32
    %eq3A_8 = arith.cmpi eq, %arg1, %eq3A : i32
    %convert_element_type3A_9 = arith.extui %eq3A_8 : i1 to i32
    %cond3A_10 = arith.constant 0 : i32
    %cond3A_11 = arith.cmpi ne, %convert_element_type3A_9, %cond3A_10 : i32
    scf.if %cond3A_11 {
      %dma_start3A = arith.constant 0 : i32
      %dma_start3A_96 = tpu.memref_slice %arg8[%dma_start3A] : memref<1264xf32, #tpu.memory_space<vmem>> -> memref<1040xf32, #tpu.memory_space<vmem>>
      %dma_start3A_97 = tpu.memref_slice %arg2[%mul3A_0] : memref<20000xf32, #tpu.memory_space<hbm>> -> memref<1040xf32, #tpu.memory_space<hbm>>
      %dma_start3A_98 = arith.constant 0 : i32
      %dma_start3A_99 = tpu.memref_slice %arg8[%dma_start3A_98] : memref<1264xf32, #tpu.memory_space<vmem>> -> memref<1040xf32, #tpu.memory_space<vmem>>
      %dma_start3A_100 = tpu.memref_slice %arg2[%mul3A_0] : memref<20000xf32, #tpu.memory_space<hbm>> -> memref<1040xf32, #tpu.memory_space<hbm>>
      tpu.enqueue_dma source(%dma_start3A_100 : memref<1040xf32, #tpu.memory_space<hbm>>) target(%dma_start3A_99 : memref<1040xf32, #tpu.memory_space<vmem>>) target_semaphore(%arg23 : memref<!tpu.dma_semaphore, #tpu.memory_space<semaphore_mem>>)
      %dma_start3A_101 = arith.constant 0 : i32
      %dma_start3A_102 = tpu.memref_slice %arg9[%dma_start3A_101] : memref<1264xf32, #tpu.memory_space<vmem>> -> memref<1040xf32, #tpu.memory_space<vmem>>
      %dma_start3A_103 = tpu.memref_slice %arg3[%mul3A_0] : memref<20000xf32, #tpu.memory_space<hbm>> -> memref<1040xf32, #tpu.memory_space<hbm>>
      %dma_start3A_104 = arith.constant 0 : i32
      %dma_start3A_105 = tpu.memref_slice %arg9[%dma_start3A_104] : memref<1264xf32, #tpu.memory_space<vmem>> -> memref<1040xf32, #tpu.memory_space<vmem>>
      %dma_start3A_106 = tpu.memref_slice %arg3[%mul3A_0] : memref<20000xf32, #tpu.memory_space<hbm>> -> memref<1040xf32, #tpu.memory_space<hbm>>
      tpu.enqueue_dma source(%dma_start3A_106 : memref<1040xf32, #tpu.memory_space<hbm>>) target(%dma_start3A_105 : memref<1040xf32, #tpu.memory_space<vmem>>) target_semaphore(%arg23 : memref<!tpu.dma_semaphore, #tpu.memory_space<semaphore_mem>>)
      %dma_start3A_107 = arith.constant 0 : i32
      %dma_start3A_108 = tpu.memref_slice %arg10[%dma_start3A_107] : memref<1264xf32, #tpu.memory_space<vmem>> -> memref<1040xf32, #tpu.memory_space<vmem>>
      %dma_start3A_109 = tpu.memref_slice %arg4[%mul3A_0] : memref<20000xf32, #tpu.memory_space<hbm>> -> memref<1040xf32, #tpu.memory_space<hbm>>
      %dma_start3A_110 = arith.constant 0 : i32
      %dma_start3A_111 = tpu.memref_slice %arg10[%dma_start3A_110] : memref<1264xf32, #tpu.memory_space<vmem>> -> memref<1040xf32, #tpu.memory_space<vmem>>
      %dma_start3A_112 = tpu.memref_slice %arg4[%mul3A_0] : memref<20000xf32, #tpu.memory_space<hbm>> -> memref<1040xf32, #tpu.memory_space<hbm>>
      tpu.enqueue_dma source(%dma_start3A_112 : memref<1040xf32, #tpu.memory_space<hbm>>) target(%dma_start3A_111 : memref<1040xf32, #tpu.memory_space<vmem>>) target_semaphore(%arg23 : memref<!tpu.dma_semaphore, #tpu.memory_space<semaphore_mem>>)
      %dma_start3A_113 = arith.constant 0 : i32
      %dma_start3A_114 = tpu.memref_slice %arg11[%dma_start3A_113] : memref<1264xf32, #tpu.memory_space<vmem>> -> memref<1040xf32, #tpu.memory_space<vmem>>
      %dma_start3A_115 = tpu.memref_slice %arg5[%mul3A_0] : memref<20000xf32, #tpu.memory_space<hbm>> -> memref<1040xf32, #tpu.memory_space<hbm>>
      %dma_start3A_116 = arith.constant 0 : i32
      %dma_start3A_117 = tpu.memref_slice %arg11[%dma_start3A_116] : memref<1264xf32, #tpu.memory_space<vmem>> -> memref<1040xf32, #tpu.memory_space<vmem>>
      %dma_start3A_118 = tpu.memref_slice %arg5[%mul3A_0] : memref<20000xf32, #tpu.memory_space<hbm>> -> memref<1040xf32, #tpu.memory_space<hbm>>
      tpu.enqueue_dma source(%dma_start3A_118 : memref<1040xf32, #tpu.memory_space<hbm>>) target(%dma_start3A_117 : memref<1040xf32, #tpu.memory_space<vmem>>) target_semaphore(%arg23 : memref<!tpu.dma_semaphore, #tpu.memory_space<semaphore_mem>>)
      %dma_start3A_119 = arith.constant 0 : i32
      %dma_start3A_120 = tpu.memref_slice %arg12[%dma_start3A_119] : memref<1264xi32, #tpu.memory_space<vmem>> -> memref<1040xi32, #tpu.memory_space<vmem>>
      %dma_start3A_121 = tpu.memref_slice %arg6[%mul3A_0] : memref<20000xi32, #tpu.memory_space<hbm>> -> memref<1040xi32, #tpu.memory_space<hbm>>
      %dma_start3A_122 = arith.constant 0 : i32
      %dma_start3A_123 = tpu.memref_slice %arg12[%dma_start3A_122] : memref<1264xi32, #tpu.memory_space<vmem>> -> memref<1040xi32, #tpu.memory_space<vmem>>
      %dma_start3A_124 = tpu.memref_slice %arg6[%mul3A_0] : memref<20000xi32, #tpu.memory_space<hbm>> -> memref<1040xi32, #tpu.memory_space<hbm>>
      tpu.enqueue_dma source(%dma_start3A_124 : memref<1040xi32, #tpu.memory_space<hbm>>) target(%dma_start3A_123 : memref<1040xi32, #tpu.memory_space<vmem>>) target_semaphore(%arg23 : memref<!tpu.dma_semaphore, #tpu.memory_space<semaphore_mem>>)
      %dma_wait3A = arith.constant 0 : i32
      %dma_wait3A_125 = tpu.memref_slice %arg8[%dma_wait3A] : memref<1264xf32, #tpu.memory_space<vmem>> -> memref<1040xf32, #tpu.memory_space<vmem>>
      %dma_wait3A_126 = tpu.memref_slice %arg2[%mul3A_0] : memref<20000xf32, #tpu.memory_space<hbm>> -> memref<1040xf32, #tpu.memory_space<hbm>>
      %dma_wait3A_127 = arith.constant 0 : i32
      %dma_wait3A_128 = tpu.memref_slice %arg8[%dma_wait3A_127] : memref<1264xf32, #tpu.memory_space<vmem>> -> memref<1040xf32, #tpu.memory_space<vmem>>
      %dma_wait3A_129 = tpu.memref_slice %arg2[%mul3A_0] : memref<20000xf32, #tpu.memory_space<hbm>> -> memref<1040xf32, #tpu.memory_space<hbm>>
      tpu.wait_dma2 semaphore(%arg23 : memref<!tpu.dma_semaphore, #tpu.memory_space<semaphore_mem>>) src(%dma_wait3A_129 : memref<1040xf32, #tpu.memory_space<hbm>>) dst(%dma_wait3A_128 : memref<1040xf32, #tpu.memory_space<vmem>>)
      %dma_wait3A_130 = arith.constant 0 : i32
      %dma_wait3A_131 = tpu.memref_slice %arg9[%dma_wait3A_130] : memref<1264xf32, #tpu.memory_space<vmem>> -> memref<1040xf32, #tpu.memory_space<vmem>>
      %dma_wait3A_132 = tpu.memref_slice %arg3[%mul3A_0] : memref<20000xf32, #tpu.memory_space<hbm>> -> memref<1040xf32, #tpu.memory_space<hbm>>
      %dma_wait3A_133 = arith.constant 0 : i32
      %dma_wait3A_134 = tpu.memref_slice %arg9[%dma_wait3A_133] : memref<1264xf32, #tpu.memory_space<vmem>> -> memref<1040xf32, #tpu.memory_space<vmem>>
      %dma_wait3A_135 = tpu.memref_slice %arg3[%mul3A_0] : memref<20000xf32, #tpu.memory_space<hbm>> -> memref<1040xf32, #tpu.memory_space<hbm>>
      tpu.wait_dma2 semaphore(%arg23 : memref<!tpu.dma_semaphore, #tpu.memory_space<semaphore_mem>>) src(%dma_wait3A_135 : memref<1040xf32, #tpu.memory_space<hbm>>) dst(%dma_wait3A_134 : memref<1040xf32, #tpu.memory_space<vmem>>)
      %dma_wait3A_136 = arith.constant 0 : i32
      %dma_wait3A_137 = tpu.memref_slice %arg10[%dma_wait3A_136] : memref<1264xf32, #tpu.memory_space<vmem>> -> memref<1040xf32, #tpu.memory_space<vmem>>
      %dma_wait3A_138 = tpu.memref_slice %arg4[%mul3A_0] : memref<20000xf32, #tpu.memory_space<hbm>> -> memref<1040xf32, #tpu.memory_space<hbm>>
      %dma_wait3A_139 = arith.constant 0 : i32
      %dma_wait3A_140 = tpu.memref_slice %arg10[%dma_wait3A_139] : memref<1264xf32, #tpu.memory_space<vmem>> -> memref<1040xf32, #tpu.memory_space<vmem>>
      %dma_wait3A_141 = tpu.memref_slice %arg4[%mul3A_0] : memref<20000xf32, #tpu.memory_space<hbm>> -> memref<1040xf32, #tpu.memory_space<hbm>>
      tpu.wait_dma2 semaphore(%arg23 : memref<!tpu.dma_semaphore, #tpu.memory_space<semaphore_mem>>) src(%dma_wait3A_141 : memref<1040xf32, #tpu.memory_space<hbm>>) dst(%dma_wait3A_140 : memref<1040xf32, #tpu.memory_space<vmem>>)
      %dma_wait3A_142 = arith.constant 0 : i32
      %dma_wait3A_143 = tpu.memref_slice %arg11[%dma_wait3A_142] : memref<1264xf32, #tpu.memory_space<vmem>> -> memref<1040xf32, #tpu.memory_space<vmem>>
      %dma_wait3A_144 = tpu.memref_slice %arg5[%mul3A_0] : memref<20000xf32, #tpu.memory_space<hbm>> -> memref<1040xf32, #tpu.memory_space<hbm>>
      %dma_wait3A_145 = arith.constant 0 : i32
      %dma_wait3A_146 = tpu.memref_slice %arg11[%dma_wait3A_145] : memref<1264xf32, #tpu.memory_space<vmem>> -> memref<1040xf32, #tpu.memory_space<vmem>>
      %dma_wait3A_147 = tpu.memref_slice %arg5[%mul3A_0] : memref<20000xf32, #tpu.memory_space<hbm>> -> memref<1040xf32, #tpu.memory_space<hbm>>
      tpu.wait_dma2 semaphore(%arg23 : memref<!tpu.dma_semaphore, #tpu.memory_space<semaphore_mem>>) src(%dma_wait3A_147 : memref<1040xf32, #tpu.memory_space<hbm>>) dst(%dma_wait3A_146 : memref<1040xf32, #tpu.memory_space<vmem>>)
      %dma_wait3A_148 = arith.constant 0 : i32
      %dma_wait3A_149 = tpu.memref_slice %arg12[%dma_wait3A_148] : memref<1264xi32, #tpu.memory_space<vmem>> -> memref<1040xi32, #tpu.memory_space<vmem>>
      %dma_wait3A_150 = tpu.memref_slice %arg6[%mul3A_0] : memref<20000xi32, #tpu.memory_space<hbm>> -> memref<1040xi32, #tpu.memory_space<hbm>>
      %dma_wait3A_151 = arith.constant 0 : i32
      %dma_wait3A_152 = tpu.memref_slice %arg12[%dma_wait3A_151] : memref<1264xi32, #tpu.memory_space<vmem>> -> memref<1040xi32, #tpu.memory_space<vmem>>
      %dma_wait3A_153 = tpu.memref_slice %arg6[%mul3A_0] : memref<20000xi32, #tpu.memory_space<hbm>> -> memref<1040xi32, #tpu.memory_space<hbm>>
      tpu.wait_dma2 semaphore(%arg23 : memref<!tpu.dma_semaphore, #tpu.memory_space<semaphore_mem>>) src(%dma_wait3A_153 : memref<1040xi32, #tpu.memory_space<hbm>>) dst(%dma_wait3A_152 : memref<1040xi32, #tpu.memory_space<vmem>>)
    } else {
    }
    %scan3A_12 = arith.constant 0 : i32
    %scan3A_13 = arith.constant 1065353216 : i32
    %scan3A_14 = arith.constant 0 : i32
    %scan3A_15 = arith.constant 12 : i32
    %scan3A_16 = arith.addi %scan3A_14, %scan3A_15 : i32
    %scan3A_17 = arith.constant 1 : i32
    %scan3A_18:2 = scf.for %scan3A_96 = %scan3A_14 to %scan3A_16 step %scan3A_17 iter_args(%scan3A_97 = %scan3A_12, %scan3A_98 = %scan3A_13) -> (i32, i32)  : i32 {
      %sub3A_99 = arith.subi %scan3A_98, %scan3A_97 : i32
      %shift_right_arithmetic3A_100 = arith.constant 3 : i32
      %shift_right_arithmetic3A_101 = arith.shrsi %sub3A_99, %shift_right_arithmetic3A_100 : i32
      %max3A_102 = arith.constant 1 : i32
      %max3A_103 = arith.maxsi %shift_right_arithmetic3A_101, %max3A_102 : i32
      %mul3A_104 = arith.constant 1 : i32
      %mul3A_105 = arith.muli %max3A_103, %mul3A_104 : i32
      %add3A_106 = arith.addi %scan3A_97, %mul3A_105 : i32
      %mul3A_107 = arith.constant 2 : i32
      %mul3A_108 = arith.muli %max3A_103, %mul3A_107 : i32
      %add3A_109 = arith.addi %scan3A_97, %mul3A_108 : i32
      %mul3A_110 = arith.constant 3 : i32
      %mul3A_111 = arith.muli %max3A_103, %mul3A_110 : i32
      %add3A_112 = arith.addi %scan3A_97, %mul3A_111 : i32
      %mul3A_113 = arith.constant 4 : i32
      %mul3A_114 = arith.muli %max3A_103, %mul3A_113 : i32
      %add3A_115 = arith.addi %scan3A_97, %mul3A_114 : i32
      %mul3A_116 = arith.constant 5 : i32
      %mul3A_117 = arith.muli %max3A_103, %mul3A_116 : i32
      %add3A_118 = arith.addi %scan3A_97, %mul3A_117 : i32
      %mul3A_119 = arith.constant 6 : i32
      %mul3A_120 = arith.muli %max3A_103, %mul3A_119 : i32
      %add3A_121 = arith.addi %scan3A_97, %mul3A_120 : i32
      %mul3A_122 = arith.constant 7 : i32
      %mul3A_123 = arith.muli %max3A_103, %mul3A_122 : i32
      %add3A_124 = arith.addi %scan3A_97, %mul3A_123 : i32
      %broadcast_in_dim3A_125 = arith.constant 0 : i32
      %broadcast_in_dim3A_126 = vector.broadcast %broadcast_in_dim3A_125 : i32 to vector<16xi32>
      %broadcast_in_dim3A_127 = arith.constant 0 : i32
      %broadcast_in_dim3A_128 = vector.broadcast %broadcast_in_dim3A_127 : i32 to vector<16xi32>
      %broadcast_in_dim3A_129 = arith.constant 0 : i32
      %broadcast_in_dim3A_130 = vector.broadcast %broadcast_in_dim3A_129 : i32 to vector<16xi32>
      %broadcast_in_dim3A_131 = arith.constant 0 : i32
      %broadcast_in_dim3A_132 = vector.broadcast %broadcast_in_dim3A_131 : i32 to vector<16xi32>
      %broadcast_in_dim3A_133 = arith.constant 0 : i32
      %broadcast_in_dim3A_134 = vector.broadcast %broadcast_in_dim3A_133 : i32 to vector<16xi32>
      %broadcast_in_dim3A_135 = arith.constant 0 : i32
      %broadcast_in_dim3A_136 = vector.broadcast %broadcast_in_dim3A_135 : i32 to vector<16xi32>
      %broadcast_in_dim3A_137 = arith.constant 0 : i32
      %broadcast_in_dim3A_138 = vector.broadcast %broadcast_in_dim3A_137 : i32 to vector<16xi32>
      %scan3A_139 = arith.constant 0 : i32
      %scan3A_140 = arith.constant 79 : i32
      %scan3A_141 = arith.addi %scan3A_139, %scan3A_140 : i32
      %scan3A_142 = arith.constant 1 : i32
      %scan3A_143:7 = scf.for %scan3A_338 = %scan3A_139 to %scan3A_141 step %scan3A_142 iter_args(%scan3A_339 = %broadcast_in_dim3A_126, %scan3A_340 = %broadcast_in_dim3A_128, %scan3A_341 = %broadcast_in_dim3A_130, %scan3A_342 = %broadcast_in_dim3A_132, %scan3A_343 = %broadcast_in_dim3A_134, %scan3A_344 = %broadcast_in_dim3A_136, %scan3A_345 = %broadcast_in_dim3A_138) -> (vector<16xi32>, vector<16xi32>, vector<16xi32>, vector<16xi32>, vector<16xi32>, vector<16xi32>, vector<16xi32>)  : i32 {
        %mul3A_346 = arith.constant 16 : i32
        %mul3A_347 = arith.muli %scan3A_338, %mul3A_346 : i32
        %get3A = arith.index_cast %mul3A_347 : i32 to index
        %get3A_348 = tpu.vector_load %arg12[%get3A] {strides = array<i32>} : memref<1264xi32, #tpu.memory_space<vmem>>, vector<16xi32>,
        %ge3A_349 = vector.broadcast %add3A_106 : i32 to vector<16xi32>
        %ge3A_350 = arith.cmpi sge, %get3A_348, %ge3A_349 : vector<16xi32>
        %jit3A_351 = arith.constant 1 : i32
        %jit3A_352 = arith.constant 0 : i32
        %broadcast_in_dim3A_353 = vector.broadcast %jit3A_351 : i32 to vector<16xi32>
        %broadcast_in_dim3A_354 = vector.broadcast %jit3A_352 : i32 to vector<16xi32>
        %select_n3A_355 = arith.select %ge3A_350, %broadcast_in_dim3A_353, %broadcast_in_dim3A_354 : vector<16xi1>, vector<16xi32>
        %add3A_356 = arith.addi %scan3A_339, %select_n3A_355 : vector<16xi32>
        %ge3A_357 = vector.broadcast %add3A_109 : i32 to vector<16xi32>
        %ge3A_358 = arith.cmpi sge, %get3A_348, %ge3A_357 : vector<16xi32>
        %jit3A_359 = arith.constant 1 : i32
        %jit3A_360 = arith.constant 0 : i32
        %broadcast_in_dim3A_361 = vector.broadcast %jit3A_359 : i32 to vector<16xi32>
        %broadcast_in_dim3A_362 = vector.broadcast %jit3A_360 : i32 to vector<16xi32>
        %select_n3A_363 = arith.select %ge3A_358, %broadcast_in_dim3A_361, %broadcast_in_dim3A_362 : vector<16xi1>, vector<16xi32>
        %add3A_364 = arith.addi %scan3A_340, %select_n3A_363 : vector<16xi32>
        %ge3A_365 = vector.broadcast %add3A_112 : i32 to vector<16xi32>
        %ge3A_366 = arith.cmpi sge, %get3A_348, %ge3A_365 : vector<16xi32>
        %jit3A_367 = arith.constant 1 : i32
        %jit3A_368 = arith.constant 0 : i32
        %broadcast_in_dim3A_369 = vector.broadcast %jit3A_367 : i32 to vector<16xi32>
        %broadcast_in_dim3A_370 = vector.broadcast %jit3A_368 : i32 to vector<16xi32>
        %select_n3A_371 = arith.select %ge3A_366, %broadcast_in_dim3A_369, %broadcast_in_dim3A_370 : vector<16xi1>, vector<16xi32>
        %add3A_372 = arith.addi %scan3A_341, %select_n3A_371 : vector<16xi32>
        %ge3A_373 = vector.broadcast %add3A_115 : i32 to vector<16xi32>
        %ge3A_374 = arith.cmpi sge, %get3A_348, %ge3A_373 : vector<16xi32>
        %jit3A_375 = arith.constant 1 : i32
        %jit3A_376 = arith.constant 0 : i32
        %broadcast_in_dim3A_377 = vector.broadcast %jit3A_375 : i32 to vector<16xi32>
        %broadcast_in_dim3A_378 = vector.broadcast %jit3A_376 : i32 to vector<16xi32>
        %select_n3A_379 = arith.select %ge3A_374, %broadcast_in_dim3A_377, %broadcast_in_dim3A_378 : vector<16xi1>, vector<16xi32>
        %add3A_380 = arith.addi %scan3A_342, %select_n3A_379 : vector<16xi32>
        %ge3A_381 = vector.broadcast %add3A_118 : i32 to vector<16xi32>
        %ge3A_382 = arith.cmpi sge, %get3A_348, %ge3A_381 : vector<16xi32>
        %jit3A_383 = arith.constant 1 : i32
        %jit3A_384 = arith.constant 0 : i32
        %broadcast_in_dim3A_385 = vector.broadcast %jit3A_383 : i32 to vector<16xi32>
        %broadcast_in_dim3A_386 = vector.broadcast %jit3A_384 : i32 to vector<16xi32>
        %select_n3A_387 = arith.select %ge3A_382, %broadcast_in_dim3A_385, %broadcast_in_dim3A_386 : vector<16xi1>, vector<16xi32>
        %add3A_388 = arith.addi %scan3A_343, %select_n3A_387 : vector<16xi32>
        %ge3A_389 = vector.broadcast %add3A_121 : i32 to vector<16xi32>
        %ge3A_390 = arith.cmpi sge, %get3A_348, %ge3A_389 : vector<16xi32>
        %jit3A_391 = arith.constant 1 : i32
        %jit3A_392 = arith.constant 0 : i32
        %broadcast_in_dim3A_393 = vector.broadcast %jit3A_391 : i32 to vector<16xi32>
        %broadcast_in_dim3A_394 = vector.broadcast %jit3A_392 : i32 to vector<16xi32>
        %select_n3A_395 = arith.select %ge3A_390, %broadcast_in_dim3A_393, %broadcast_in_dim3A_394 : vector<16xi1>, vector<16xi32>
        %add3A_396 = arith.addi %scan3A_344, %select_n3A_395 : vector<16xi32>
        %ge3A_397 = vector.broadcast %add3A_124 : i32 to vector<16xi32>
        %ge3A_398 = arith.cmpi sge, %get3A_348, %ge3A_397 : vector<16xi32>
        %jit3A_399 = arith.constant 1 : i32
        %jit3A_400 = arith.constant 0 : i32
        %broadcast_in_dim3A_401 = vector.broadcast %jit3A_399 : i32 to vector<16xi32>
        %broadcast_in_dim3A_402 = vector.broadcast %jit3A_400 : i32 to vector<16xi32>
        %select_n3A_403 = arith.select %ge3A_398, %broadcast_in_dim3A_401, %broadcast_in_dim3A_402 : vector<16xi1>, vector<16xi32>
        %add3A_404 = arith.addi %scan3A_345, %select_n3A_403 : vector<16xi32>
        scf.yield %add3A_356, %add3A_364, %add3A_372, %add3A_380, %add3A_388, %add3A_396, %add3A_404 : vector<16xi32>, vector<16xi32>, vector<16xi32>, vector<16xi32>, vector<16xi32>, vector<16xi32>, vector<16xi32>
      }
      %scan3A_144 = arith.constant 79 : i32
      %broadcast_in_dim3A_145 = arith.constant 0 : i32
      %broadcast_in_dim3A_146 = vector.broadcast %broadcast_in_dim3A_145 : i32 to vector<16xi32>
      %eq3A_147 = arith.constant 0 : i32
      %eq3A_148 = vector.broadcast %eq3A_147 : i32 to vector<16xi32>
      %eq3A_149 = arith.cmpi eq, %iota3A, %eq3A_148 : vector<16xi32>
      %reduce_sum3A_150 = arith.constant true
      %reduce_sum3A_151 = vector.broadcast %reduce_sum3A_150 : i1 to vector<16xi1>
      %reduce_sum3A_152 = tpu.scan <sum>, %scan3A_143#0 masked %reduce_sum3A_151 : vector<16xi32>, vector<16xi1> -> vector<16xi32>
      %reduce_sum3A_153 = vector.extract %reduce_sum3A_152[15] : i32 from vector<16xi32>
      %broadcast_in_dim3A_154 = vector.broadcast %reduce_sum3A_153 : i32 to vector<16xi32>
      %select_n3A_155 = arith.select %eq3A_149, %broadcast_in_dim3A_154, %broadcast_in_dim3A_146 : vector<16xi1>, vector<16xi32>
      %eq3A_156 = arith.constant 1 : i32
      %eq3A_157 = vector.broadcast %eq3A_156 : i32 to vector<16xi32>
      %eq3A_158 = arith.cmpi eq, %iota3A, %eq3A_157 : vector<16xi32>
      %reduce_sum3A_159 = arith.constant true
      %reduce_sum3A_160 = vector.broadcast %reduce_sum3A_159 : i1 to vector<16xi1>
      %reduce_sum3A_161 = tpu.scan <sum>, %scan3A_143#1 masked %reduce_sum3A_160 : vector<16xi32>, vector<16xi1> -> vector<16xi32>
      %reduce_sum3A_162 = vector.extract %reduce_sum3A_161[15] : i32 from vector<16xi32>
      %broadcast_in_dim3A_163 = vector.broadcast %reduce_sum3A_162 : i32 to vector<16xi32>
      %select_n3A_164 = arith.select %eq3A_158, %broadcast_in_dim3A_163, %select_n3A_155 : vector<16xi1>, vector<16xi32>
      %eq3A_165 = arith.constant 2 : i32
      %eq3A_166 = vector.broadcast %eq3A_165 : i32 to vector<16xi32>
      %eq3A_167 = arith.cmpi eq, %iota3A, %eq3A_166 : vector<16xi32>
      %reduce_sum3A_168 = arith.constant true
      %reduce_sum3A_169 = vector.broadcast %reduce_sum3A_168 : i1 to vector<16xi1>
      %reduce_sum3A_170 = tpu.scan <sum>, %scan3A_143#2 masked %reduce_sum3A_169 : vector<16xi32>, vector<16xi1> -> vector<16xi32>
      %reduce_sum3A_171 = vector.extract %reduce_sum3A_170[15] : i32 from vector<16xi32>
      %broadcast_in_dim3A_172 = vector.broadcast %reduce_sum3A_171 : i32 to vector<16xi32>
      %select_n3A_173 = arith.select %eq3A_167, %broadcast_in_dim3A_172, %select_n3A_164 : vector<16xi1>, vector<16xi32>
      %eq3A_174 = arith.constant 3 : i32
      %eq3A_175 = vector.broadcast %eq3A_174 : i32 to vector<16xi32>
      %eq3A_176 = arith.cmpi eq, %iota3A, %eq3A_175 : vector<16xi32>
      %reduce_sum3A_177 = arith.constant true
      %reduce_sum3A_178 = vector.broadcast %reduce_sum3A_177 : i1 to vector<16xi1>
      %reduce_sum3A_179 = tpu.scan <sum>, %scan3A_143#3 masked %reduce_sum3A_178 : vector<16xi32>, vector<16xi1> -> vector<16xi32>
      %reduce_sum3A_180 = vector.extract %reduce_sum3A_179[15] : i32 from vector<16xi32>
      %broadcast_in_dim3A_181 = vector.broadcast %reduce_sum3A_180 : i32 to vector<16xi32>
      %select_n3A_182 = arith.select %eq3A_176, %broadcast_in_dim3A_181, %select_n3A_173 : vector<16xi1>, vector<16xi32>
      %eq3A_183 = arith.constant 4 : i32
      %eq3A_184 = vector.broadcast %eq3A_183 : i32 to vector<16xi32>
      %eq3A_185 = arith.cmpi eq, %iota3A, %eq3A_184 : vector<16xi32>
      %reduce_sum3A_186 = arith.constant true
      %reduce_sum3A_187 = vector.broadcast %reduce_sum3A_186 : i1 to vector<16xi1>
      %reduce_sum3A_188 = tpu.scan <sum>, %scan3A_143#4 masked %reduce_sum3A_187 : vector<16xi32>, vector<16xi1> -> vector<16xi32>
      %reduce_sum3A_189 = vector.extract %reduce_sum3A_188[15] : i32 from vector<16xi32>
      %broadcast_in_dim3A_190 = vector.broadcast %reduce_sum3A_189 : i32 to vector<16xi32>
      %select_n3A_191 = arith.select %eq3A_185, %broadcast_in_dim3A_190, %select_n3A_182 : vector<16xi1>, vector<16xi32>
      %eq3A_192 = arith.constant 5 : i32
      %eq3A_193 = vector.broadcast %eq3A_192 : i32 to vector<16xi32>
      %eq3A_194 = arith.cmpi eq, %iota3A, %eq3A_193 : vector<16xi32>
      %reduce_sum3A_195 = arith.constant true
      %reduce_sum3A_196 = vector.broadcast %reduce_sum3A_195 : i1 to vector<16xi1>
      %reduce_sum3A_197 = tpu.scan <sum>, %scan3A_143#5 masked %reduce_sum3A_196 : vector<16xi32>, vector<16xi1> -> vector<16xi32>
      %reduce_sum3A_198 = vector.extract %reduce_sum3A_197[15] : i32 from vector<16xi32>
      %broadcast_in_dim3A_199 = vector.broadcast %reduce_sum3A_198 : i32 to vector<16xi32>
      %select_n3A_200 = arith.select %eq3A_194, %broadcast_in_dim3A_199, %select_n3A_191 : vector<16xi1>, vector<16xi32>
      %eq3A_201 = arith.constant 6 : i32
      %eq3A_202 = vector.broadcast %eq3A_201 : i32 to vector<16xi32>
      %eq3A_203 = arith.cmpi eq, %iota3A, %eq3A_202 : vector<16xi32>
      %reduce_sum3A_204 = arith.constant true
      %reduce_sum3A_205 = vector.broadcast %reduce_sum3A_204 : i1 to vector<16xi1>
      %reduce_sum3A_206 = tpu.scan <sum>, %scan3A_143#6 masked %reduce_sum3A_205 : vector<16xi32>, vector<16xi1> -> vector<16xi32>
      %reduce_sum3A_207 = vector.extract %reduce_sum3A_206[15] : i32 from vector<16xi32>
      %broadcast_in_dim3A_208 = vector.broadcast %reduce_sum3A_207 : i32 to vector<16xi32>
      %select_n3A_209 = arith.select %eq3A_203, %broadcast_in_dim3A_208, %select_n3A_200 : vector<16xi1>, vector<16xi32>
      %swap3A_210 = arith.constant 0 : index
      %swap3A_211 = tpu.vector_load %arg19[%swap3A_210] {strides = array<i32>} : memref<16xi32, #tpu.memory_space<vmem>>, vector<16xi32>,
      tpu.vector_store %arg19[%swap3A_210], %select_n3A_209 {strides = array<i32>} : memref<16xi32, #tpu.memory_space<vmem>>, vector<16xi32>,
      %and3A_212 = arith.constant 1 : i32
      %and3A_213 = arith.andi %scan3A_96, %and3A_212 : i32
      %mul3A_214 = arith.constant 256 : i32
      %mul3A_215 = arith.muli %and3A_213, %mul3A_214 : i32
      %mul3A_216 = arith.constant 16 : i32
      %mul3A_217 = arith.muli %arg1, %mul3A_216 : i32
      %add3A_218 = arith.addi %mul3A_215, %mul3A_217 : i32
      "tpu.region"() ({
        %run_scoped3A = tpu.sem_alloc : memref<!tpu.dma_semaphore, #tpu.memory_space<semaphore_mem>>
        %dma_start3A = tpu.memref_slice %arg22[%add3A_218] : memref<512xi32, #tpu.memory_space<vmem_shared>> -> memref<16xi32, #tpu.memory_space<vmem_shared>>
        %dma_start3A_338 = tpu.memref_slice %arg22[%add3A_218] : memref<512xi32, #tpu.memory_space<vmem_shared>> -> memref<16xi32, #tpu.memory_space<vmem_shared>>
        tpu.enqueue_dma source(%arg19 : memref<16xi32, #tpu.memory_space<vmem>>) target(%dma_start3A_338 : memref<16xi32, #tpu.memory_space<vmem_shared>>) target_semaphore(%run_scoped3A : memref<!tpu.dma_semaphore, #tpu.memory_space<semaphore_mem>>)
        %dma_wait3A = tpu.memref_slice %arg22[%add3A_218] : memref<512xi32, #tpu.memory_space<vmem_shared>> -> memref<16xi32, #tpu.memory_space<vmem_shared>>
        %dma_wait3A_339 = tpu.memref_slice %arg22[%add3A_218] : memref<512xi32, #tpu.memory_space<vmem_shared>> -> memref<16xi32, #tpu.memory_space<vmem_shared>>
        tpu.wait_dma2 semaphore(%run_scoped3A : memref<!tpu.dma_semaphore, #tpu.memory_space<semaphore_mem>>) src(%arg19 : memref<16xi32, #tpu.memory_space<vmem>>) dst(%dma_wait3A_339 : memref<16xi32, #tpu.memory_space<vmem_shared>>)
        tpu.yield
      }) : () -> ()
      %barrier3A_219 = arith.constant 0 : index
      tpu.barrier barrier_id(%barrier3A_219)
      "tpu.region"() ({
        %run_scoped3A = tpu.sem_alloc : memref<!tpu.dma_semaphore, #tpu.memory_space<semaphore_mem>>
        %dma_start3A = tpu.memref_slice %arg22[%mul3A_215] : memref<512xi32, #tpu.memory_space<vmem_shared>> -> memref<256xi32, #tpu.memory_space<vmem_shared>>
        %dma_start3A_338 = tpu.memref_slice %arg22[%mul3A_215] : memref<512xi32, #tpu.memory_space<vmem_shared>> -> memref<256xi32, #tpu.memory_space<vmem_shared>>
        tpu.enqueue_dma source(%dma_start3A_338 : memref<256xi32, #tpu.memory_space<vmem_shared>>) target(%arg20 : memref<256xi32, #tpu.memory_space<vmem>>) target_semaphore(%run_scoped3A : memref<!tpu.dma_semaphore, #tpu.memory_space<semaphore_mem>>)
        %dma_wait3A = tpu.memref_slice %arg22[%mul3A_215] : memref<512xi32, #tpu.memory_space<vmem_shared>> -> memref<256xi32, #tpu.memory_space<vmem_shared>>
        %dma_wait3A_339 = tpu.memref_slice %arg22[%mul3A_215] : memref<512xi32, #tpu.memory_space<vmem_shared>> -> memref<256xi32, #tpu.memory_space<vmem_shared>>
        tpu.wait_dma2 semaphore(%run_scoped3A : memref<!tpu.dma_semaphore, #tpu.memory_space<semaphore_mem>>) src(%dma_wait3A_339 : memref<256xi32, #tpu.memory_space<vmem_shared>>) dst(%arg20 : memref<256xi32, #tpu.memory_space<vmem>>)
        tpu.yield
      }) : () -> ()
      %mul3A_220 = arith.constant 16 : i32
      %mul3A_221 = vector.broadcast %mul3A_220 : i32 to vector<16xi32>
      %mul3A_222 = arith.muli %iota3A, %mul3A_221 : vector<16xi32>
      %add3A_223 = arith.constant 0 : i32
      %add3A_224 = vector.broadcast %add3A_223 : i32 to vector<16xi32>
      %add3A_225 = arith.addi %mul3A_222, %add3A_224 : vector<16xi32>
      %gather3A_226 = tpu.vector_load_idx %arg20[%add3A_225] : memref<256xi32, #tpu.memory_space<vmem>>[vector<16xi32>], vector<16xi32>,
      %reduce_sum3A_227 = arith.constant true
      %reduce_sum3A_228 = vector.broadcast %reduce_sum3A_227 : i1 to vector<16xi1>
      %reduce_sum3A_229 = tpu.scan <sum>, %gather3A_226 masked %reduce_sum3A_228 : vector<16xi32>, vector<16xi1> -> vector<16xi32>
      %reduce_sum3A_230 = vector.extract %reduce_sum3A_229[15] : i32 from vector<16xi32>
      %mul3A_231 = arith.constant 16 : i32
      %mul3A_232 = vector.broadcast %mul3A_231 : i32 to vector<16xi32>
      %mul3A_233 = arith.muli %iota3A, %mul3A_232 : vector<16xi32>
      %add3A_234 = arith.constant 1 : i32
      %add3A_235 = vector.broadcast %add3A_234 : i32 to vector<16xi32>
      %add3A_236 = arith.addi %mul3A_233, %add3A_235 : vector<16xi32>
      %gather3A_237 = tpu.vector_load_idx %arg20[%add3A_236] : memref<256xi32, #tpu.memory_space<vmem>>[vector<16xi32>], vector<16xi32>,
      %reduce_sum3A_238 = arith.constant true
      %reduce_sum3A_239 = vector.broadcast %reduce_sum3A_238 : i1 to vector<16xi1>
      %reduce_sum3A_240 = tpu.scan <sum>, %gather3A_237 masked %reduce_sum3A_239 : vector<16xi32>, vector<16xi1> -> vector<16xi32>
      %reduce_sum3A_241 = vector.extract %reduce_sum3A_240[15] : i32 from vector<16xi32>
      %mul3A_242 = arith.constant 16 : i32
      %mul3A_243 = vector.broadcast %mul3A_242 : i32 to vector<16xi32>
      %mul3A_244 = arith.muli %iota3A, %mul3A_243 : vector<16xi32>
      %add3A_245 = arith.constant 2 : i32
      %add3A_246 = vector.broadcast %add3A_245 : i32 to vector<16xi32>
      %add3A_247 = arith.addi %mul3A_244, %add3A_246 : vector<16xi32>
      %gather3A_248 = tpu.vector_load_idx %arg20[%add3A_247] : memref<256xi32, #tpu.memory_space<vmem>>[vector<16xi32>], vector<16xi32>,
      %reduce_sum3A_249 = arith.constant true
      %reduce_sum3A_250 = vector.broadcast %reduce_sum3A_249 : i1 to vector<16xi1>
      %reduce_sum3A_251 = tpu.scan <sum>, %gather3A_248 masked %reduce_sum3A_250 : vector<16xi32>, vector<16xi1> -> vector<16xi32>
      %reduce_sum3A_252 = vector.extract %reduce_sum3A_251[15] : i32 from vector<16xi32>
      %mul3A_253 = arith.constant 16 : i32
      %mul3A_254 = vector.broadcast %mul3A_253 : i32 to vector<16xi32>
      %mul3A_255 = arith.muli %iota3A, %mul3A_254 : vector<16xi32>
      %add3A_256 = arith.constant 3 : i32
      %add3A_257 = vector.broadcast %add3A_256 : i32 to vector<16xi32>
      %add3A_258 = arith.addi %mul3A_255, %add3A_257 : vector<16xi32>
      %gather3A_259 = tpu.vector_load_idx %arg20[%add3A_258] : memref<256xi32, #tpu.memory_space<vmem>>[vector<16xi32>], vector<16xi32>,
      %reduce_sum3A_260 = arith.constant true
      %reduce_sum3A_261 = vector.broadcast %reduce_sum3A_260 : i1 to vector<16xi1>
      %reduce_sum3A_262 = tpu.scan <sum>, %gather3A_259 masked %reduce_sum3A_261 : vector<16xi32>, vector<16xi1> -> vector<16xi32>
      %reduce_sum3A_263 = vector.extract %reduce_sum3A_262[15] : i32 from vector<16xi32>
      %mul3A_264 = arith.constant 16 : i32
      %mul3A_265 = vector.broadcast %mul3A_264 : i32 to vector<16xi32>
      %mul3A_266 = arith.muli %iota3A, %mul3A_265 : vector<16xi32>
      %add3A_267 = arith.constant 4 : i32
      %add3A_268 = vector.broadcast %add3A_267 : i32 to vector<16xi32>
      %add3A_269 = arith.addi %mul3A_266, %add3A_268 : vector<16xi32>
      %gather3A_270 = tpu.vector_load_idx %arg20[%add3A_269] : memref<256xi32, #tpu.memory_space<vmem>>[vector<16xi32>], vector<16xi32>,
      %reduce_sum3A_271 = arith.constant true
      %reduce_sum3A_272 = vector.broadcast %reduce_sum3A_271 : i1 to vector<16xi1>
      %reduce_sum3A_273 = tpu.scan <sum>, %gather3A_270 masked %reduce_sum3A_272 : vector<16xi32>, vector<16xi1> -> vector<16xi32>
      %reduce_sum3A_274 = vector.extract %reduce_sum3A_273[15] : i32 from vector<16xi32>
      %mul3A_275 = arith.constant 16 : i32
      %mul3A_276 = vector.broadcast %mul3A_275 : i32 to vector<16xi32>
      %mul3A_277 = arith.muli %iota3A, %mul3A_276 : vector<16xi32>
      %add3A_278 = arith.constant 5 : i32
      %add3A_279 = vector.broadcast %add3A_278 : i32 to vector<16xi32>
      %add3A_280 = arith.addi %mul3A_277, %add3A_279 : vector<16xi32>
      %gather3A_281 = tpu.vector_load_idx %arg20[%add3A_280] : memref<256xi32, #tpu.memory_space<vmem>>[vector<16xi32>], vector<16xi32>,
      %reduce_sum3A_282 = arith.constant true
      %reduce_sum3A_283 = vector.broadcast %reduce_sum3A_282 : i1 to vector<16xi1>
      %reduce_sum3A_284 = tpu.scan <sum>, %gather3A_281 masked %reduce_sum3A_283 : vector<16xi32>, vector<16xi1> -> vector<16xi32>
      %reduce_sum3A_285 = vector.extract %reduce_sum3A_284[15] : i32 from vector<16xi32>
      %mul3A_286 = arith.constant 16 : i32
      %mul3A_287 = vector.broadcast %mul3A_286 : i32 to vector<16xi32>
      %mul3A_288 = arith.muli %iota3A, %mul3A_287 : vector<16xi32>
      %add3A_289 = arith.constant 6 : i32
      %add3A_290 = vector.broadcast %add3A_289 : i32 to vector<16xi32>
      %add3A_291 = arith.addi %mul3A_288, %add3A_290 : vector<16xi32>
      %gather3A_292 = tpu.vector_load_idx %arg20[%add3A_291] : memref<256xi32, #tpu.memory_space<vmem>>[vector<16xi32>], vector<16xi32>,
      %reduce_sum3A_293 = arith.constant true
      %reduce_sum3A_294 = vector.broadcast %reduce_sum3A_293 : i1 to vector<16xi1>
      %reduce_sum3A_295 = tpu.scan <sum>, %gather3A_292 masked %reduce_sum3A_294 : vector<16xi32>, vector<16xi1> -> vector<16xi32>
      %reduce_sum3A_296 = vector.extract %reduce_sum3A_295[15] : i32 from vector<16xi32>
      %ge3A = arith.constant 2000 : i32
      %ge3A_297 = arith.cmpi sge, %reduce_sum3A_230, %ge3A : i32
      %select_n3A_298 = arith.select %ge3A_297, %add3A_106, %scan3A_97 : i32
      %ge3A_299 = arith.constant 2000 : i32
      %ge3A_300 = arith.cmpi sge, %reduce_sum3A_241, %ge3A_299 : i32
      %select_n3A_301 = arith.select %ge3A_300, %add3A_109, %select_n3A_298 : i32
      %ge3A_302 = arith.constant 2000 : i32
      %ge3A_303 = arith.cmpi sge, %reduce_sum3A_252, %ge3A_302 : i32
      %select_n3A_304 = arith.select %ge3A_303, %add3A_112, %select_n3A_301 : i32
      %ge3A_305 = arith.constant 2000 : i32
      %ge3A_306 = arith.cmpi sge, %reduce_sum3A_263, %ge3A_305 : i32
      %select_n3A_307 = arith.select %ge3A_306, %add3A_115, %select_n3A_304 : i32
      %ge3A_308 = arith.constant 2000 : i32
      %ge3A_309 = arith.cmpi sge, %reduce_sum3A_274, %ge3A_308 : i32
      %select_n3A_310 = arith.select %ge3A_309, %add3A_118, %select_n3A_307 : i32
      %ge3A_311 = arith.constant 2000 : i32
      %ge3A_312 = arith.cmpi sge, %reduce_sum3A_285, %ge3A_311 : i32
      %select_n3A_313 = arith.select %ge3A_312, %add3A_121, %select_n3A_310 : i32
      %ge3A_314 = arith.constant 2000 : i32
      %ge3A_315 = arith.cmpi sge, %reduce_sum3A_296, %ge3A_314 : i32
      %select_n3A_316 = arith.select %ge3A_315, %add3A_124, %select_n3A_313 : i32
      %lt3A_317 = arith.constant 2000 : i32
      %lt3A_318 = arith.cmpi slt, %reduce_sum3A_296, %lt3A_317 : i32
      %select_n3A_319 = arith.select %lt3A_318, %add3A_124, %scan3A_98 : i32
      %lt3A_320 = arith.constant 2000 : i32
      %lt3A_321 = arith.cmpi slt, %reduce_sum3A_285, %lt3A_320 : i32
      %select_n3A_322 = arith.select %lt3A_321, %add3A_121, %select_n3A_319 : i32
      %lt3A_323 = arith.constant 2000 : i32
      %lt3A_324 = arith.cmpi slt, %reduce_sum3A_274, %lt3A_323 : i32
      %select_n3A_325 = arith.select %lt3A_324, %add3A_118, %select_n3A_322 : i32
      %lt3A_326 = arith.constant 2000 : i32
      %lt3A_327 = arith.cmpi slt, %reduce_sum3A_263, %lt3A_326 : i32
      %select_n3A_328 = arith.select %lt3A_327, %add3A_115, %select_n3A_325 : i32
      %lt3A_329 = arith.constant 2000 : i32
      %lt3A_330 = arith.cmpi slt, %reduce_sum3A_252, %lt3A_329 : i32
      %select_n3A_331 = arith.select %lt3A_330, %add3A_112, %select_n3A_328 : i32
      %lt3A_332 = arith.constant 2000 : i32
      %lt3A_333 = arith.cmpi slt, %reduce_sum3A_241, %lt3A_332 : i32
      %select_n3A_334 = arith.select %lt3A_333, %add3A_109, %select_n3A_331 : i32
      %lt3A_335 = arith.constant 2000 : i32
      %lt3A_336 = arith.cmpi slt, %reduce_sum3A_230, %lt3A_335 : i32
      %select_n3A_337 = arith.select %lt3A_336, %add3A_106, %select_n3A_334 : i32
      scf.yield %select_n3A_316, %select_n3A_337 : i32, i32
    }
    %scan3A_19 = arith.constant 12 : i32
    %scan3A_20 = arith.constant 0 : i32
    %scan3A_21 = arith.constant 0 : i32
    %scan3A_22 = arith.constant 0 : i32
    %scan3A_23 = arith.constant 79 : i32
    %scan3A_24 = arith.addi %scan3A_22, %scan3A_23 : i32
    %scan3A_25 = arith.constant 1 : i32
    %scan3A_26:2 = scf.for %scan3A_96 = %scan3A_22 to %scan3A_24 step %scan3A_25 iter_args(%scan3A_97 = %scan3A_20, %scan3A_98 = %scan3A_21) -> (i32, i32)  : i32 {
      %mul3A_99 = arith.constant 16 : i32
      %mul3A_100 = arith.muli %scan3A_96, %mul3A_99 : i32
      %get3A = arith.index_cast %mul3A_100 : i32 to index
      %get3A_101 = tpu.vector_load %arg12[%get3A] {strides = array<i32>} : memref<1264xi32, #tpu.memory_space<vmem>>, vector<16xi32>,
      %gt3A = vector.broadcast %scan3A_18#0 : i32 to vector<16xi32>
      %gt3A_102 = arith.cmpi sgt, %get3A_101, %gt3A : vector<16xi32>
      %jit3A_103 = arith.constant 1 : i32
      %jit3A_104 = arith.constant 0 : i32
      %broadcast_in_dim3A_105 = vector.broadcast %jit3A_103 : i32 to vector<16xi32>
      %broadcast_in_dim3A_106 = vector.broadcast %jit3A_104 : i32 to vector<16xi32>
      %select_n3A_107 = arith.select %gt3A_102, %broadcast_in_dim3A_105, %broadcast_in_dim3A_106 : vector<16xi1>, vector<16xi32>
      %reduce_sum3A_108 = arith.constant true
      %reduce_sum3A_109 = vector.broadcast %reduce_sum3A_108 : i1 to vector<16xi1>
      %reduce_sum3A_110 = tpu.scan <sum>, %select_n3A_107 masked %reduce_sum3A_109 : vector<16xi32>, vector<16xi1> -> vector<16xi32>
      %reduce_sum3A_111 = vector.extract %reduce_sum3A_110[15] : i32 from vector<16xi32>
      %add3A_112 = arith.addi %scan3A_97, %reduce_sum3A_111 : i32
      %eq3A_113 = vector.broadcast %scan3A_18#0 : i32 to vector<16xi32>
      %eq3A_114 = arith.cmpi eq, %get3A_101, %eq3A_113 : vector<16xi32>
      %jit3A_115 = arith.constant 1 : i32
      %jit3A_116 = arith.constant 0 : i32
      %broadcast_in_dim3A_117 = vector.broadcast %jit3A_115 : i32 to vector<16xi32>
      %broadcast_in_dim3A_118 = vector.broadcast %jit3A_116 : i32 to vector<16xi32>
      %select_n3A_119 = arith.select %eq3A_114, %broadcast_in_dim3A_117, %broadcast_in_dim3A_118 : vector<16xi1>, vector<16xi32>
      %reduce_sum3A_120 = arith.constant true
      %reduce_sum3A_121 = vector.broadcast %reduce_sum3A_120 : i1 to vector<16xi1>
      %reduce_sum3A_122 = tpu.scan <sum>, %select_n3A_119 masked %reduce_sum3A_121 : vector<16xi32>, vector<16xi1> -> vector<16xi32>
      %reduce_sum3A_123 = vector.extract %reduce_sum3A_122[15] : i32 from vector<16xi32>
      %add3A_124 = arith.addi %scan3A_98, %reduce_sum3A_123 : i32
      scf.yield %add3A_112, %add3A_124 : i32, i32
    }
    %scan3A_27 = arith.constant 79 : i32
    %eq3A_28 = arith.constant 0 : i32
    %eq3A_29 = vector.broadcast %eq3A_28 : i32 to vector<16xi32>
    %eq3A_30 = arith.cmpi eq, %iota3A, %eq3A_29 : vector<16xi32>
    %eq3A_31 = arith.constant 1 : i32
    %eq3A_32 = vector.broadcast %eq3A_31 : i32 to vector<16xi32>
    %eq3A_33 = arith.cmpi eq, %iota3A, %eq3A_32 : vector<16xi32>
    %jit3A = arith.constant 0 : i32
    %broadcast_in_dim3A = vector.broadcast %scan3A_26#1 : i32 to vector<16xi32>
    %broadcast_in_dim3A_34 = vector.broadcast %jit3A : i32 to vector<16xi32>
    %select_n3A = arith.select %eq3A_33, %broadcast_in_dim3A, %broadcast_in_dim3A_34 : vector<16xi1>, vector<16xi32>
    %broadcast_in_dim3A_35 = vector.broadcast %scan3A_26#0 : i32 to vector<16xi32>
    %select_n3A_36 = arith.select %eq3A_30, %broadcast_in_dim3A_35, %select_n3A : vector<16xi1>, vector<16xi32>
    %swap3A = arith.constant 0 : index
    %swap3A_37 = tpu.vector_load %arg19[%swap3A] {strides = array<i32>} : memref<16xi32, #tpu.memory_space<vmem>>, vector<16xi32>,
    tpu.vector_store %arg19[%swap3A], %select_n3A_36 {strides = array<i32>} : memref<16xi32, #tpu.memory_space<vmem>>, vector<16xi32>,
    %mul3A_38 = arith.constant 16 : i32
    %mul3A_39 = arith.muli %arg1, %mul3A_38 : i32
    %add3A = arith.constant 0 : i32
    %add3A_40 = arith.addi %add3A, %mul3A_39 : i32
    "tpu.region"() ({
      %run_scoped3A = tpu.sem_alloc : memref<!tpu.dma_semaphore, #tpu.memory_space<semaphore_mem>>
      %dma_start3A = tpu.memref_slice %arg22[%add3A_40] : memref<512xi32, #tpu.memory_space<vmem_shared>> -> memref<16xi32, #tpu.memory_space<vmem_shared>>
      %dma_start3A_96 = tpu.memref_slice %arg22[%add3A_40] : memref<512xi32, #tpu.memory_space<vmem_shared>> -> memref<16xi32, #tpu.memory_space<vmem_shared>>
      tpu.enqueue_dma source(%arg19 : memref<16xi32, #tpu.memory_space<vmem>>) target(%dma_start3A_96 : memref<16xi32, #tpu.memory_space<vmem_shared>>) target_semaphore(%run_scoped3A : memref<!tpu.dma_semaphore, #tpu.memory_space<semaphore_mem>>)
      %dma_wait3A = tpu.memref_slice %arg22[%add3A_40] : memref<512xi32, #tpu.memory_space<vmem_shared>> -> memref<16xi32, #tpu.memory_space<vmem_shared>>
      %dma_wait3A_97 = tpu.memref_slice %arg22[%add3A_40] : memref<512xi32, #tpu.memory_space<vmem_shared>> -> memref<16xi32, #tpu.memory_space<vmem_shared>>
      tpu.wait_dma2 semaphore(%run_scoped3A : memref<!tpu.dma_semaphore, #tpu.memory_space<semaphore_mem>>) src(%arg19 : memref<16xi32, #tpu.memory_space<vmem>>) dst(%dma_wait3A_97 : memref<16xi32, #tpu.memory_space<vmem_shared>>)
      tpu.yield
    }) : () -> ()
    %barrier3A = arith.constant 0 : index
    tpu.barrier barrier_id(%barrier3A)
    "tpu.region"() ({
      %run_scoped3A = tpu.sem_alloc : memref<!tpu.dma_semaphore, #tpu.memory_space<semaphore_mem>>
      %dma_start3A = arith.constant 0 : i32
      %dma_start3A_96 = tpu.memref_slice %arg22[%dma_start3A] : memref<512xi32, #tpu.memory_space<vmem_shared>> -> memref<256xi32, #tpu.memory_space<vmem_shared>>
      %dma_start3A_97 = arith.constant 0 : i32
      %dma_start3A_98 = tpu.memref_slice %arg22[%dma_start3A_97] : memref<512xi32, #tpu.memory_space<vmem_shared>> -> memref<256xi32, #tpu.memory_space<vmem_shared>>
      tpu.enqueue_dma source(%dma_start3A_98 : memref<256xi32, #tpu.memory_space<vmem_shared>>) target(%arg20 : memref<256xi32, #tpu.memory_space<vmem>>) target_semaphore(%run_scoped3A : memref<!tpu.dma_semaphore, #tpu.memory_space<semaphore_mem>>)
      %dma_wait3A = arith.constant 0 : i32
      %dma_wait3A_99 = tpu.memref_slice %arg22[%dma_wait3A] : memref<512xi32, #tpu.memory_space<vmem_shared>> -> memref<256xi32, #tpu.memory_space<vmem_shared>>
      %dma_wait3A_100 = arith.constant 0 : i32
      %dma_wait3A_101 = tpu.memref_slice %arg22[%dma_wait3A_100] : memref<512xi32, #tpu.memory_space<vmem_shared>> -> memref<256xi32, #tpu.memory_space<vmem_shared>>
      tpu.wait_dma2 semaphore(%run_scoped3A : memref<!tpu.dma_semaphore, #tpu.memory_space<semaphore_mem>>) src(%dma_wait3A_101 : memref<256xi32, #tpu.memory_space<vmem_shared>>) dst(%arg20 : memref<256xi32, #tpu.memory_space<vmem>>)
      tpu.yield
    }) : () -> ()
    %mul3A_41 = arith.constant 16 : i32
    %mul3A_42 = vector.broadcast %mul3A_41 : i32 to vector<16xi32>
    %mul3A_43 = arith.muli %iota3A, %mul3A_42 : vector<16xi32>
    %gather3A = tpu.vector_load_idx %arg20[%mul3A_43] : memref<256xi32, #tpu.memory_space<vmem>>[vector<16xi32>], vector<16xi32>,
    %mul3A_44 = arith.constant 16 : i32
    %mul3A_45 = vector.broadcast %mul3A_44 : i32 to vector<16xi32>
    %mul3A_46 = arith.muli %iota3A, %mul3A_45 : vector<16xi32>
    %add3A_47 = arith.constant 1 : i32
    %add3A_48 = vector.broadcast %add3A_47 : i32 to vector<16xi32>
    %add3A_49 = arith.addi %mul3A_46, %add3A_48 : vector<16xi32>
    %gather3A_50 = tpu.vector_load_idx %arg20[%add3A_49] : memref<256xi32, #tpu.memory_space<vmem>>[vector<16xi32>], vector<16xi32>,
    %reduce_sum3A = arith.constant true
    %reduce_sum3A_51 = vector.broadcast %reduce_sum3A : i1 to vector<16xi1>
    %reduce_sum3A_52 = tpu.scan <sum>, %gather3A masked %reduce_sum3A_51 : vector<16xi32>, vector<16xi1> -> vector<16xi32>
    %reduce_sum3A_53 = vector.extract %reduce_sum3A_52[15] : i32 from vector<16xi32>
    %sub3A = arith.constant 2000 : i32
    %sub3A_54 = arith.subi %sub3A, %reduce_sum3A_53 : i32
    %lt3A_55 = vector.broadcast %arg1 : i32 to vector<16xi32>
    %lt3A_56 = arith.cmpi slt, %iota3A, %lt3A_55 : vector<16xi32>
    %jit3A_57 = arith.constant 0 : i32
    %broadcast_in_dim3A_58 = vector.broadcast %jit3A_57 : i32 to vector<16xi32>
    %select_n3A_59 = arith.select %lt3A_56, %gather3A_50, %broadcast_in_dim3A_58 : vector<16xi1>, vector<16xi32>
    %reduce_sum3A_60 = arith.constant true
    %reduce_sum3A_61 = vector.broadcast %reduce_sum3A_60 : i1 to vector<16xi1>
    %reduce_sum3A_62 = tpu.scan <sum>, %select_n3A_59 masked %reduce_sum3A_61 : vector<16xi32>, vector<16xi1> -> vector<16xi32>
    %reduce_sum3A_63 = vector.extract %reduce_sum3A_62[15] : i32 from vector<16xi32>
    %broadcast_in_dim3A_64 = arith.constant 0.000000e+00 : f32
    %broadcast_in_dim3A_65 = vector.broadcast %broadcast_in_dim3A_64 : f32 to vector<16xf32>
    %scan3A_66 = arith.constant 0 : i32
    %scan3A_67 = arith.constant 0 : i32
    %scan3A_68 = arith.constant 80 : i32
    %scan3A_69 = arith.addi %scan3A_67, %scan3A_68 : i32
    %scan3A_70 = arith.constant 1 : i32
    scf.for %scan3A_96 = %scan3A_67 to %scan3A_69 step %scan3A_70  : i32 {
      %mul3A_97 = arith.constant 16 : i32
      %mul3A_98 = arith.muli %scan3A_96, %mul3A_97 : i32
      %broadcast_in_dim3A_99 = arith.constant -1 : i32
      %broadcast_in_dim3A_100 = vector.broadcast %broadcast_in_dim3A_99 : i32 to vector<16xi32>
      %swap3A_101 = arith.index_cast %mul3A_98 : i32 to index
      %swap3A_102 = tpu.vector_load %arg18[%swap3A_101] {strides = array<i32>} : memref<1280xi32, #tpu.memory_space<vmem>>, vector<16xi32>,
      tpu.vector_store %arg18[%swap3A_101], %broadcast_in_dim3A_100 {strides = array<i32>} : memref<1280xi32, #tpu.memory_space<vmem>>, vector<16xi32>,
      %swap3A_103 = arith.index_cast %mul3A_98 : i32 to index
      %swap3A_104 = tpu.vector_load %arg13[%swap3A_103] {strides = array<i32>} : memref<1280xf32, #tpu.memory_space<vmem>>, vector<16xf32>,
      tpu.vector_store %arg13[%swap3A_103], %broadcast_in_dim3A_65 {strides = array<i32>} : memref<1280xf32, #tpu.memory_space<vmem>>, vector<16xf32>,
      %swap3A_105 = arith.index_cast %mul3A_98 : i32 to index
      %swap3A_106 = tpu.vector_load %arg14[%swap3A_105] {strides = array<i32>} : memref<1280xf32, #tpu.memory_space<vmem>>, vector<16xf32>,
      tpu.vector_store %arg14[%swap3A_105], %broadcast_in_dim3A_65 {strides = array<i32>} : memref<1280xf32, #tpu.memory_space<vmem>>, vector<16xf32>,
      %swap3A_107 = arith.index_cast %mul3A_98 : i32 to index
      %swap3A_108 = tpu.vector_load %arg15[%swap3A_107] {strides = array<i32>} : memref<1280xf32, #tpu.memory_space<vmem>>, vector<16xf32>,
      tpu.vector_store %arg15[%swap3A_107], %broadcast_in_dim3A_65 {strides = array<i32>} : memref<1280xf32, #tpu.memory_space<vmem>>, vector<16xf32>,
      %swap3A_109 = arith.index_cast %mul3A_98 : i32 to index
      %swap3A_110 = tpu.vector_load %arg16[%swap3A_109] {strides = array<i32>} : memref<1280xf32, #tpu.memory_space<vmem>>, vector<16xf32>,
      tpu.vector_store %arg16[%swap3A_109], %broadcast_in_dim3A_65 {strides = array<i32>} : memref<1280xf32, #tpu.memory_space<vmem>>, vector<16xf32>,
      %swap3A_111 = arith.index_cast %mul3A_98 : i32 to index
      %swap3A_112 = tpu.vector_load %arg17[%swap3A_111] {strides = array<i32>} : memref<1280xf32, #tpu.memory_space<vmem>>, vector<16xf32>,
      tpu.vector_store %arg17[%swap3A_111], %broadcast_in_dim3A_65 {strides = array<i32>} : memref<1280xf32, #tpu.memory_space<vmem>>, vector<16xf32>,
    }
    %scan3A_71 = arith.constant 80 : i32
    %scan3A_72 = arith.constant 0 : i32
    %scan3A_73 = arith.constant 0 : i32
    %scan3A_74 = arith.constant 0 : i32
    %scan3A_75 = arith.constant 79 : i32
    %scan3A_76 = arith.addi %scan3A_74, %scan3A_75 : i32
    %scan3A_77 = arith.constant 1 : i32
    %scan3A_78:2 = scf.for %scan3A_96 = %scan3A_74 to %scan3A_76 step %scan3A_77 iter_args(%scan3A_97 = %scan3A_72, %scan3A_98 = %scan3A_73) -> (i32, i32)  : i32 {
      %mul3A_99 = arith.constant 16 : i32
      %mul3A_100 = arith.muli %scan3A_96, %mul3A_99 : i32
      %get3A = arith.index_cast %mul3A_100 : i32 to index
      %get3A_101 = tpu.vector_load %arg12[%get3A] {strides = array<i32>} : memref<1264xi32, #tpu.memory_space<vmem>>, vector<16xi32>,
      %eq3A_102 = vector.broadcast %scan3A_18#0 : i32 to vector<16xi32>
      %eq3A_103 = arith.cmpi eq, %get3A_101, %eq3A_102 : vector<16xi32>
      %jit3A_104 = arith.constant 1 : i32
      %jit3A_105 = arith.constant 0 : i32
      %broadcast_in_dim3A_106 = vector.broadcast %jit3A_104 : i32 to vector<16xi32>
      %broadcast_in_dim3A_107 = vector.broadcast %jit3A_105 : i32 to vector<16xi32>
      %select_n3A_108 = arith.select %eq3A_103, %broadcast_in_dim3A_106, %broadcast_in_dim3A_107 : vector<16xi1>, vector<16xi32>
      %add3A_109 = arith.addi %reduce_sum3A_63, %scan3A_98 : i32
      %broadcast_in_dim3A_110 = arith.constant true
      %broadcast_in_dim3A_111 = vector.broadcast %broadcast_in_dim3A_110 : i1 to vector<16xi1>
      %masked_cumsum3A = tpu.scan <sum>, %select_n3A_108 masked %broadcast_in_dim3A_111 : vector<16xi32>, vector<16xi1> -> vector<16xi32>
      %sub3A_112 = arith.subi %masked_cumsum3A, %select_n3A_108 : vector<16xi32>
      %add3A_113 = vector.broadcast %add3A_109 : i32 to vector<16xi32>
      %add3A_114 = arith.addi %add3A_113, %sub3A_112 : vector<16xi32>
      %gt3A = vector.broadcast %scan3A_18#0 : i32 to vector<16xi32>
      %gt3A_115 = arith.cmpi sgt, %get3A_101, %gt3A : vector<16xi32>
      %lt3A_116 = vector.broadcast %sub3A_54 : i32 to vector<16xi32>
      %lt3A_117 = arith.cmpi slt, %add3A_114, %lt3A_116 : vector<16xi32>
      %and3A_118 = arith.andi %eq3A_103, %lt3A_117 : vector<16xi1>
      %or3A = arith.ori %gt3A_115, %and3A_118 : vector<16xi1>
      %jit3A_119 = arith.constant 1 : i32
      %jit3A_120 = arith.constant 0 : i32
      %broadcast_in_dim3A_121 = vector.broadcast %jit3A_119 : i32 to vector<16xi32>
      %broadcast_in_dim3A_122 = vector.broadcast %jit3A_120 : i32 to vector<16xi32>
      %select_n3A_123 = arith.select %or3A, %broadcast_in_dim3A_121, %broadcast_in_dim3A_122 : vector<16xi1>, vector<16xi32>
      %broadcast_in_dim3A_124 = arith.constant true
      %broadcast_in_dim3A_125 = vector.broadcast %broadcast_in_dim3A_124 : i1 to vector<16xi1>
      %masked_cumsum3A_126 = tpu.scan <sum>, %select_n3A_123 masked %broadcast_in_dim3A_125 : vector<16xi32>, vector<16xi1> -> vector<16xi32>
      %add3A_127 = vector.broadcast %scan3A_97 : i32 to vector<16xi32>
      %add3A_128 = arith.addi %add3A_127, %masked_cumsum3A_126 : vector<16xi32>
      %sub3A_129 = arith.subi %add3A_128, %select_n3A_123 : vector<16xi32>
      %get3A_130 = arith.index_cast %mul3A_100 : i32 to index
      %get3A_131 = tpu.vector_load %arg8[%get3A_130] {strides = array<i32>} : memref<1264xf32, #tpu.memory_space<vmem>>, vector<16xf32>,
      %get3A_132 = arith.index_cast %mul3A_100 : i32 to index
      %get3A_133 = tpu.vector_load %arg9[%get3A_132] {strides = array<i32>} : memref<1264xf32, #tpu.memory_space<vmem>>, vector<16xf32>,
      %get3A_134 = arith.index_cast %mul3A_100 : i32 to index
      %get3A_135 = tpu.vector_load %arg10[%get3A_134] {strides = array<i32>} : memref<1264xf32, #tpu.memory_space<vmem>>, vector<16xf32>,
      %get3A_136 = arith.index_cast %mul3A_100 : i32 to index
      %get3A_137 = tpu.vector_load %arg11[%get3A_136] {strides = array<i32>} : memref<1264xf32, #tpu.memory_space<vmem>>, vector<16xf32>,
      tpu.vector_store_idx %arg18[%sub3A_129], %get3A_101 masked %or3A : memref<1280xi32, #tpu.memory_space<vmem>>[vector<16xi32>], vector<16xi32>, vector<16xi1>
      tpu.vector_store_idx %arg13[%sub3A_129], %get3A_131 masked %or3A : memref<1280xf32, #tpu.memory_space<vmem>>[vector<16xi32>], vector<16xf32>, vector<16xi1>
      tpu.vector_store_idx %arg14[%sub3A_129], %get3A_133 masked %or3A : memref<1280xf32, #tpu.memory_space<vmem>>[vector<16xi32>], vector<16xf32>, vector<16xi1>
      tpu.vector_store_idx %arg15[%sub3A_129], %get3A_135 masked %or3A : memref<1280xf32, #tpu.memory_space<vmem>>[vector<16xi32>], vector<16xf32>, vector<16xi1>
      tpu.vector_store_idx %arg16[%sub3A_129], %get3A_137 masked %or3A : memref<1280xf32, #tpu.memory_space<vmem>>[vector<16xi32>], vector<16xf32>, vector<16xi1>
      %sub3A_138 = arith.subf %get3A_135, %get3A_131 : vector<16xf32>
      %sub3A_139 = arith.subf %get3A_137, %get3A_133 : vector<16xf32>
      %mul3A_140 = arith.mulf %sub3A_138, %sub3A_139 : vector<16xf32>
      tpu.vector_store_idx %arg17[%sub3A_129], %mul3A_140 masked %or3A : memref<1280xf32, #tpu.memory_space<vmem>>[vector<16xi32>], vector<16xf32>, vector<16xi1>
      %reduce_sum3A_141 = arith.constant true
      %reduce_sum3A_142 = vector.broadcast %reduce_sum3A_141 : i1 to vector<16xi1>
      %reduce_sum3A_143 = tpu.scan <sum>, %select_n3A_123 masked %reduce_sum3A_142 : vector<16xi32>, vector<16xi1> -> vector<16xi32>
      %reduce_sum3A_144 = vector.extract %reduce_sum3A_143[15] : i32 from vector<16xi32>
      %add3A_145 = arith.addi %scan3A_97, %reduce_sum3A_144 : i32
      %reduce_sum3A_146 = arith.constant true
      %reduce_sum3A_147 = vector.broadcast %reduce_sum3A_146 : i1 to vector<16xi1>
      %reduce_sum3A_148 = tpu.scan <sum>, %select_n3A_108 masked %reduce_sum3A_147 : vector<16xi32>, vector<16xi1> -> vector<16xi32>
      %reduce_sum3A_149 = vector.extract %reduce_sum3A_148[15] : i32 from vector<16xi32>
      %add3A_150 = arith.addi %scan3A_98, %reduce_sum3A_149 : i32
      scf.yield %add3A_145, %add3A_150 : i32, i32
    }
    %scan3A_79 = arith.constant 79 : i32
    %add3A_80 = arith.constant 15 : i32
    %add3A_81 = arith.addi %scan3A_78#0, %add3A_80 : i32
    %shift_right_arithmetic3A = arith.constant 4 : i32
    %shift_right_arithmetic3A_82 = arith.shrsi %add3A_81, %shift_right_arithmetic3A : i32
    %max3A = arith.constant 1 : i32
    %max3A_83 = arith.maxsi %shift_right_arithmetic3A_82, %max3A : i32
    %broadcast_in_dim3A_84 = arith.constant 0 : i32
    %broadcast_in_dim3A_85 = vector.broadcast %broadcast_in_dim3A_84 : i32 to vector<16xi32>
    %while3A = arith.constant 5.000000e-01 : f32
    %while3A_86 = arith.constant 0 : i32
    %while3A_87 = arith.constant 0 : i32
    %while3A_88:3 = scf.while (%while3A_96 = %while3A_86, %while3A_97 = %while3A_87, %while3A_98 = %broadcast_in_dim3A_85) : (i32, i32, vector<16xi32>) -> (i32, i32, vector<16xi32>) {
      %lt3A_99 = arith.constant 100 : i32
      %lt3A_100 = arith.cmpi slt, %while3A_96, %lt3A_99 : i32
      scf.condition(%lt3A_100) %while3A_96, %while3A_97, %while3A_98 : i32, i32, vector<16xi32>
    } do {
    ^bb0(%while3A_96: i32, %while3A_97: i32, %while3A_98: vector<16xi32>):
      %broadcast_in_dim3A_99 = arith.constant -2 : i32
      %broadcast_in_dim3A_100 = vector.broadcast %broadcast_in_dim3A_99 : i32 to vector<16xi32>
      %broadcast_in_dim3A_101 = arith.constant 0 : i32
      %broadcast_in_dim3A_102 = vector.broadcast %broadcast_in_dim3A_101 : i32 to vector<16xi32>
      %while3A_103 = arith.constant -1 : i32
      %while3A_104 = arith.constant -1 : i32
      %while3A_105 = arith.constant 0 : i32
      %while3A_106 = arith.subi %max3A_83, %while3A_105 : i32
      %while3A_107 = arith.addi %while3A_105, %while3A_106 : i32
      %while3A_108 = arith.constant 1 : i32
      %while3A_109 = arith.divsi %while3A_106, %while3A_108 : i32
      %while3A_110 = arith.muli %while3A_109, %while3A_108 : i32
      %while3A_111 = arith.addi %while3A_105, %while3A_110 : i32
      %while3A_112 = arith.constant 1 : i32
      %while3A_113:2 = scf.for %while3A_710 = %while3A_105 to %while3A_111 step %while3A_112 iter_args(%while3A_711 = %broadcast_in_dim3A_100, %while3A_712 = %broadcast_in_dim3A_102) -> (vector<16xi32>, vector<16xi32>)  : i32 {
        %mul3A_713 = arith.constant 16 : i32
        %mul3A_714 = arith.muli %while3A_710, %mul3A_713 : i32
        %get3A = arith.index_cast %mul3A_714 : i32 to index
        %get3A_715 = tpu.vector_load %arg18[%get3A] {strides = array<i32>} : memref<1280xi32, #tpu.memory_space<vmem>>, vector<16xi32>,
        %mul3A_716 = arith.constant 16 : i32
        %mul3A_717 = arith.muli %while3A_710, %mul3A_716 : i32
        %add3A_718 = vector.broadcast %mul3A_717 : i32 to vector<16xi32>
        %add3A_719 = arith.addi %add3A_718, %iota3A : vector<16xi32>
        %gt3A = arith.cmpi sgt, %get3A_715, %while3A_711 : vector<16xi32>
        %ne3A = vector.broadcast %while3A_103 : i32 to vector<16xi32>
        %ne3A_720 = arith.cmpi ne, %add3A_719, %ne3A : vector<16xi32>
        %ne3A_721 = vector.broadcast %while3A_104 : i32 to vector<16xi32>
        %ne3A_722 = arith.cmpi ne, %add3A_719, %ne3A_721 : vector<16xi32>
        %and3A_723 = arith.andi %ne3A_720, %ne3A_722 : vector<16xi1>
        %and3A_724 = arith.andi %gt3A, %and3A_723 : vector<16xi1>
        %select_n3A_725 = arith.select %and3A_724, %get3A_715, %while3A_711 : vector<16xi1>, vector<16xi32>
        %broadcast_in_dim3A_726 = vector.broadcast %while3A_710 : i32 to vector<16xi32>
        %select_n3A_727 = arith.select %and3A_724, %broadcast_in_dim3A_726, %while3A_712 : vector<16xi1>, vector<16xi32>
        scf.yield %select_n3A_725, %select_n3A_727 : vector<16xi32>, vector<16xi32>
      }
      %while3A_114 = arith.constant 1 : i32
      %while3A_115:2 = scf.for %while3A_710 = %while3A_111 to %while3A_107 step %while3A_114 iter_args(%while3A_711 = %while3A_113#0, %while3A_712 = %while3A_113#1) -> (vector<16xi32>, vector<16xi32>)  : i32 {
        %mul3A_713 = arith.constant 16 : i32
        %mul3A_714 = arith.muli %while3A_710, %mul3A_713 : i32
        %get3A = arith.index_cast %mul3A_714 : i32 to index
        %get3A_715 = tpu.vector_load %arg18[%get3A] {strides = array<i32>} : memref<1280xi32, #tpu.memory_space<vmem>>, vector<16xi32>,
        %mul3A_716 = arith.constant 16 : i32
        %mul3A_717 = arith.muli %while3A_710, %mul3A_716 : i32
        %add3A_718 = vector.broadcast %mul3A_717 : i32 to vector<16xi32>
        %add3A_719 = arith.addi %add3A_718, %iota3A : vector<16xi32>
        %gt3A = arith.cmpi sgt, %get3A_715, %while3A_711 : vector<16xi32>
        %ne3A = vector.broadcast %while3A_103 : i32 to vector<16xi32>
        %ne3A_720 = arith.cmpi ne, %add3A_719, %ne3A : vector<16xi32>
        %ne3A_721 = vector.broadcast %while3A_104 : i32 to vector<16xi32>
        %ne3A_722 = arith.cmpi ne, %add3A_719, %ne3A_721 : vector<16xi32>
        %and3A_723 = arith.andi %ne3A_720, %ne3A_722 : vector<16xi1>
        %and3A_724 = arith.andi %gt3A, %and3A_723 : vector<16xi1>
        %select_n3A_725 = arith.select %and3A_724, %get3A_715, %while3A_711 : vector<16xi1>, vector<16xi32>
        %broadcast_in_dim3A_726 = vector.broadcast %while3A_710 : i32 to vector<16xi32>
        %select_n3A_727 = arith.select %and3A_724, %broadcast_in_dim3A_726, %while3A_712 : vector<16xi1>, vector<16xi32>
        scf.yield %select_n3A_725, %select_n3A_727 : vector<16xi32>, vector<16xi32>
      }
      %reduce_max3A = arith.constant true
      %reduce_max3A_116 = vector.broadcast %reduce_max3A : i1 to vector<16xi1>
      %reduce_max3A_117 = arith.constant -2147483648 : i32
      %reduce_max3A_118 = vector.broadcast %reduce_max3A_117 : i32 to vector<16xi32>
      %reduce_max3A_119 = arith.xori %while3A_115#0, %reduce_max3A_118 : vector<16xi32>
      %reduce_max3A_120 = tpu.scan <max>, %reduce_max3A_119 masked %reduce_max3A_116 : vector<16xi32>, vector<16xi1> -> vector<16xi32>
      %reduce_max3A_121 = arith.xori %reduce_max3A_120, %reduce_max3A_118 : vector<16xi32>
      %reduce_max3A_122 = vector.extract %reduce_max3A_121[15] : i32 from vector<16xi32>
      %eq3A_123 = vector.broadcast %reduce_max3A_122 : i32 to vector<16xi32>
      %eq3A_124 = arith.cmpi eq, %while3A_115#0, %eq3A_123 : vector<16xi32>
      %mul3A_125 = arith.constant 16 : i32
      %mul3A_126 = vector.broadcast %mul3A_125 : i32 to vector<16xi32>
      %mul3A_127 = arith.muli %while3A_115#1, %mul3A_126 : vector<16xi32>
      %add3A_128 = arith.addi %mul3A_127, %iota3A : vector<16xi32>
      %jit3A_129 = arith.constant 1073741824 : i32
      %broadcast_in_dim3A_130 = vector.broadcast %jit3A_129 : i32 to vector<16xi32>
      %select_n3A_131 = arith.select %eq3A_124, %add3A_128, %broadcast_in_dim3A_130 : vector<16xi1>, vector<16xi32>
      %reduce_min3A = arith.constant true
      %reduce_min3A_132 = vector.broadcast %reduce_min3A : i1 to vector<16xi1>
      %reduce_min3A_133 = arith.constant -2147483648 : i32
      %reduce_min3A_134 = vector.broadcast %reduce_min3A_133 : i32 to vector<16xi32>
      %reduce_min3A_135 = arith.xori %select_n3A_131, %reduce_min3A_134 : vector<16xi32>
      %reduce_min3A_136 = tpu.scan <min>, %reduce_min3A_135 masked %reduce_min3A_132 : vector<16xi32>, vector<16xi1> -> vector<16xi32>
      %reduce_min3A_137 = arith.xori %reduce_min3A_136, %reduce_min3A_134 : vector<16xi32>
      %reduce_min3A_138 = vector.extract %reduce_min3A_137[15] : i32 from vector<16xi32>
      %broadcast_in_dim3A_139 = arith.constant -2 : i32
      %broadcast_in_dim3A_140 = vector.broadcast %broadcast_in_dim3A_139 : i32 to vector<16xi32>
      %broadcast_in_dim3A_141 = arith.constant 0 : i32
      %broadcast_in_dim3A_142 = vector.broadcast %broadcast_in_dim3A_141 : i32 to vector<16xi32>
      %while3A_143 = arith.constant -1 : i32
      %while3A_144 = arith.constant 0 : i32
      %while3A_145 = arith.subi %max3A_83, %while3A_144 : i32
      %while3A_146 = arith.addi %while3A_144, %while3A_145 : i32
      %while3A_147 = arith.constant 1 : i32
      %while3A_148 = arith.divsi %while3A_145, %while3A_147 : i32
      %while3A_149 = arith.muli %while3A_148, %while3A_147 : i32
      %while3A_150 = arith.addi %while3A_144, %while3A_149 : i32
      %while3A_151 = arith.constant 1 : i32
      %while3A_152:2 = scf.for %while3A_710 = %while3A_144 to %while3A_150 step %while3A_151 iter_args(%while3A_711 = %broadcast_in_dim3A_140, %while3A_712 = %broadcast_in_dim3A_142) -> (vector<16xi32>, vector<16xi32>)  : i32 {
        %mul3A_713 = arith.constant 16 : i32
        %mul3A_714 = arith.muli %while3A_710, %mul3A_713 : i32
        %get3A = arith.index_cast %mul3A_714 : i32 to index
        %get3A_715 = tpu.vector_load %arg18[%get3A] {strides = array<i32>} : memref<1280xi32, #tpu.memory_space<vmem>>, vector<16xi32>,
        %mul3A_716 = arith.constant 16 : i32
        %mul3A_717 = arith.muli %while3A_710, %mul3A_716 : i32
        %add3A_718 = vector.broadcast %mul3A_717 : i32 to vector<16xi32>
        %add3A_719 = arith.addi %add3A_718, %iota3A : vector<16xi32>
        %gt3A = arith.cmpi sgt, %get3A_715, %while3A_711 : vector<16xi32>
        %ne3A = vector.broadcast %reduce_min3A_138 : i32 to vector<16xi32>
        %ne3A_720 = arith.cmpi ne, %add3A_719, %ne3A : vector<16xi32>
        %ne3A_721 = vector.broadcast %while3A_143 : i32 to vector<16xi32>
        %ne3A_722 = arith.cmpi ne, %add3A_719, %ne3A_721 : vector<16xi32>
        %and3A_723 = arith.andi %ne3A_720, %ne3A_722 : vector<16xi1>
        %and3A_724 = arith.andi %gt3A, %and3A_723 : vector<16xi1>
        %select_n3A_725 = arith.select %and3A_724, %get3A_715, %while3A_711 : vector<16xi1>, vector<16xi32>
        %broadcast_in_dim3A_726 = vector.broadcast %while3A_710 : i32 to vector<16xi32>
        %select_n3A_727 = arith.select %and3A_724, %broadcast_in_dim3A_726, %while3A_712 : vector<16xi1>, vector<16xi32>
        scf.yield %select_n3A_725, %select_n3A_727 : vector<16xi32>, vector<16xi32>
      }
      %while3A_153 = arith.constant 1 : i32
      %while3A_154:2 = scf.for %while3A_710 = %while3A_150 to %while3A_146 step %while3A_153 iter_args(%while3A_711 = %while3A_152#0, %while3A_712 = %while3A_152#1) -> (vector<16xi32>, vector<16xi32>)  : i32 {
        %mul3A_713 = arith.constant 16 : i32
        %mul3A_714 = arith.muli %while3A_710, %mul3A_713 : i32
        %get3A = arith.index_cast %mul3A_714 : i32 to index
        %get3A_715 = tpu.vector_load %arg18[%get3A] {strides = array<i32>} : memref<1280xi32, #tpu.memory_space<vmem>>, vector<16xi32>,
        %mul3A_716 = arith.constant 16 : i32
        %mul3A_717 = arith.muli %while3A_710, %mul3A_716 : i32
        %add3A_718 = vector.broadcast %mul3A_717 : i32 to vector<16xi32>
        %add3A_719 = arith.addi %add3A_718, %iota3A : vector<16xi32>
        %gt3A = arith.cmpi sgt, %get3A_715, %while3A_711 : vector<16xi32>
        %ne3A = vector.broadcast %reduce_min3A_138 : i32 to vector<16xi32>
        %ne3A_720 = arith.cmpi ne, %add3A_719, %ne3A : vector<16xi32>
        %ne3A_721 = vector.broadcast %while3A_143 : i32 to vector<16xi32>
        %ne3A_722 = arith.cmpi ne, %add3A_719, %ne3A_721 : vector<16xi32>
        %and3A_723 = arith.andi %ne3A_720, %ne3A_722 : vector<16xi1>
        %and3A_724 = arith.andi %gt3A, %and3A_723 : vector<16xi1>
        %select_n3A_725 = arith.select %and3A_724, %get3A_715, %while3A_711 : vector<16xi1>, vector<16xi32>
        %broadcast_in_dim3A_726 = vector.broadcast %while3A_710 : i32 to vector<16xi32>
        %select_n3A_727 = arith.select %and3A_724, %broadcast_in_dim3A_726, %while3A_712 : vector<16xi1>, vector<16xi32>
        scf.yield %select_n3A_725, %select_n3A_727 : vector<16xi32>, vector<16xi32>
      }
      %reduce_max3A_155 = arith.constant true
      %reduce_max3A_156 = vector.broadcast %reduce_max3A_155 : i1 to vector<16xi1>
      %reduce_max3A_157 = arith.constant -2147483648 : i32
      %reduce_max3A_158 = vector.broadcast %reduce_max3A_157 : i32 to vector<16xi32>
      %reduce_max3A_159 = arith.xori %while3A_154#0, %reduce_max3A_158 : vector<16xi32>
      %reduce_max3A_160 = tpu.scan <max>, %reduce_max3A_159 masked %reduce_max3A_156 : vector<16xi32>, vector<16xi1> -> vector<16xi32>
      %reduce_max3A_161 = arith.xori %reduce_max3A_160, %reduce_max3A_158 : vector<16xi32>
      %reduce_max3A_162 = vector.extract %reduce_max3A_161[15] : i32 from vector<16xi32>
      %eq3A_163 = vector.broadcast %reduce_max3A_162 : i32 to vector<16xi32>
      %eq3A_164 = arith.cmpi eq, %while3A_154#0, %eq3A_163 : vector<16xi32>
      %mul3A_165 = arith.constant 16 : i32
      %mul3A_166 = vector.broadcast %mul3A_165 : i32 to vector<16xi32>
      %mul3A_167 = arith.muli %while3A_154#1, %mul3A_166 : vector<16xi32>
      %add3A_168 = arith.addi %mul3A_167, %iota3A : vector<16xi32>
      %jit3A_169 = arith.constant 1073741824 : i32
      %broadcast_in_dim3A_170 = vector.broadcast %jit3A_169 : i32 to vector<16xi32>
      %select_n3A_171 = arith.select %eq3A_164, %add3A_168, %broadcast_in_dim3A_170 : vector<16xi1>, vector<16xi32>
      %reduce_min3A_172 = arith.constant true
      %reduce_min3A_173 = vector.broadcast %reduce_min3A_172 : i1 to vector<16xi1>
      %reduce_min3A_174 = arith.constant -2147483648 : i32
      %reduce_min3A_175 = vector.broadcast %reduce_min3A_174 : i32 to vector<16xi32>
      %reduce_min3A_176 = arith.xori %select_n3A_171, %reduce_min3A_175 : vector<16xi32>
      %reduce_min3A_177 = tpu.scan <min>, %reduce_min3A_176 masked %reduce_min3A_173 : vector<16xi32>, vector<16xi1> -> vector<16xi32>
      %reduce_min3A_178 = arith.xori %reduce_min3A_177, %reduce_min3A_175 : vector<16xi32>
      %reduce_min3A_179 = vector.extract %reduce_min3A_178[15] : i32 from vector<16xi32>
      %broadcast_in_dim3A_180 = arith.constant -2 : i32
      %broadcast_in_dim3A_181 = vector.broadcast %broadcast_in_dim3A_180 : i32 to vector<16xi32>
      %broadcast_in_dim3A_182 = arith.constant 0 : i32
      %broadcast_in_dim3A_183 = vector.broadcast %broadcast_in_dim3A_182 : i32 to vector<16xi32>
      %while3A_184 = arith.constant 0 : i32
      %while3A_185 = arith.subi %max3A_83, %while3A_184 : i32
      %while3A_186 = arith.addi %while3A_184, %while3A_185 : i32
      %while3A_187 = arith.constant 1 : i32
      %while3A_188 = arith.divsi %while3A_185, %while3A_187 : i32
      %while3A_189 = arith.muli %while3A_188, %while3A_187 : i32
      %while3A_190 = arith.addi %while3A_184, %while3A_189 : i32
      %while3A_191 = arith.constant 1 : i32
      %while3A_192:2 = scf.for %while3A_710 = %while3A_184 to %while3A_190 step %while3A_191 iter_args(%while3A_711 = %broadcast_in_dim3A_181, %while3A_712 = %broadcast_in_dim3A_183) -> (vector<16xi32>, vector<16xi32>)  : i32 {
        %mul3A_713 = arith.constant 16 : i32
        %mul3A_714 = arith.muli %while3A_710, %mul3A_713 : i32
        %get3A = arith.index_cast %mul3A_714 : i32 to index
        %get3A_715 = tpu.vector_load %arg18[%get3A] {strides = array<i32>} : memref<1280xi32, #tpu.memory_space<vmem>>, vector<16xi32>,
        %mul3A_716 = arith.constant 16 : i32
        %mul3A_717 = arith.muli %while3A_710, %mul3A_716 : i32
        %add3A_718 = vector.broadcast %mul3A_717 : i32 to vector<16xi32>
        %add3A_719 = arith.addi %add3A_718, %iota3A : vector<16xi32>
        %gt3A = arith.cmpi sgt, %get3A_715, %while3A_711 : vector<16xi32>
        %ne3A = vector.broadcast %reduce_min3A_138 : i32 to vector<16xi32>
        %ne3A_720 = arith.cmpi ne, %add3A_719, %ne3A : vector<16xi32>
        %ne3A_721 = vector.broadcast %reduce_min3A_179 : i32 to vector<16xi32>
        %ne3A_722 = arith.cmpi ne, %add3A_719, %ne3A_721 : vector<16xi32>
        %and3A_723 = arith.andi %ne3A_720, %ne3A_722 : vector<16xi1>
        %and3A_724 = arith.andi %gt3A, %and3A_723 : vector<16xi1>
        %select_n3A_725 = arith.select %and3A_724, %get3A_715, %while3A_711 : vector<16xi1>, vector<16xi32>
        %broadcast_in_dim3A_726 = vector.broadcast %while3A_710 : i32 to vector<16xi32>
        %select_n3A_727 = arith.select %and3A_724, %broadcast_in_dim3A_726, %while3A_712 : vector<16xi1>, vector<16xi32>
        scf.yield %select_n3A_725, %select_n3A_727 : vector<16xi32>, vector<16xi32>
      }
      %while3A_193 = arith.constant 1 : i32
      %while3A_194:2 = scf.for %while3A_710 = %while3A_190 to %while3A_186 step %while3A_193 iter_args(%while3A_711 = %while3A_192#0, %while3A_712 = %while3A_192#1) -> (vector<16xi32>, vector<16xi32>)  : i32 {
        %mul3A_713 = arith.constant 16 : i32
        %mul3A_714 = arith.muli %while3A_710, %mul3A_713 : i32
        %get3A = arith.index_cast %mul3A_714 : i32 to index
        %get3A_715 = tpu.vector_load %arg18[%get3A] {strides = array<i32>} : memref<1280xi32, #tpu.memory_space<vmem>>, vector<16xi32>,
        %mul3A_716 = arith.constant 16 : i32
        %mul3A_717 = arith.muli %while3A_710, %mul3A_716 : i32
        %add3A_718 = vector.broadcast %mul3A_717 : i32 to vector<16xi32>
        %add3A_719 = arith.addi %add3A_718, %iota3A : vector<16xi32>
        %gt3A = arith.cmpi sgt, %get3A_715, %while3A_711 : vector<16xi32>
        %ne3A = vector.broadcast %reduce_min3A_138 : i32 to vector<16xi32>
        %ne3A_720 = arith.cmpi ne, %add3A_719, %ne3A : vector<16xi32>
        %ne3A_721 = vector.broadcast %reduce_min3A_179 : i32 to vector<16xi32>
        %ne3A_722 = arith.cmpi ne, %add3A_719, %ne3A_721 : vector<16xi32>
        %and3A_723 = arith.andi %ne3A_720, %ne3A_722 : vector<16xi1>
        %and3A_724 = arith.andi %gt3A, %and3A_723 : vector<16xi1>
        %select_n3A_725 = arith.select %and3A_724, %get3A_715, %while3A_711 : vector<16xi1>, vector<16xi32>
        %broadcast_in_dim3A_726 = vector.broadcast %while3A_710 : i32 to vector<16xi32>
        %select_n3A_727 = arith.select %and3A_724, %broadcast_in_dim3A_726, %while3A_712 : vector<16xi1>, vector<16xi32>
        scf.yield %select_n3A_725, %select_n3A_727 : vector<16xi32>, vector<16xi32>
      }
      %reduce_max3A_195 = arith.constant true
      %reduce_max3A_196 = vector.broadcast %reduce_max3A_195 : i1 to vector<16xi1>
      %reduce_max3A_197 = arith.constant -2147483648 : i32
      %reduce_max3A_198 = vector.broadcast %reduce_max3A_197 : i32 to vector<16xi32>
      %reduce_max3A_199 = arith.xori %while3A_194#0, %reduce_max3A_198 : vector<16xi32>
      %reduce_max3A_200 = tpu.scan <max>, %reduce_max3A_199 masked %reduce_max3A_196 : vector<16xi32>, vector<16xi1> -> vector<16xi32>
      %reduce_max3A_201 = arith.xori %reduce_max3A_200, %reduce_max3A_198 : vector<16xi32>
      %reduce_max3A_202 = vector.extract %reduce_max3A_201[15] : i32 from vector<16xi32>
      %eq3A_203 = vector.broadcast %reduce_max3A_202 : i32 to vector<16xi32>
      %eq3A_204 = arith.cmpi eq, %while3A_194#0, %eq3A_203 : vector<16xi32>
      %mul3A_205 = arith.constant 16 : i32
      %mul3A_206 = vector.broadcast %mul3A_205 : i32 to vector<16xi32>
      %mul3A_207 = arith.muli %while3A_194#1, %mul3A_206 : vector<16xi32>
      %add3A_208 = arith.addi %mul3A_207, %iota3A : vector<16xi32>
      %jit3A_209 = arith.constant 1073741824 : i32
      %broadcast_in_dim3A_210 = vector.broadcast %jit3A_209 : i32 to vector<16xi32>
      %select_n3A_211 = arith.select %eq3A_204, %add3A_208, %broadcast_in_dim3A_210 : vector<16xi1>, vector<16xi32>
      %reduce_min3A_212 = arith.constant true
      %reduce_min3A_213 = vector.broadcast %reduce_min3A_212 : i1 to vector<16xi1>
      %reduce_min3A_214 = arith.constant -2147483648 : i32
      %reduce_min3A_215 = vector.broadcast %reduce_min3A_214 : i32 to vector<16xi32>
      %reduce_min3A_216 = arith.xori %select_n3A_211, %reduce_min3A_215 : vector<16xi32>
      %reduce_min3A_217 = tpu.scan <min>, %reduce_min3A_216 masked %reduce_min3A_213 : vector<16xi32>, vector<16xi1> -> vector<16xi32>
      %reduce_min3A_218 = arith.xori %reduce_min3A_217, %reduce_min3A_215 : vector<16xi32>
      %reduce_min3A_219 = vector.extract %reduce_min3A_218[15] : i32 from vector<16xi32>
      %broadcast_in_dim3A_220 = vector.broadcast %reduce_min3A_138 : i32 to vector<16xi32>
      %gather3A_221 = tpu.vector_load_idx %arg13[%broadcast_in_dim3A_220] : memref<1280xf32, #tpu.memory_space<vmem>>[vector<16xi32>], vector<16xf32>,
      %bitcast3A = vector.bitcast %gather3A_221 : vector<16xf32> to vector<16xi32>
      %gather3A_222 = tpu.vector_load_idx %arg14[%broadcast_in_dim3A_220] : memref<1280xf32, #tpu.memory_space<vmem>>[vector<16xi32>], vector<16xf32>,
      %bitcast3A_223 = vector.bitcast %gather3A_222 : vector<16xf32> to vector<16xi32>
      %gather3A_224 = tpu.vector_load_idx %arg15[%broadcast_in_dim3A_220] : memref<1280xf32, #tpu.memory_space<vmem>>[vector<16xi32>], vector<16xf32>,
      %bitcast3A_225 = vector.bitcast %gather3A_224 : vector<16xf32> to vector<16xi32>
      %gather3A_226 = tpu.vector_load_idx %arg16[%broadcast_in_dim3A_220] : memref<1280xf32, #tpu.memory_space<vmem>>[vector<16xi32>], vector<16xf32>,
      %bitcast3A_227 = vector.bitcast %gather3A_226 : vector<16xf32> to vector<16xi32>
      %broadcast_in_dim3A_228 = vector.broadcast %reduce_min3A_179 : i32 to vector<16xi32>
      %gather3A_229 = tpu.vector_load_idx %arg13[%broadcast_in_dim3A_228] : memref<1280xf32, #tpu.memory_space<vmem>>[vector<16xi32>], vector<16xf32>,
      %bitcast3A_230 = vector.bitcast %gather3A_229 : vector<16xf32> to vector<16xi32>
      %gather3A_231 = tpu.vector_load_idx %arg14[%broadcast_in_dim3A_228] : memref<1280xf32, #tpu.memory_space<vmem>>[vector<16xi32>], vector<16xf32>,
      %bitcast3A_232 = vector.bitcast %gather3A_231 : vector<16xf32> to vector<16xi32>
      %gather3A_233 = tpu.vector_load_idx %arg15[%broadcast_in_dim3A_228] : memref<1280xf32, #tpu.memory_space<vmem>>[vector<16xi32>], vector<16xf32>,
      %bitcast3A_234 = vector.bitcast %gather3A_233 : vector<16xf32> to vector<16xi32>
      %gather3A_235 = tpu.vector_load_idx %arg16[%broadcast_in_dim3A_228] : memref<1280xf32, #tpu.memory_space<vmem>>[vector<16xi32>], vector<16xf32>,
      %bitcast3A_236 = vector.bitcast %gather3A_235 : vector<16xf32> to vector<16xi32>
      %broadcast_in_dim3A_237 = vector.broadcast %reduce_min3A_219 : i32 to vector<16xi32>
      %gather3A_238 = tpu.vector_load_idx %arg13[%broadcast_in_dim3A_237] : memref<1280xf32, #tpu.memory_space<vmem>>[vector<16xi32>], vector<16xf32>,
      %bitcast3A_239 = vector.bitcast %gather3A_238 : vector<16xf32> to vector<16xi32>
      %gather3A_240 = tpu.vector_load_idx %arg14[%broadcast_in_dim3A_237] : memref<1280xf32, #tpu.memory_space<vmem>>[vector<16xi32>], vector<16xf32>,
      %bitcast3A_241 = vector.bitcast %gather3A_240 : vector<16xf32> to vector<16xi32>
      %gather3A_242 = tpu.vector_load_idx %arg15[%broadcast_in_dim3A_237] : memref<1280xf32, #tpu.memory_space<vmem>>[vector<16xi32>], vector<16xf32>,
      %bitcast3A_243 = vector.bitcast %gather3A_242 : vector<16xf32> to vector<16xi32>
      %gather3A_244 = tpu.vector_load_idx %arg16[%broadcast_in_dim3A_237] : memref<1280xf32, #tpu.memory_space<vmem>>[vector<16xi32>], vector<16xf32>,
      %bitcast3A_245 = vector.bitcast %gather3A_244 : vector<16xf32> to vector<16xi32>
      %eq3A_246 = arith.constant 0 : i32
      %eq3A_247 = vector.broadcast %eq3A_246 : i32 to vector<16xi32>
      %eq3A_248 = arith.cmpi eq, %iota3A, %eq3A_247 : vector<16xi32>
      %eq3A_249 = arith.constant 1 : i32
      %eq3A_250 = vector.broadcast %eq3A_249 : i32 to vector<16xi32>
      %eq3A_251 = arith.cmpi eq, %iota3A, %eq3A_250 : vector<16xi32>
      %eq3A_252 = arith.constant 2 : i32
      %eq3A_253 = vector.broadcast %eq3A_252 : i32 to vector<16xi32>
      %eq3A_254 = arith.cmpi eq, %iota3A, %eq3A_253 : vector<16xi32>
      %eq3A_255 = arith.constant 3 : i32
      %eq3A_256 = vector.broadcast %eq3A_255 : i32 to vector<16xi32>
      %eq3A_257 = arith.cmpi eq, %iota3A, %eq3A_256 : vector<16xi32>
      %eq3A_258 = arith.constant 4 : i32
      %eq3A_259 = vector.broadcast %eq3A_258 : i32 to vector<16xi32>
      %eq3A_260 = arith.cmpi eq, %iota3A, %eq3A_259 : vector<16xi32>
      %eq3A_261 = arith.constant 5 : i32
      %eq3A_262 = vector.broadcast %eq3A_261 : i32 to vector<16xi32>
      %eq3A_263 = arith.cmpi eq, %iota3A, %eq3A_262 : vector<16xi32>
      %eq3A_264 = arith.constant 6 : i32
      %eq3A_265 = vector.broadcast %eq3A_264 : i32 to vector<16xi32>
      %eq3A_266 = arith.cmpi eq, %iota3A, %eq3A_265 : vector<16xi32>
      %eq3A_267 = arith.constant 7 : i32
      %eq3A_268 = vector.broadcast %eq3A_267 : i32 to vector<16xi32>
      %eq3A_269 = arith.cmpi eq, %iota3A, %eq3A_268 : vector<16xi32>
      %eq3A_270 = arith.constant 8 : i32
      %eq3A_271 = vector.broadcast %eq3A_270 : i32 to vector<16xi32>
      %eq3A_272 = arith.cmpi eq, %iota3A, %eq3A_271 : vector<16xi32>
      %eq3A_273 = arith.constant 9 : i32
      %eq3A_274 = vector.broadcast %eq3A_273 : i32 to vector<16xi32>
      %eq3A_275 = arith.cmpi eq, %iota3A, %eq3A_274 : vector<16xi32>
      %eq3A_276 = arith.constant 10 : i32
      %eq3A_277 = vector.broadcast %eq3A_276 : i32 to vector<16xi32>
      %eq3A_278 = arith.cmpi eq, %iota3A, %eq3A_277 : vector<16xi32>
      %eq3A_279 = arith.constant 11 : i32
      %eq3A_280 = vector.broadcast %eq3A_279 : i32 to vector<16xi32>
      %eq3A_281 = arith.cmpi eq, %iota3A, %eq3A_280 : vector<16xi32>
      %eq3A_282 = arith.constant 12 : i32
      %eq3A_283 = vector.broadcast %eq3A_282 : i32 to vector<16xi32>
      %eq3A_284 = arith.cmpi eq, %iota3A, %eq3A_283 : vector<16xi32>
      %eq3A_285 = arith.constant 13 : i32
      %eq3A_286 = vector.broadcast %eq3A_285 : i32 to vector<16xi32>
      %eq3A_287 = arith.cmpi eq, %iota3A, %eq3A_286 : vector<16xi32>
      %select_n3A_288 = arith.select %eq3A_287, %bitcast3A_243, %bitcast3A_245 : vector<16xi1>, vector<16xi32>
      %select_n3A_289 = arith.select %eq3A_284, %bitcast3A_241, %select_n3A_288 : vector<16xi1>, vector<16xi32>
      %select_n3A_290 = arith.select %eq3A_281, %bitcast3A_239, %select_n3A_289 : vector<16xi1>, vector<16xi32>
      %broadcast_in_dim3A_291 = vector.broadcast %reduce_max3A_202 : i32 to vector<16xi32>
      %select_n3A_292 = arith.select %eq3A_278, %broadcast_in_dim3A_291, %select_n3A_290 : vector<16xi1>, vector<16xi32>
      %select_n3A_293 = arith.select %eq3A_275, %bitcast3A_236, %select_n3A_292 : vector<16xi1>, vector<16xi32>
      %select_n3A_294 = arith.select %eq3A_272, %bitcast3A_234, %select_n3A_293 : vector<16xi1>, vector<16xi32>
      %select_n3A_295 = arith.select %eq3A_269, %bitcast3A_232, %select_n3A_294 : vector<16xi1>, vector<16xi32>
      %select_n3A_296 = arith.select %eq3A_266, %bitcast3A_230, %select_n3A_295 : vector<16xi1>, vector<16xi32>
      %broadcast_in_dim3A_297 = vector.broadcast %reduce_max3A_162 : i32 to vector<16xi32>
      %select_n3A_298 = arith.select %eq3A_263, %broadcast_in_dim3A_297, %select_n3A_296 : vector<16xi1>, vector<16xi32>
      %select_n3A_299 = arith.select %eq3A_260, %bitcast3A_227, %select_n3A_298 : vector<16xi1>, vector<16xi32>
      %select_n3A_300 = arith.select %eq3A_257, %bitcast3A_225, %select_n3A_299 : vector<16xi1>, vector<16xi32>
      %select_n3A_301 = arith.select %eq3A_254, %bitcast3A_223, %select_n3A_300 : vector<16xi1>, vector<16xi32>
      %select_n3A_302 = arith.select %eq3A_251, %bitcast3A, %select_n3A_301 : vector<16xi1>, vector<16xi32>
      %broadcast_in_dim3A_303 = vector.broadcast %reduce_max3A_122 : i32 to vector<16xi32>
      %select_n3A_304 = arith.select %eq3A_248, %broadcast_in_dim3A_303, %select_n3A_302 : vector<16xi1>, vector<16xi32>
      %add3A_305 = arith.constant 13 : i32
      %add3A_306 = arith.addi %add3A_305, %while3A_97 : i32
      %swap3A_307 = arith.constant 0 : index
      %swap3A_308 = tpu.vector_load %arg19[%swap3A_307] {strides = array<i32>} : memref<16xi32, #tpu.memory_space<vmem>>, vector<16xi32>,
      tpu.vector_store %arg19[%swap3A_307], %select_n3A_304 {strides = array<i32>} : memref<16xi32, #tpu.memory_space<vmem>>, vector<16xi32>,
      %and3A_309 = arith.constant 1 : i32
      %and3A_310 = arith.andi %add3A_306, %and3A_309 : i32
      %mul3A_311 = arith.constant 256 : i32
      %mul3A_312 = arith.muli %and3A_310, %mul3A_311 : i32
      %mul3A_313 = arith.constant 16 : i32
      %mul3A_314 = arith.muli %arg1, %mul3A_313 : i32
      %add3A_315 = arith.addi %mul3A_312, %mul3A_314 : i32
      "tpu.region"() ({
        %run_scoped3A = tpu.sem_alloc : memref<!tpu.dma_semaphore, #tpu.memory_space<semaphore_mem>>
        %dma_start3A = tpu.memref_slice %arg22[%add3A_315] : memref<512xi32, #tpu.memory_space<vmem_shared>> -> memref<16xi32, #tpu.memory_space<vmem_shared>>
        %dma_start3A_710 = tpu.memref_slice %arg22[%add3A_315] : memref<512xi32, #tpu.memory_space<vmem_shared>> -> memref<16xi32, #tpu.memory_space<vmem_shared>>
        tpu.enqueue_dma source(%arg19 : memref<16xi32, #tpu.memory_space<vmem>>) target(%dma_start3A_710 : memref<16xi32, #tpu.memory_space<vmem_shared>>) target_semaphore(%run_scoped3A : memref<!tpu.dma_semaphore, #tpu.memory_space<semaphore_mem>>)
        %dma_wait3A = tpu.memref_slice %arg22[%add3A_315] : memref<512xi32, #tpu.memory_space<vmem_shared>> -> memref<16xi32, #tpu.memory_space<vmem_shared>>
        %dma_wait3A_711 = tpu.memref_slice %arg22[%add3A_315] : memref<512xi32, #tpu.memory_space<vmem_shared>> -> memref<16xi32, #tpu.memory_space<vmem_shared>>
        tpu.wait_dma2 semaphore(%run_scoped3A : memref<!tpu.dma_semaphore, #tpu.memory_space<semaphore_mem>>) src(%arg19 : memref<16xi32, #tpu.memory_space<vmem>>) dst(%dma_wait3A_711 : memref<16xi32, #tpu.memory_space<vmem_shared>>)
        tpu.yield
      }) : () -> ()
      %barrier3A_316 = arith.constant 0 : index
      tpu.barrier barrier_id(%barrier3A_316)
      "tpu.region"() ({
        %run_scoped3A = tpu.sem_alloc : memref<!tpu.dma_semaphore, #tpu.memory_space<semaphore_mem>>
        %dma_start3A = tpu.memref_slice %arg22[%mul3A_312] : memref<512xi32, #tpu.memory_space<vmem_shared>> -> memref<256xi32, #tpu.memory_space<vmem_shared>>
        %dma_start3A_710 = tpu.memref_slice %arg22[%mul3A_312] : memref<512xi32, #tpu.memory_space<vmem_shared>> -> memref<256xi32, #tpu.memory_space<vmem_shared>>
        tpu.enqueue_dma source(%dma_start3A_710 : memref<256xi32, #tpu.memory_space<vmem_shared>>) target(%arg20 : memref<256xi32, #tpu.memory_space<vmem>>) target_semaphore(%run_scoped3A : memref<!tpu.dma_semaphore, #tpu.memory_space<semaphore_mem>>)
        %dma_wait3A = tpu.memref_slice %arg22[%mul3A_312] : memref<512xi32, #tpu.memory_space<vmem_shared>> -> memref<256xi32, #tpu.memory_space<vmem_shared>>
        %dma_wait3A_711 = tpu.memref_slice %arg22[%mul3A_312] : memref<512xi32, #tpu.memory_space<vmem_shared>> -> memref<256xi32, #tpu.memory_space<vmem_shared>>
        tpu.wait_dma2 semaphore(%run_scoped3A : memref<!tpu.dma_semaphore, #tpu.memory_space<semaphore_mem>>) src(%dma_wait3A_711 : memref<256xi32, #tpu.memory_space<vmem_shared>>) dst(%arg20 : memref<256xi32, #tpu.memory_space<vmem>>)
        tpu.yield
      }) : () -> ()
      %mul3A_317 = arith.constant 16 : i32
      %mul3A_318 = vector.broadcast %mul3A_317 : i32 to vector<16xi32>
      %mul3A_319 = arith.muli %iota3A, %mul3A_318 : vector<16xi32>
      %gather3A_320 = tpu.vector_load_idx %arg20[%mul3A_319] : memref<256xi32, #tpu.memory_space<vmem>>[vector<16xi32>], vector<16xi32>,
      %mul3A_321 = arith.constant 16 : i32
      %mul3A_322 = vector.broadcast %mul3A_321 : i32 to vector<16xi32>
      %mul3A_323 = arith.muli %iota3A, %mul3A_322 : vector<16xi32>
      %add3A_324 = arith.constant 5 : i32
      %add3A_325 = vector.broadcast %add3A_324 : i32 to vector<16xi32>
      %add3A_326 = arith.addi %mul3A_323, %add3A_325 : vector<16xi32>
      %gather3A_327 = tpu.vector_load_idx %arg20[%add3A_326] : memref<256xi32, #tpu.memory_space<vmem>>[vector<16xi32>], vector<16xi32>,
      %mul3A_328 = arith.constant 16 : i32
      %mul3A_329 = vector.broadcast %mul3A_328 : i32 to vector<16xi32>
      %mul3A_330 = arith.muli %iota3A, %mul3A_329 : vector<16xi32>
      %add3A_331 = arith.constant 10 : i32
      %add3A_332 = vector.broadcast %add3A_331 : i32 to vector<16xi32>
      %add3A_333 = arith.addi %mul3A_330, %add3A_332 : vector<16xi32>
      %gather3A_334 = tpu.vector_load_idx %arg20[%add3A_333] : memref<256xi32, #tpu.memory_space<vmem>>[vector<16xi32>], vector<16xi32>,
      %reduce_max3A_335 = arith.constant true
      %reduce_max3A_336 = vector.broadcast %reduce_max3A_335 : i1 to vector<16xi1>
      %reduce_max3A_337 = arith.constant -2147483648 : i32
      %reduce_max3A_338 = vector.broadcast %reduce_max3A_337 : i32 to vector<16xi32>
      %reduce_max3A_339 = arith.xori %gather3A_320, %reduce_max3A_338 : vector<16xi32>
      %reduce_max3A_340 = tpu.scan <max>, %reduce_max3A_339 masked %reduce_max3A_336 : vector<16xi32>, vector<16xi1> -> vector<16xi32>
      %reduce_max3A_341 = arith.xori %reduce_max3A_340, %reduce_max3A_338 : vector<16xi32>
      %reduce_max3A_342 = vector.extract %reduce_max3A_341[15] : i32 from vector<16xi32>
      %eq3A_343 = vector.broadcast %reduce_max3A_342 : i32 to vector<16xi32>
      %eq3A_344 = arith.cmpi eq, %gather3A_320, %eq3A_343 : vector<16xi32>
      %jit3A_345 = arith.constant 999 : i32
      %broadcast_in_dim3A_346 = vector.broadcast %jit3A_345 : i32 to vector<16xi32>
      %select_n3A_347 = arith.select %eq3A_344, %iota3A, %broadcast_in_dim3A_346 : vector<16xi1>, vector<16xi32>
      %reduce_min3A_348 = arith.constant true
      %reduce_min3A_349 = vector.broadcast %reduce_min3A_348 : i1 to vector<16xi1>
      %reduce_min3A_350 = arith.constant -2147483648 : i32
      %reduce_min3A_351 = vector.broadcast %reduce_min3A_350 : i32 to vector<16xi32>
      %reduce_min3A_352 = arith.xori %select_n3A_347, %reduce_min3A_351 : vector<16xi32>
      %reduce_min3A_353 = tpu.scan <min>, %reduce_min3A_352 masked %reduce_min3A_349 : vector<16xi32>, vector<16xi1> -> vector<16xi32>
      %reduce_min3A_354 = arith.xori %reduce_min3A_353, %reduce_min3A_351 : vector<16xi32>
      %reduce_min3A_355 = vector.extract %reduce_min3A_354[15] : i32 from vector<16xi32>
      %eq3A_356 = vector.broadcast %reduce_min3A_355 : i32 to vector<16xi32>
      %eq3A_357 = arith.cmpi eq, %iota3A, %eq3A_356 : vector<16xi32>
      %select_n3A_358 = arith.select %eq3A_357, %gather3A_327, %gather3A_320 : vector<16xi1>, vector<16xi32>
      %reduce_max3A_359 = arith.constant true
      %reduce_max3A_360 = vector.broadcast %reduce_max3A_359 : i1 to vector<16xi1>
      %reduce_max3A_361 = arith.constant -2147483648 : i32
      %reduce_max3A_362 = vector.broadcast %reduce_max3A_361 : i32 to vector<16xi32>
      %reduce_max3A_363 = arith.xori %select_n3A_358, %reduce_max3A_362 : vector<16xi32>
      %reduce_max3A_364 = tpu.scan <max>, %reduce_max3A_363 masked %reduce_max3A_360 : vector<16xi32>, vector<16xi1> -> vector<16xi32>
      %reduce_max3A_365 = arith.xori %reduce_max3A_364, %reduce_max3A_362 : vector<16xi32>
      %reduce_max3A_366 = vector.extract %reduce_max3A_365[15] : i32 from vector<16xi32>
      %eq3A_367 = vector.broadcast %reduce_max3A_366 : i32 to vector<16xi32>
      %eq3A_368 = arith.cmpi eq, %select_n3A_358, %eq3A_367 : vector<16xi32>
      %jit3A_369 = arith.constant 999 : i32
      %broadcast_in_dim3A_370 = vector.broadcast %jit3A_369 : i32 to vector<16xi32>
      %select_n3A_371 = arith.select %eq3A_368, %iota3A, %broadcast_in_dim3A_370 : vector<16xi1>, vector<16xi32>
      %reduce_min3A_372 = arith.constant true
      %reduce_min3A_373 = vector.broadcast %reduce_min3A_372 : i1 to vector<16xi1>
      %reduce_min3A_374 = arith.constant -2147483648 : i32
      %reduce_min3A_375 = vector.broadcast %reduce_min3A_374 : i32 to vector<16xi32>
      %reduce_min3A_376 = arith.xori %select_n3A_371, %reduce_min3A_375 : vector<16xi32>
      %reduce_min3A_377 = tpu.scan <min>, %reduce_min3A_376 masked %reduce_min3A_373 : vector<16xi32>, vector<16xi1> -> vector<16xi32>
      %reduce_min3A_378 = arith.xori %reduce_min3A_377, %reduce_min3A_375 : vector<16xi32>
      %reduce_min3A_379 = vector.extract %reduce_min3A_378[15] : i32 from vector<16xi32>
      %eq3A_380 = arith.cmpi eq, %reduce_min3A_379, %reduce_min3A_355 : i32
      %jit3A_381 = arith.constant 1 : i32
      %jit3A_382 = arith.constant 0 : i32
      %select_n3A_383 = arith.select %eq3A_380, %jit3A_381, %jit3A_382 : i32
      %eq3A_384 = vector.broadcast %reduce_min3A_379 : i32 to vector<16xi32>
      %eq3A_385 = arith.cmpi eq, %iota3A, %eq3A_384 : vector<16xi32>
      %eq3A_386 = arith.constant 1 : i32
      %eq3A_387 = arith.cmpi eq, %select_n3A_383, %eq3A_386 : i32
      %select_n3A_388 = arith.select %eq3A_387, %gather3A_334, %gather3A_327 : vector<16xi32>
      %select_n3A_389 = arith.select %eq3A_385, %select_n3A_388, %select_n3A_358 : vector<16xi1>, vector<16xi32>
      %reduce_max3A_390 = arith.constant true
      %reduce_max3A_391 = vector.broadcast %reduce_max3A_390 : i1 to vector<16xi1>
      %reduce_max3A_392 = arith.constant -2147483648 : i32
      %reduce_max3A_393 = vector.broadcast %reduce_max3A_392 : i32 to vector<16xi32>
      %reduce_max3A_394 = arith.xori %select_n3A_389, %reduce_max3A_393 : vector<16xi32>
      %reduce_max3A_395 = tpu.scan <max>, %reduce_max3A_394 masked %reduce_max3A_391 : vector<16xi32>, vector<16xi1> -> vector<16xi32>
      %reduce_max3A_396 = arith.xori %reduce_max3A_395, %reduce_max3A_393 : vector<16xi32>
      %reduce_max3A_397 = vector.extract %reduce_max3A_396[15] : i32 from vector<16xi32>
      %eq3A_398 = vector.broadcast %reduce_max3A_397 : i32 to vector<16xi32>
      %eq3A_399 = arith.cmpi eq, %select_n3A_389, %eq3A_398 : vector<16xi32>
      %jit3A_400 = arith.constant 999 : i32
      %broadcast_in_dim3A_401 = vector.broadcast %jit3A_400 : i32 to vector<16xi32>
      %select_n3A_402 = arith.select %eq3A_399, %iota3A, %broadcast_in_dim3A_401 : vector<16xi1>, vector<16xi32>
      %reduce_min3A_403 = arith.constant true
      %reduce_min3A_404 = vector.broadcast %reduce_min3A_403 : i1 to vector<16xi1>
      %reduce_min3A_405 = arith.constant -2147483648 : i32
      %reduce_min3A_406 = vector.broadcast %reduce_min3A_405 : i32 to vector<16xi32>
      %reduce_min3A_407 = arith.xori %select_n3A_402, %reduce_min3A_406 : vector<16xi32>
      %reduce_min3A_408 = tpu.scan <min>, %reduce_min3A_407 masked %reduce_min3A_404 : vector<16xi32>, vector<16xi1> -> vector<16xi32>
      %reduce_min3A_409 = arith.xori %reduce_min3A_408, %reduce_min3A_406 : vector<16xi32>
      %reduce_min3A_410 = vector.extract %reduce_min3A_409[15] : i32 from vector<16xi32>
      %eq3A_411 = arith.cmpi eq, %reduce_min3A_410, %reduce_min3A_355 : i32
      %jit3A_412 = arith.constant 1 : i32
      %jit3A_413 = arith.constant 0 : i32
      %select_n3A_414 = arith.select %eq3A_411, %jit3A_412, %jit3A_413 : i32
      %eq3A_415 = arith.cmpi eq, %reduce_min3A_410, %reduce_min3A_379 : i32
      %jit3A_416 = arith.constant 1 : i32
      %jit3A_417 = arith.constant 0 : i32
      %select_n3A_418 = arith.select %eq3A_415, %jit3A_416, %jit3A_417 : i32
      %add3A_419 = arith.addi %select_n3A_414, %select_n3A_418 : i32
      %lt3A_420 = arith.constant 4 : i32
      %lt3A_421 = vector.broadcast %lt3A_420 : i32 to vector<16xi32>
      %lt3A_422 = arith.cmpi slt, %iota3A, %lt3A_421 : vector<16xi32>
      %add3A_423 = arith.constant 1 : i32
      %add3A_424 = vector.broadcast %add3A_423 : i32 to vector<16xi32>
      %add3A_425 = arith.addi %iota3A, %add3A_424 : vector<16xi32>
      %jit3A_426 = arith.constant 0 : i32
      %broadcast_in_dim3A_427 = vector.broadcast %jit3A_426 : i32 to vector<16xi32>
      %select_n3A_428 = arith.select %lt3A_422, %add3A_425, %broadcast_in_dim3A_427 : vector<16xi1>, vector<16xi32>
      %mul3A_429 = arith.constant 16 : i32
      %mul3A_430 = arith.muli %reduce_min3A_355, %mul3A_429 : i32
      %mul3A_431 = arith.constant 0 : i32
      %mul3A_432 = arith.constant 5 : i32
      %mul3A_433 = arith.muli %mul3A_431, %mul3A_432 : i32
      %add3A_434 = arith.addi %mul3A_430, %mul3A_433 : i32
      %add3A_435 = vector.broadcast %add3A_434 : i32 to vector<16xi32>
      %add3A_436 = arith.addi %add3A_435, %select_n3A_428 : vector<16xi32>
      %gather3A_437 = tpu.vector_load_idx %arg20[%add3A_436] : memref<256xi32, #tpu.memory_space<vmem>>[vector<16xi32>], vector<16xi32>,
      %add3A_438 = arith.constant 1 : i32
      %add3A_439 = arith.addi %add3A_434, %add3A_438 : i32
      %broadcast_in_dim3A_440 = vector.broadcast %add3A_439 : i32 to vector<16xi32>
      %gather3A_441 = tpu.vector_load_idx %arg20[%broadcast_in_dim3A_440] : memref<256xi32, #tpu.memory_space<vmem>>[vector<16xi32>], vector<16xi32>,
      %bitcast3A_442 = vector.bitcast %gather3A_441 : vector<16xi32> to vector<16xf32>
      %add3A_443 = arith.constant 2 : i32
      %add3A_444 = arith.addi %add3A_434, %add3A_443 : i32
      %broadcast_in_dim3A_445 = vector.broadcast %add3A_444 : i32 to vector<16xi32>
      %gather3A_446 = tpu.vector_load_idx %arg20[%broadcast_in_dim3A_445] : memref<256xi32, #tpu.memory_space<vmem>>[vector<16xi32>], vector<16xi32>,
      %bitcast3A_447 = vector.bitcast %gather3A_446 : vector<16xi32> to vector<16xf32>
      %add3A_448 = arith.constant 3 : i32
      %add3A_449 = arith.addi %add3A_434, %add3A_448 : i32
      %broadcast_in_dim3A_450 = vector.broadcast %add3A_449 : i32 to vector<16xi32>
      %gather3A_451 = tpu.vector_load_idx %arg20[%broadcast_in_dim3A_450] : memref<256xi32, #tpu.memory_space<vmem>>[vector<16xi32>], vector<16xi32>,
      %bitcast3A_452 = vector.bitcast %gather3A_451 : vector<16xi32> to vector<16xf32>
      %add3A_453 = arith.constant 4 : i32
      %add3A_454 = arith.addi %add3A_434, %add3A_453 : i32
      %broadcast_in_dim3A_455 = vector.broadcast %add3A_454 : i32 to vector<16xi32>
      %gather3A_456 = tpu.vector_load_idx %arg20[%broadcast_in_dim3A_455] : memref<256xi32, #tpu.memory_space<vmem>>[vector<16xi32>], vector<16xi32>,
      %bitcast3A_457 = vector.bitcast %gather3A_456 : vector<16xi32> to vector<16xf32>
      %sub3A_458 = arith.subf %bitcast3A_452, %bitcast3A_442 : vector<16xf32>
      %sub3A_459 = arith.subf %bitcast3A_457, %bitcast3A_447 : vector<16xf32>
      %mul3A_460 = arith.mulf %sub3A_458, %sub3A_459 : vector<16xf32>
      %mul3A_461 = arith.constant 16 : i32
      %mul3A_462 = arith.muli %reduce_min3A_379, %mul3A_461 : i32
      %mul3A_463 = arith.constant 5 : i32
      %mul3A_464 = arith.muli %select_n3A_383, %mul3A_463 : i32
      %add3A_465 = arith.addi %mul3A_462, %mul3A_464 : i32
      %add3A_466 = vector.broadcast %add3A_465 : i32 to vector<16xi32>
      %add3A_467 = arith.addi %add3A_466, %select_n3A_428 : vector<16xi32>
      %gather3A_468 = tpu.vector_load_idx %arg20[%add3A_467] : memref<256xi32, #tpu.memory_space<vmem>>[vector<16xi32>], vector<16xi32>,
      %add3A_469 = arith.constant 1 : i32
      %add3A_470 = arith.addi %add3A_465, %add3A_469 : i32
      %broadcast_in_dim3A_471 = vector.broadcast %add3A_470 : i32 to vector<16xi32>
      %gather3A_472 = tpu.vector_load_idx %arg20[%broadcast_in_dim3A_471] : memref<256xi32, #tpu.memory_space<vmem>>[vector<16xi32>], vector<16xi32>,
      %bitcast3A_473 = vector.bitcast %gather3A_472 : vector<16xi32> to vector<16xf32>
      %add3A_474 = arith.constant 2 : i32
      %add3A_475 = arith.addi %add3A_465, %add3A_474 : i32
      %broadcast_in_dim3A_476 = vector.broadcast %add3A_475 : i32 to vector<16xi32>
      %gather3A_477 = tpu.vector_load_idx %arg20[%broadcast_in_dim3A_476] : memref<256xi32, #tpu.memory_space<vmem>>[vector<16xi32>], vector<16xi32>,
      %bitcast3A_478 = vector.bitcast %gather3A_477 : vector<16xi32> to vector<16xf32>
      %add3A_479 = arith.constant 3 : i32
      %add3A_480 = arith.addi %add3A_465, %add3A_479 : i32
      %broadcast_in_dim3A_481 = vector.broadcast %add3A_480 : i32 to vector<16xi32>
      %gather3A_482 = tpu.vector_load_idx %arg20[%broadcast_in_dim3A_481] : memref<256xi32, #tpu.memory_space<vmem>>[vector<16xi32>], vector<16xi32>,
      %bitcast3A_483 = vector.bitcast %gather3A_482 : vector<16xi32> to vector<16xf32>
      %add3A_484 = arith.constant 4 : i32
      %add3A_485 = arith.addi %add3A_465, %add3A_484 : i32
      %broadcast_in_dim3A_486 = vector.broadcast %add3A_485 : i32 to vector<16xi32>
      %gather3A_487 = tpu.vector_load_idx %arg20[%broadcast_in_dim3A_486] : memref<256xi32, #tpu.memory_space<vmem>>[vector<16xi32>], vector<16xi32>,
      %bitcast3A_488 = vector.bitcast %gather3A_487 : vector<16xi32> to vector<16xf32>
      %sub3A_489 = arith.subf %bitcast3A_483, %bitcast3A_473 : vector<16xf32>
      %sub3A_490 = arith.subf %bitcast3A_488, %bitcast3A_478 : vector<16xf32>
      %mul3A_491 = arith.mulf %sub3A_489, %sub3A_490 : vector<16xf32>
      %mul3A_492 = arith.constant 16 : i32
      %mul3A_493 = arith.muli %reduce_min3A_410, %mul3A_492 : i32
      %mul3A_494 = arith.constant 5 : i32
      %mul3A_495 = arith.muli %add3A_419, %mul3A_494 : i32
      %add3A_496 = arith.addi %mul3A_493, %mul3A_495 : i32
      %add3A_497 = vector.broadcast %add3A_496 : i32 to vector<16xi32>
      %add3A_498 = arith.addi %add3A_497, %select_n3A_428 : vector<16xi32>
      %gather3A_499 = tpu.vector_load_idx %arg20[%add3A_498] : memref<256xi32, #tpu.memory_space<vmem>>[vector<16xi32>], vector<16xi32>,
      %add3A_500 = arith.constant 1 : i32
      %add3A_501 = arith.addi %add3A_496, %add3A_500 : i32
      %broadcast_in_dim3A_502 = vector.broadcast %add3A_501 : i32 to vector<16xi32>
      %gather3A_503 = tpu.vector_load_idx %arg20[%broadcast_in_dim3A_502] : memref<256xi32, #tpu.memory_space<vmem>>[vector<16xi32>], vector<16xi32>,
      %bitcast3A_504 = vector.bitcast %gather3A_503 : vector<16xi32> to vector<16xf32>
      %add3A_505 = arith.constant 2 : i32
      %add3A_506 = arith.addi %add3A_496, %add3A_505 : i32
      %broadcast_in_dim3A_507 = vector.broadcast %add3A_506 : i32 to vector<16xi32>
      %gather3A_508 = tpu.vector_load_idx %arg20[%broadcast_in_dim3A_507] : memref<256xi32, #tpu.memory_space<vmem>>[vector<16xi32>], vector<16xi32>,
      %bitcast3A_509 = vector.bitcast %gather3A_508 : vector<16xi32> to vector<16xf32>
      %add3A_510 = arith.constant 3 : i32
      %add3A_511 = arith.addi %add3A_496, %add3A_510 : i32
      %broadcast_in_dim3A_512 = vector.broadcast %add3A_511 : i32 to vector<16xi32>
      %gather3A_513 = tpu.vector_load_idx %arg20[%broadcast_in_dim3A_512] : memref<256xi32, #tpu.memory_space<vmem>>[vector<16xi32>], vector<16xi32>,
      %bitcast3A_514 = vector.bitcast %gather3A_513 : vector<16xi32> to vector<16xf32>
      %add3A_515 = arith.constant 4 : i32
      %add3A_516 = arith.addi %add3A_496, %add3A_515 : i32
      %broadcast_in_dim3A_517 = vector.broadcast %add3A_516 : i32 to vector<16xi32>
      %gather3A_518 = tpu.vector_load_idx %arg20[%broadcast_in_dim3A_517] : memref<256xi32, #tpu.memory_space<vmem>>[vector<16xi32>], vector<16xi32>,
      %bitcast3A_519 = vector.bitcast %gather3A_518 : vector<16xi32> to vector<16xf32>
      %sub3A_520 = arith.subf %bitcast3A_514, %bitcast3A_504 : vector<16xf32>
      %sub3A_521 = arith.subf %bitcast3A_519, %bitcast3A_509 : vector<16xf32>
      %mul3A_522 = arith.mulf %sub3A_520, %sub3A_521 : vector<16xf32>
      %max3A_523 = arith.maximumf %bitcast3A_442, %bitcast3A_473 : vector<16xf32>
      %max3A_524 = arith.maximumf %bitcast3A_447, %bitcast3A_478 : vector<16xf32>
      %min3A = arith.minimumf %bitcast3A_452, %bitcast3A_483 : vector<16xf32>
      %min3A_525 = arith.minimumf %bitcast3A_457, %bitcast3A_488 : vector<16xf32>
      %sub3A_526 = arith.subf %min3A, %max3A_523 : vector<16xf32>
      %max3A_527 = arith.constant 0.000000e+00 : f32
      %max3A_528 = vector.broadcast %max3A_527 : f32 to vector<16xf32>
      %max3A_529 = arith.maximumf %sub3A_526, %max3A_528 : vector<16xf32>
      %sub3A_530 = arith.subf %min3A_525, %max3A_524 : vector<16xf32>
      %max3A_531 = arith.constant 0.000000e+00 : f32
      %max3A_532 = vector.broadcast %max3A_531 : f32 to vector<16xf32>
      %max3A_533 = arith.maximumf %sub3A_530, %max3A_532 : vector<16xf32>
      %mul3A_534 = arith.mulf %max3A_529, %max3A_533 : vector<16xf32>
      %add3A_535 = arith.addf %mul3A_460, %mul3A_491 : vector<16xf32>
      %sub3A_536 = arith.subf %add3A_535, %mul3A_534 : vector<16xf32>
      %add3A_537 = arith.constant 9.99999993E-9 : f32
      %add3A_538 = vector.broadcast %add3A_537 : f32 to vector<16xf32>
      %add3A_539 = arith.addf %sub3A_536, %add3A_538 : vector<16xf32>
      %div3A = arith.divf %mul3A_534, %add3A_539 : vector<16xf32>
      %le3A = vector.broadcast %while3A : f32 to vector<16xf32>
      %le3A_540 = arith.cmpf ole, %div3A, %le3A : vector<16xf32>
      %jit3A_541 = arith.constant 1 : i32
      %jit3A_542 = arith.constant 0 : i32
      %broadcast_in_dim3A_543 = vector.broadcast %jit3A_541 : i32 to vector<16xi32>
      %broadcast_in_dim3A_544 = vector.broadcast %jit3A_542 : i32 to vector<16xi32>
      %select_n3A_545 = arith.select %le3A_540, %broadcast_in_dim3A_543, %broadcast_in_dim3A_544 : vector<16xi1>, vector<16xi32>
      %reduce_max3A_546 = arith.constant true
      %reduce_max3A_547 = vector.broadcast %reduce_max3A_546 : i1 to vector<16xi1>
      %reduce_max3A_548 = arith.constant -2147483648 : i32
      %reduce_max3A_549 = vector.broadcast %reduce_max3A_548 : i32 to vector<16xi32>
      %reduce_max3A_550 = arith.xori %select_n3A_545, %reduce_max3A_549 : vector<16xi32>
      %reduce_max3A_551 = tpu.scan <max>, %reduce_max3A_550 masked %reduce_max3A_547 : vector<16xi32>, vector<16xi1> -> vector<16xi32>
      %reduce_max3A_552 = arith.xori %reduce_max3A_551, %reduce_max3A_549 : vector<16xi32>
      %reduce_max3A_553 = vector.extract %reduce_max3A_552[15] : i32 from vector<16xi32>
      %max3A_554 = arith.maximumf %bitcast3A_442, %bitcast3A_504 : vector<16xf32>
      %max3A_555 = arith.maximumf %bitcast3A_447, %bitcast3A_509 : vector<16xf32>
      %min3A_556 = arith.minimumf %bitcast3A_452, %bitcast3A_514 : vector<16xf32>
      %min3A_557 = arith.minimumf %bitcast3A_457, %bitcast3A_519 : vector<16xf32>
      %sub3A_558 = arith.subf %min3A_556, %max3A_554 : vector<16xf32>
      %max3A_559 = arith.constant 0.000000e+00 : f32
      %max3A_560 = vector.broadcast %max3A_559 : f32 to vector<16xf32>
      %max3A_561 = arith.maximumf %sub3A_558, %max3A_560 : vector<16xf32>
      %sub3A_562 = arith.subf %min3A_557, %max3A_555 : vector<16xf32>
      %max3A_563 = arith.constant 0.000000e+00 : f32
      %max3A_564 = vector.broadcast %max3A_563 : f32 to vector<16xf32>
      %max3A_565 = arith.maximumf %sub3A_562, %max3A_564 : vector<16xf32>
      %mul3A_566 = arith.mulf %max3A_561, %max3A_565 : vector<16xf32>
      %add3A_567 = arith.addf %mul3A_460, %mul3A_522 : vector<16xf32>
      %sub3A_568 = arith.subf %add3A_567, %mul3A_566 : vector<16xf32>
      %add3A_569 = arith.constant 9.99999993E-9 : f32
      %add3A_570 = vector.broadcast %add3A_569 : f32 to vector<16xf32>
      %add3A_571 = arith.addf %sub3A_568, %add3A_570 : vector<16xf32>
      %div3A_572 = arith.divf %mul3A_566, %add3A_571 : vector<16xf32>
      %le3A_573 = vector.broadcast %while3A : f32 to vector<16xf32>
      %le3A_574 = arith.cmpf ole, %div3A_572, %le3A_573 : vector<16xf32>
      %jit3A_575 = arith.constant 1 : i32
      %jit3A_576 = arith.constant 0 : i32
      %broadcast_in_dim3A_577 = vector.broadcast %jit3A_575 : i32 to vector<16xi32>
      %broadcast_in_dim3A_578 = vector.broadcast %jit3A_576 : i32 to vector<16xi32>
      %select_n3A_579 = arith.select %le3A_574, %broadcast_in_dim3A_577, %broadcast_in_dim3A_578 : vector<16xi1>, vector<16xi32>
      %reduce_max3A_580 = arith.constant true
      %reduce_max3A_581 = vector.broadcast %reduce_max3A_580 : i1 to vector<16xi1>
      %reduce_max3A_582 = arith.constant -2147483648 : i32
      %reduce_max3A_583 = vector.broadcast %reduce_max3A_582 : i32 to vector<16xi32>
      %reduce_max3A_584 = arith.xori %select_n3A_579, %reduce_max3A_583 : vector<16xi32>
      %reduce_max3A_585 = tpu.scan <max>, %reduce_max3A_584 masked %reduce_max3A_581 : vector<16xi32>, vector<16xi1> -> vector<16xi32>
      %reduce_max3A_586 = arith.xori %reduce_max3A_585, %reduce_max3A_583 : vector<16xi32>
      %reduce_max3A_587 = vector.extract %reduce_max3A_586[15] : i32 from vector<16xi32>
      %max3A_588 = arith.maximumf %bitcast3A_473, %bitcast3A_504 : vector<16xf32>
      %max3A_589 = arith.maximumf %bitcast3A_478, %bitcast3A_509 : vector<16xf32>
      %min3A_590 = arith.minimumf %bitcast3A_483, %bitcast3A_514 : vector<16xf32>
      %min3A_591 = arith.minimumf %bitcast3A_488, %bitcast3A_519 : vector<16xf32>
      %sub3A_592 = arith.subf %min3A_590, %max3A_588 : vector<16xf32>
      %max3A_593 = arith.constant 0.000000e+00 : f32
      %max3A_594 = vector.broadcast %max3A_593 : f32 to vector<16xf32>
      %max3A_595 = arith.maximumf %sub3A_592, %max3A_594 : vector<16xf32>
      %sub3A_596 = arith.subf %min3A_591, %max3A_589 : vector<16xf32>
      %max3A_597 = arith.constant 0.000000e+00 : f32
      %max3A_598 = vector.broadcast %max3A_597 : f32 to vector<16xf32>
      %max3A_599 = arith.maximumf %sub3A_596, %max3A_598 : vector<16xf32>
      %mul3A_600 = arith.mulf %max3A_595, %max3A_599 : vector<16xf32>
      %add3A_601 = arith.addf %mul3A_491, %mul3A_522 : vector<16xf32>
      %sub3A_602 = arith.subf %add3A_601, %mul3A_600 : vector<16xf32>
      %add3A_603 = arith.constant 9.99999993E-9 : f32
      %add3A_604 = vector.broadcast %add3A_603 : f32 to vector<16xf32>
      %add3A_605 = arith.addf %sub3A_602, %add3A_604 : vector<16xf32>
      %div3A_606 = arith.divf %mul3A_600, %add3A_605 : vector<16xf32>
      %le3A_607 = vector.broadcast %while3A : f32 to vector<16xf32>
      %le3A_608 = arith.cmpf ole, %div3A_606, %le3A_607 : vector<16xf32>
      %jit3A_609 = arith.constant 1 : i32
      %jit3A_610 = arith.constant 0 : i32
      %broadcast_in_dim3A_611 = vector.broadcast %jit3A_609 : i32 to vector<16xi32>
      %broadcast_in_dim3A_612 = vector.broadcast %jit3A_610 : i32 to vector<16xi32>
      %select_n3A_613 = arith.select %le3A_608, %broadcast_in_dim3A_611, %broadcast_in_dim3A_612 : vector<16xi1>, vector<16xi32>
      %reduce_max3A_614 = arith.constant true
      %reduce_max3A_615 = vector.broadcast %reduce_max3A_614 : i1 to vector<16xi1>
      %reduce_max3A_616 = arith.constant -2147483648 : i32
      %reduce_max3A_617 = vector.broadcast %reduce_max3A_616 : i32 to vector<16xi32>
      %reduce_max3A_618 = arith.xori %select_n3A_613, %reduce_max3A_617 : vector<16xi32>
      %reduce_max3A_619 = tpu.scan <max>, %reduce_max3A_618 masked %reduce_max3A_615 : vector<16xi32>, vector<16xi1> -> vector<16xi32>
      %reduce_max3A_620 = arith.xori %reduce_max3A_619, %reduce_max3A_617 : vector<16xi32>
      %reduce_max3A_621 = vector.extract %reduce_max3A_620[15] : i32 from vector<16xi32>
      %lt3A_622 = arith.constant 0 : i32
      %lt3A_623 = arith.cmpi slt, %reduce_max3A_342, %lt3A_622 : i32
      %lt3A_624 = arith.constant 0 : i32
      %lt3A_625 = arith.cmpi slt, %reduce_max3A_342, %lt3A_624 : i32
      %ge3A = arith.constant 0 : i32
      %ge3A_626 = arith.cmpi sge, %reduce_max3A_366, %ge3A : i32
      %eq3A_627 = arith.constant 1 : i32
      %eq3A_628 = arith.cmpi eq, %reduce_max3A_553, %eq3A_627 : i32
      %and3A_629 = arith.andi %ge3A_626, %eq3A_628 : i1
      %not3A = arith.constant true
      %not3A_630 = arith.xori %lt3A_625, %not3A : i1
      %and3A_631 = arith.andi %and3A_629, %not3A_630 : i1
      %ge3A_632 = arith.constant 0 : i32
      %ge3A_633 = arith.cmpi sge, %reduce_max3A_397, %ge3A_632 : i32
      %eq3A_634 = arith.constant 1 : i32
      %eq3A_635 = arith.cmpi eq, %reduce_max3A_587, %eq3A_634 : i32
      %and3A_636 = arith.andi %ge3A_633, %eq3A_635 : i1
      %not3A_637 = arith.constant true
      %not3A_638 = arith.xori %and3A_631, %not3A_637 : i1
      %eq3A_639 = arith.constant 1 : i32
      %eq3A_640 = arith.cmpi eq, %reduce_max3A_621, %eq3A_639 : i32
      %or3A = arith.ori %not3A_638, %eq3A_640 : i1
      %and3A_641 = arith.andi %and3A_636, %or3A : i1
      %not3A_642 = arith.constant true
      %not3A_643 = arith.xori %lt3A_625, %not3A_642 : i1
      %and3A_644 = arith.andi %and3A_641, %not3A_643 : i1
      %jit3A_645 = arith.constant 1 : i32
      %jit3A_646 = arith.constant 0 : i32
      %select_n3A_647 = arith.select %and3A_631, %jit3A_645, %jit3A_646 : i32
      %jit3A_648 = arith.constant 1 : i32
      %jit3A_649 = arith.constant 0 : i32
      %select_n3A_650 = arith.select %and3A_644, %jit3A_648, %jit3A_649 : i32
      %while3A_651 = arith.constant 0 : i32
      %while3A_652 = arith.constant 0 : i32
      %while3A_653 = arith.subi %max3A_83, %while3A_652 : i32
      %while3A_654 = arith.addi %while3A_652, %while3A_653 : i32
      %while3A_655 = arith.constant 1 : i32
      %while3A_656 = arith.divsi %while3A_653, %while3A_655 : i32
      %while3A_657 = arith.muli %while3A_656, %while3A_655 : i32
      %while3A_658 = arith.addi %while3A_652, %while3A_657 : i32
      %while3A_659 = arith.constant 1 : i32
      scf.for %while3A_710 = %while3A_652 to %while3A_658 step %while3A_659  : i32 {
        %mul3A_711 = arith.constant 16 : i32
        %mul3A_712 = arith.muli %while3A_710, %mul3A_711 : i32
        %get3A = arith.index_cast %mul3A_712 : i32 to index
        %get3A_713 = tpu.vector_load %arg13[%get3A] {strides = array<i32>} : memref<1280xf32, #tpu.memory_space<vmem>>, vector<16xf32>,
        %get3A_714 = arith.index_cast %mul3A_712 : i32 to index
        %get3A_715 = tpu.vector_load %arg14[%get3A_714] {strides = array<i32>} : memref<1280xf32, #tpu.memory_space<vmem>>, vector<16xf32>,
        %get3A_716 = arith.index_cast %mul3A_712 : i32 to index
        %get3A_717 = tpu.vector_load %arg15[%get3A_716] {strides = array<i32>} : memref<1280xf32, #tpu.memory_space<vmem>>, vector<16xf32>,
        %get3A_718 = arith.index_cast %mul3A_712 : i32 to index
        %get3A_719 = tpu.vector_load %arg16[%get3A_718] {strides = array<i32>} : memref<1280xf32, #tpu.memory_space<vmem>>, vector<16xf32>,
        %get3A_720 = arith.index_cast %mul3A_712 : i32 to index
        %get3A_721 = tpu.vector_load %arg17[%get3A_720] {strides = array<i32>} : memref<1280xf32, #tpu.memory_space<vmem>>, vector<16xf32>,
        %max3A_722 = arith.maximumf %get3A_713, %bitcast3A_442 : vector<16xf32>
        %max3A_723 = arith.maximumf %get3A_715, %bitcast3A_447 : vector<16xf32>
        %min3A_724 = arith.minimumf %get3A_717, %bitcast3A_452 : vector<16xf32>
        %min3A_725 = arith.minimumf %get3A_719, %bitcast3A_457 : vector<16xf32>
        %sub3A_726 = arith.subf %min3A_724, %max3A_722 : vector<16xf32>
        %max3A_727 = arith.constant 0.000000e+00 : f32
        %max3A_728 = vector.broadcast %max3A_727 : f32 to vector<16xf32>
        %max3A_729 = arith.maximumf %sub3A_726, %max3A_728 : vector<16xf32>
        %sub3A_730 = arith.subf %min3A_725, %max3A_723 : vector<16xf32>
        %max3A_731 = arith.constant 0.000000e+00 : f32
        %max3A_732 = vector.broadcast %max3A_731 : f32 to vector<16xf32>
        %max3A_733 = arith.maximumf %sub3A_730, %max3A_732 : vector<16xf32>
        %mul3A_734 = arith.mulf %max3A_729, %max3A_733 : vector<16xf32>
        %add3A_735 = arith.addf %mul3A_460, %get3A_721 : vector<16xf32>
        %sub3A_736 = arith.subf %add3A_735, %mul3A_734 : vector<16xf32>
        %add3A_737 = arith.constant 9.99999993E-9 : f32
        %add3A_738 = vector.broadcast %add3A_737 : f32 to vector<16xf32>
        %add3A_739 = arith.addf %sub3A_736, %add3A_738 : vector<16xf32>
        %div3A_740 = arith.divf %mul3A_734, %add3A_739 : vector<16xf32>
        %gt3A = vector.broadcast %while3A : f32 to vector<16xf32>
        %gt3A_741 = arith.cmpf ogt, %div3A_740, %gt3A : vector<16xf32>
        %max3A_742 = arith.maximumf %get3A_713, %bitcast3A_473 : vector<16xf32>
        %max3A_743 = arith.maximumf %get3A_715, %bitcast3A_478 : vector<16xf32>
        %min3A_744 = arith.minimumf %get3A_717, %bitcast3A_483 : vector<16xf32>
        %min3A_745 = arith.minimumf %get3A_719, %bitcast3A_488 : vector<16xf32>
        %sub3A_746 = arith.subf %min3A_744, %max3A_742 : vector<16xf32>
        %max3A_747 = arith.constant 0.000000e+00 : f32
        %max3A_748 = vector.broadcast %max3A_747 : f32 to vector<16xf32>
        %max3A_749 = arith.maximumf %sub3A_746, %max3A_748 : vector<16xf32>
        %sub3A_750 = arith.subf %min3A_745, %max3A_743 : vector<16xf32>
        %max3A_751 = arith.constant 0.000000e+00 : f32
        %max3A_752 = vector.broadcast %max3A_751 : f32 to vector<16xf32>
        %max3A_753 = arith.maximumf %sub3A_750, %max3A_752 : vector<16xf32>
        %mul3A_754 = arith.mulf %max3A_749, %max3A_753 : vector<16xf32>
        %add3A_755 = arith.addf %mul3A_491, %get3A_721 : vector<16xf32>
        %sub3A_756 = arith.subf %add3A_755, %mul3A_754 : vector<16xf32>
        %add3A_757 = arith.constant 9.99999993E-9 : f32
        %add3A_758 = vector.broadcast %add3A_757 : f32 to vector<16xf32>
        %add3A_759 = arith.addf %sub3A_756, %add3A_758 : vector<16xf32>
        %div3A_760 = arith.divf %mul3A_754, %add3A_759 : vector<16xf32>
        %gt3A_761 = vector.broadcast %while3A : f32 to vector<16xf32>
        %gt3A_762 = arith.cmpf ogt, %div3A_760, %gt3A_761 : vector<16xf32>
        %and3A_763 = vector.broadcast %and3A_631 : i1 to vector<16xi1>
        %and3A_764 = arith.andi %gt3A_762, %and3A_763 : vector<16xi1>
        %max3A_765 = arith.maximumf %get3A_713, %bitcast3A_504 : vector<16xf32>
        %max3A_766 = arith.maximumf %get3A_715, %bitcast3A_509 : vector<16xf32>
        %min3A_767 = arith.minimumf %get3A_717, %bitcast3A_514 : vector<16xf32>
        %min3A_768 = arith.minimumf %get3A_719, %bitcast3A_519 : vector<16xf32>
        %sub3A_769 = arith.subf %min3A_767, %max3A_765 : vector<16xf32>
        %max3A_770 = arith.constant 0.000000e+00 : f32
        %max3A_771 = vector.broadcast %max3A_770 : f32 to vector<16xf32>
        %max3A_772 = arith.maximumf %sub3A_769, %max3A_771 : vector<16xf32>
        %sub3A_773 = arith.subf %min3A_768, %max3A_766 : vector<16xf32>
        %max3A_774 = arith.constant 0.000000e+00 : f32
        %max3A_775 = vector.broadcast %max3A_774 : f32 to vector<16xf32>
        %max3A_776 = arith.maximumf %sub3A_773, %max3A_775 : vector<16xf32>
        %mul3A_777 = arith.mulf %max3A_772, %max3A_776 : vector<16xf32>
        %add3A_778 = arith.addf %mul3A_522, %get3A_721 : vector<16xf32>
        %sub3A_779 = arith.subf %add3A_778, %mul3A_777 : vector<16xf32>
        %add3A_780 = arith.constant 9.99999993E-9 : f32
        %add3A_781 = vector.broadcast %add3A_780 : f32 to vector<16xf32>
        %add3A_782 = arith.addf %sub3A_779, %add3A_781 : vector<16xf32>
        %div3A_783 = arith.divf %mul3A_777, %add3A_782 : vector<16xf32>
        %gt3A_784 = vector.broadcast %while3A : f32 to vector<16xf32>
        %gt3A_785 = arith.cmpf ogt, %div3A_783, %gt3A_784 : vector<16xf32>
        %and3A_786 = vector.broadcast %and3A_644 : i1 to vector<16xi1>
        %and3A_787 = arith.andi %gt3A_785, %and3A_786 : vector<16xi1>
        %or3A_788 = arith.ori %and3A_764, %and3A_787 : vector<16xi1>
        %or3A_789 = arith.ori %gt3A_741, %or3A_788 : vector<16xi1>
        %get3A_790 = arith.index_cast %mul3A_712 : i32 to index
        %get3A_791 = tpu.vector_load %arg18[%get3A_790] {strides = array<i32>} : memref<1280xi32, #tpu.memory_space<vmem>>, vector<16xi32>,
        %jit3A_792 = arith.constant -1 : i32
        %broadcast_in_dim3A_793 = vector.broadcast %jit3A_792 : i32 to vector<16xi32>
        %select_n3A_794 = arith.select %or3A_789, %broadcast_in_dim3A_793, %get3A_791 : vector<16xi1>, vector<16xi32>
        %swap3A_795 = arith.index_cast %mul3A_712 : i32 to index
        %swap3A_796 = tpu.vector_load %arg18[%swap3A_795] {strides = array<i32>} : memref<1280xi32, #tpu.memory_space<vmem>>, vector<16xi32>,
        tpu.vector_store %arg18[%swap3A_795], %select_n3A_794 {strides = array<i32>} : memref<1280xi32, #tpu.memory_space<vmem>>, vector<16xi32>,
      }
      %while3A_660 = arith.constant 1 : i32
      scf.for %while3A_710 = %while3A_658 to %while3A_654 step %while3A_660  : i32 {
        %mul3A_711 = arith.constant 16 : i32
        %mul3A_712 = arith.muli %while3A_710, %mul3A_711 : i32
        %get3A = arith.index_cast %mul3A_712 : i32 to index
        %get3A_713 = tpu.vector_load %arg13[%get3A] {strides = array<i32>} : memref<1280xf32, #tpu.memory_space<vmem>>, vector<16xf32>,
        %get3A_714 = arith.index_cast %mul3A_712 : i32 to index
        %get3A_715 = tpu.vector_load %arg14[%get3A_714] {strides = array<i32>} : memref<1280xf32, #tpu.memory_space<vmem>>, vector<16xf32>,
        %get3A_716 = arith.index_cast %mul3A_712 : i32 to index
        %get3A_717 = tpu.vector_load %arg15[%get3A_716] {strides = array<i32>} : memref<1280xf32, #tpu.memory_space<vmem>>, vector<16xf32>,
        %get3A_718 = arith.index_cast %mul3A_712 : i32 to index
        %get3A_719 = tpu.vector_load %arg16[%get3A_718] {strides = array<i32>} : memref<1280xf32, #tpu.memory_space<vmem>>, vector<16xf32>,
        %get3A_720 = arith.index_cast %mul3A_712 : i32 to index
        %get3A_721 = tpu.vector_load %arg17[%get3A_720] {strides = array<i32>} : memref<1280xf32, #tpu.memory_space<vmem>>, vector<16xf32>,
        %max3A_722 = arith.maximumf %get3A_713, %bitcast3A_442 : vector<16xf32>
        %max3A_723 = arith.maximumf %get3A_715, %bitcast3A_447 : vector<16xf32>
        %min3A_724 = arith.minimumf %get3A_717, %bitcast3A_452 : vector<16xf32>
        %min3A_725 = arith.minimumf %get3A_719, %bitcast3A_457 : vector<16xf32>
        %sub3A_726 = arith.subf %min3A_724, %max3A_722 : vector<16xf32>
        %max3A_727 = arith.constant 0.000000e+00 : f32
        %max3A_728 = vector.broadcast %max3A_727 : f32 to vector<16xf32>
        %max3A_729 = arith.maximumf %sub3A_726, %max3A_728 : vector<16xf32>
        %sub3A_730 = arith.subf %min3A_725, %max3A_723 : vector<16xf32>
        %max3A_731 = arith.constant 0.000000e+00 : f32
        %max3A_732 = vector.broadcast %max3A_731 : f32 to vector<16xf32>
        %max3A_733 = arith.maximumf %sub3A_730, %max3A_732 : vector<16xf32>
        %mul3A_734 = arith.mulf %max3A_729, %max3A_733 : vector<16xf32>
        %add3A_735 = arith.addf %mul3A_460, %get3A_721 : vector<16xf32>
        %sub3A_736 = arith.subf %add3A_735, %mul3A_734 : vector<16xf32>
        %add3A_737 = arith.constant 9.99999993E-9 : f32
        %add3A_738 = vector.broadcast %add3A_737 : f32 to vector<16xf32>
        %add3A_739 = arith.addf %sub3A_736, %add3A_738 : vector<16xf32>
        %div3A_740 = arith.divf %mul3A_734, %add3A_739 : vector<16xf32>
        %gt3A = vector.broadcast %while3A : f32 to vector<16xf32>
        %gt3A_741 = arith.cmpf ogt, %div3A_740, %gt3A : vector<16xf32>
        %max3A_742 = arith.maximumf %get3A_713, %bitcast3A_473 : vector<16xf32>
        %max3A_743 = arith.maximumf %get3A_715, %bitcast3A_478 : vector<16xf32>
        %min3A_744 = arith.minimumf %get3A_717, %bitcast3A_483 : vector<16xf32>
        %min3A_745 = arith.minimumf %get3A_719, %bitcast3A_488 : vector<16xf32>
        %sub3A_746 = arith.subf %min3A_744, %max3A_742 : vector<16xf32>
        %max3A_747 = arith.constant 0.000000e+00 : f32
        %max3A_748 = vector.broadcast %max3A_747 : f32 to vector<16xf32>
        %max3A_749 = arith.maximumf %sub3A_746, %max3A_748 : vector<16xf32>
        %sub3A_750 = arith.subf %min3A_745, %max3A_743 : vector<16xf32>
        %max3A_751 = arith.constant 0.000000e+00 : f32
        %max3A_752 = vector.broadcast %max3A_751 : f32 to vector<16xf32>
        %max3A_753 = arith.maximumf %sub3A_750, %max3A_752 : vector<16xf32>
        %mul3A_754 = arith.mulf %max3A_749, %max3A_753 : vector<16xf32>
        %add3A_755 = arith.addf %mul3A_491, %get3A_721 : vector<16xf32>
        %sub3A_756 = arith.subf %add3A_755, %mul3A_754 : vector<16xf32>
        %add3A_757 = arith.constant 9.99999993E-9 : f32
        %add3A_758 = vector.broadcast %add3A_757 : f32 to vector<16xf32>
        %add3A_759 = arith.addf %sub3A_756, %add3A_758 : vector<16xf32>
        %div3A_760 = arith.divf %mul3A_754, %add3A_759 : vector<16xf32>
        %gt3A_761 = vector.broadcast %while3A : f32 to vector<16xf32>
        %gt3A_762 = arith.cmpf ogt, %div3A_760, %gt3A_761 : vector<16xf32>
        %and3A_763 = vector.broadcast %and3A_631 : i1 to vector<16xi1>
        %and3A_764 = arith.andi %gt3A_762, %and3A_763 : vector<16xi1>
        %max3A_765 = arith.maximumf %get3A_713, %bitcast3A_504 : vector<16xf32>
        %max3A_766 = arith.maximumf %get3A_715, %bitcast3A_509 : vector<16xf32>
        %min3A_767 = arith.minimumf %get3A_717, %bitcast3A_514 : vector<16xf32>
        %min3A_768 = arith.minimumf %get3A_719, %bitcast3A_519 : vector<16xf32>
        %sub3A_769 = arith.subf %min3A_767, %max3A_765 : vector<16xf32>
        %max3A_770 = arith.constant 0.000000e+00 : f32
        %max3A_771 = vector.broadcast %max3A_770 : f32 to vector<16xf32>
        %max3A_772 = arith.maximumf %sub3A_769, %max3A_771 : vector<16xf32>
        %sub3A_773 = arith.subf %min3A_768, %max3A_766 : vector<16xf32>
        %max3A_774 = arith.constant 0.000000e+00 : f32
        %max3A_775 = vector.broadcast %max3A_774 : f32 to vector<16xf32>
        %max3A_776 = arith.maximumf %sub3A_773, %max3A_775 : vector<16xf32>
        %mul3A_777 = arith.mulf %max3A_772, %max3A_776 : vector<16xf32>
        %add3A_778 = arith.addf %mul3A_522, %get3A_721 : vector<16xf32>
        %sub3A_779 = arith.subf %add3A_778, %mul3A_777 : vector<16xf32>
        %add3A_780 = arith.constant 9.99999993E-9 : f32
        %add3A_781 = vector.broadcast %add3A_780 : f32 to vector<16xf32>
        %add3A_782 = arith.addf %sub3A_779, %add3A_781 : vector<16xf32>
        %div3A_783 = arith.divf %mul3A_777, %add3A_782 : vector<16xf32>
        %gt3A_784 = vector.broadcast %while3A : f32 to vector<16xf32>
        %gt3A_785 = arith.cmpf ogt, %div3A_783, %gt3A_784 : vector<16xf32>
        %and3A_786 = vector.broadcast %and3A_644 : i1 to vector<16xi1>
        %and3A_787 = arith.andi %gt3A_785, %and3A_786 : vector<16xi1>
        %or3A_788 = arith.ori %and3A_764, %and3A_787 : vector<16xi1>
        %or3A_789 = arith.ori %gt3A_741, %or3A_788 : vector<16xi1>
        %get3A_790 = arith.index_cast %mul3A_712 : i32 to index
        %get3A_791 = tpu.vector_load %arg18[%get3A_790] {strides = array<i32>} : memref<1280xi32, #tpu.memory_space<vmem>>, vector<16xi32>,
        %jit3A_792 = arith.constant -1 : i32
        %broadcast_in_dim3A_793 = vector.broadcast %jit3A_792 : i32 to vector<16xi32>
        %select_n3A_794 = arith.select %or3A_789, %broadcast_in_dim3A_793, %get3A_791 : vector<16xi1>, vector<16xi32>
        %swap3A_795 = arith.index_cast %mul3A_712 : i32 to index
        %swap3A_796 = tpu.vector_load %arg18[%swap3A_795] {strides = array<i32>} : memref<1280xi32, #tpu.memory_space<vmem>>, vector<16xi32>,
        tpu.vector_store %arg18[%swap3A_795], %select_n3A_794 {strides = array<i32>} : memref<1280xi32, #tpu.memory_space<vmem>>, vector<16xi32>,
      }
      %select_n3A_661 = arith.select %lt3A_625, %while3A_98, %gather3A_437 : vector<16xi32>
      %eq3A_662 = arith.constant 0 : i32
      %eq3A_663 = arith.cmpi eq, %while3A_97, %eq3A_662 : i32
      %select_n3A_664 = arith.select %eq3A_663, %select_n3A_661, %while3A_98 : vector<16xi32>
      %add3A_665 = arith.constant 1 : i32
      %add3A_666 = arith.addi %while3A_96, %add3A_665 : i32
      %add3A_667 = arith.constant 1 : i32
      %add3A_668 = arith.addi %while3A_96, %add3A_667 : i32
      %add3A_669 = arith.addi %add3A_668, %select_n3A_647 : i32
      %lt3A_670 = arith.constant 5 : i32
      %lt3A_671 = vector.broadcast %lt3A_670 : i32 to vector<16xi32>
      %lt3A_672 = arith.cmpi slt, %iota3A, %lt3A_671 : vector<16xi32>
      %lt3A_673 = arith.constant 100 : i32
      %lt3A_674 = arith.cmpi slt, %add3A_666, %lt3A_673 : i32
      %and3A_675 = arith.andi %and3A_631, %lt3A_674 : i1
      %and3A_676 = vector.broadcast %and3A_675 : i1 to vector<16xi1>
      %and3A_677 = arith.andi %lt3A_672, %and3A_676 : vector<16xi1>
      %lt3A_678 = arith.constant 100 : i32
      %lt3A_679 = arith.cmpi slt, %add3A_669, %lt3A_678 : i32
      %and3A_680 = arith.andi %and3A_644, %lt3A_679 : i1
      %and3A_681 = vector.broadcast %and3A_680 : i1 to vector<16xi1>
      %and3A_682 = arith.andi %lt3A_672, %and3A_681 : vector<16xi1>
      %mul3A_683 = arith.constant 5 : i32
      %mul3A_684 = arith.muli %while3A_96, %mul3A_683 : i32
      %add3A_685 = vector.broadcast %mul3A_684 : i32 to vector<16xi32>
      %add3A_686 = arith.addi %add3A_685, %iota3A : vector<16xi32>
      %jit3A_687 = arith.constant 0 : i32
      %broadcast_in_dim3A_688 = vector.broadcast %jit3A_687 : i32 to vector<16xi32>
      %select_n3A_689 = arith.select %lt3A_672, %add3A_686, %broadcast_in_dim3A_688 : vector<16xi1>, vector<16xi32>
      tpu.vector_store_idx %arg21[%select_n3A_689], %select_n3A_661 masked %lt3A_672 : memref<500xi32, #tpu.memory_space<vmem>>[vector<16xi32>], vector<16xi32>, vector<16xi1>
      %mul3A_690 = arith.constant 5 : i32
      %mul3A_691 = arith.muli %add3A_666, %mul3A_690 : i32
      %add3A_692 = vector.broadcast %mul3A_691 : i32 to vector<16xi32>
      %add3A_693 = arith.addi %add3A_692, %iota3A : vector<16xi32>
      %jit3A_694 = arith.constant 0 : i32
      %broadcast_in_dim3A_695 = vector.broadcast %jit3A_694 : i32 to vector<16xi32>
      %select_n3A_696 = arith.select %and3A_677, %add3A_693, %broadcast_in_dim3A_695 : vector<16xi1>, vector<16xi32>
      tpu.vector_store_idx %arg21[%select_n3A_696], %gather3A_468 masked %and3A_677 : memref<500xi32, #tpu.memory_space<vmem>>[vector<16xi32>], vector<16xi32>, vector<16xi1>
      %mul3A_697 = arith.constant 5 : i32
      %mul3A_698 = arith.muli %add3A_669, %mul3A_697 : i32
      %add3A_699 = vector.broadcast %mul3A_698 : i32 to vector<16xi32>
      %add3A_700 = arith.addi %add3A_699, %iota3A : vector<16xi32>
      %jit3A_701 = arith.constant 0 : i32
      %broadcast_in_dim3A_702 = vector.broadcast %jit3A_701 : i32 to vector<16xi32>
      %select_n3A_703 = arith.select %and3A_682, %add3A_700, %broadcast_in_dim3A_702 : vector<16xi1>, vector<16xi32>
      tpu.vector_store_idx %arg21[%select_n3A_703], %gather3A_499 masked %and3A_682 : memref<500xi32, #tpu.memory_space<vmem>>[vector<16xi32>], vector<16xi32>, vector<16xi1>
      %add3A_704 = arith.constant 1 : i32
      %add3A_705 = arith.addi %while3A_96, %add3A_704 : i32
      %add3A_706 = arith.addi %add3A_705, %select_n3A_647 : i32
      %add3A_707 = arith.addi %add3A_706, %select_n3A_650 : i32
      %add3A_708 = arith.constant 1 : i32
      %add3A_709 = arith.addi %while3A_97, %add3A_708 : i32
      scf.yield %add3A_707, %add3A_709, %select_n3A_664 : i32, i32, vector<16xi32>
    }
    %eq3A_89 = arith.constant 0 : i32
    %eq3A_90 = arith.cmpi eq, %arg0, %eq3A_89 : i32
    %eq3A_91 = arith.constant 0 : i32
    %eq3A_92 = arith.cmpi eq, %arg1, %eq3A_91 : i32
    %and3A = arith.andi %eq3A_90, %eq3A_92 : i1
    %convert_element_type3A_93 = arith.extui %and3A : i1 to i32
    %cond3A_94 = arith.constant 0 : i32
    %cond3A_95 = arith.cmpi ne, %convert_element_type3A_93, %cond3A_94 : i32
    scf.if %cond3A_95 {
      "tpu.region"() ({
        %run_scoped3A = tpu.sem_alloc : memref<!tpu.dma_semaphore, #tpu.memory_space<semaphore_mem>>
        tpu.enqueue_dma source(%arg21 : memref<500xi32, #tpu.memory_space<vmem>>) target(%arg7 : memref<500xi32, #tpu.memory_space<hbm>>) target_semaphore(%run_scoped3A : memref<!tpu.dma_semaphore, #tpu.memory_space<semaphore_mem>>)
        tpu.wait_dma2 semaphore(%run_scoped3A : memref<!tpu.dma_semaphore, #tpu.memory_space<semaphore_mem>>) src(%arg21 : memref<500xi32, #tpu.memory_space<vmem>>) dst(%arg7 : memref<500xi32, #tpu.memory_space<hbm>>)
        tpu.yield
      }) : () -> ()
    } else {
    }
    return
  }
}

</mosaic_0001>

<sc_bundles>
// kernel: kernel.3.cloned.1.call-start
scs
__scs_entry_jumppad:
0x0: {  	(pc) =	sbr.rel $0x88, $3  }
0x1: {  	(tag) =	ssettag $0x0;
	lr =	simm.s32 $0x1  }
0x2: {  	[smem:$0x3F9F] =	sst lr;
	_ =	strace $0xD0000000  }
0x3: {  	_ = 	snop  }
0x4: {  	_ = 	snop  }
0x5: {  	_ = 	snop  }
0x6: {  	_ = 	snop  }
0x7: {  	_ = 	snop  }
__scs_overlays_trampoline_lowered:
0x8: {  	[smem:$0x3FAE] =	sst s0  }
0x9: {  	[smem:$0x3FAF] =	sst s1  }
0xa: {  	[smem:$0x3FB0] =	sst s2  }
0xb: {  	[smem:$0x3FB1] =	sst s3  }
0xc: {  	[smem:$0x3FB2] =	sst s4  }
0xd: {  	[smem:$0x3FB3] =	sst s5  }
0xe: {  	[smem:$0x3FB4] =	sst s6  }
0xf: {  	[smem:$0x3FB5] =	sst s7  }
0x10: {  	[smem:$0x3FB6] =	sst s8  }
0x11: {  	[smem:$0x3FB7] =	sst s9;
	s0 =	simm.s32 @!p0 $0x0  }
0x12: {  	s1 =	sld [smem:$0x3F9D];
	s0 =	simm.s32 @p0 $0x1  }
0x13: {  	[smem:$0x3FB8] =	sst s0;
	s0 =	simm.s32 @!p1 $0x0  }
0x14: {  	s2 =	sld [smem:$0x3F9C];
	s0 =	simm.s32 @p1 $0x1  }
0x15: {  	[smem:$0x3FB9] =	sst s0;
	s0 =	simm.s32 @!p2 $0x0  }
0x16: {  	s3 =	sld [smem:$0x3FDB];
	s0 =	simm.s32 @p2 $0x1  }
0x17: {  	s4 =	simm.s32 $0x1BF5;
	[smem:$0x3FBB] =	sst s0  }
0x18: {  	s0 =	sld [smem:$0x3F9E];
	_ =	swait.ge [sflag:s4], $0x0  }
0x19: {  	s7 =	sld [smem:$0x3F9F]  }
0x1a: {  	s8 =	sadd.s32 $0xFFFFE003, lr  }
0x1b: {  	s9 =	sadd.s32 $0xFFFFFEF7, lr;
	s5 =	simm.s32 $0xFFFFFFFF;
	p2 =	slt.u32 s8, $0xFFFFF086  }
0x1c: {  	p1 =	slt.u32 s9, $0xF7A;
	s5 =	simm.s32 @!p2 $0x0  }
0x1d: {  	s5 =	simm.s32 @p1 $0x1;
	p0 =	seq.s32 s7, s2  }
0x1e: {  	s7 =	smul.u32 @!p0 $0xF7A, s2;
	p2 =	seq.s32 @!p0 s5, $0x0  }
0x1f: {  	s9 =	smul.u32 $0xF7A, s1;
	s8 =	simm.s32 @!p0 $0x1BF5;
	p2 =	por !p2, p0  }
0x20: {  	[sflag:s8] =	ssyncset.s32 @!p0 $0xFFFFF086;
	s6 =	sadd.s32 @!p0 s3, s7;
	s7 =	simm.s32 @!p0 $0x108  }
0x21: {  	s3 =	sadd.s32 s3, s9;
	s6 =	sadd.s32 @!p0 $0x88, s6;
	s7 =	simm.s32 @p2 $0x1082  }
0x22: {  	[simem:s7], [sflag:s8] =	dma.local @!p0 [hbm:s6], $0xF7A  }
0x23: {  	s9 =	sor.u32 $0xD0000000, s2;
	s6 =	simm.s32 $0x108;
	_ =	swait.ge @!p0 [sflag:s8], $0x0  }
0x24: {  	s3 =	sadd.s32 $0x88, s3;
	s6 =	simm.s32 @!p1 $0x1082;
	[sflag:s4] =	ssyncset.s32 $0xFFFFF086  }
0x25: {  	[simem:s6], [sflag:s4] =	dma.local [hbm:s3], $0xF7A  }
0x26: {  	[smem:$0x3F9F] =	sst s1;
	(tag) =	ssettag s2;
	_ =	strace s9  }
0x27: {  	s1 =	sld [smem:$0x3FAF]  }
0x28: {  	s2 =	sld [smem:$0x3FB0]  }
0x29: {  	s4 =	sld [smem:$0x3FB2]  }
0x2a: {  	p0 =	seq.s32 s5, $0x0;
	s5 =	sld [smem:$0x3FB3]  }
0x2b: {  	s6 =	sld [smem:$0x3FB4]  }
0x2c: {  	s7 =	sld [smem:$0x3FB5]  }
0x2d: {  	s3 =	simm.s32 $0x108;
	s8 =	sld [smem:$0x3FB6]  }
0x2e: {  	s3 =	simm.s32 @!p0 $0x1082;
	s9 =	sld [smem:$0x3FB7]  }
0x2f: {  	lr =	sadd.s32 s0, s3;
	s0 =	sld [smem:$0x3FAE]  }
0x30: {  	s3 =	sld [smem:$0x3FB1]  }
0x31: {  	[smem:$0x3FBA] =	sst s10  }
0x32: {  	s10 =	sld [smem:$0x3FB8];
	_ =	sdelay $0x3  }
0x33: {  	p0 =	seq.s32 s10, $0x1;
	s10 =	sld [smem:$0x3FBA];
	_ =	sdelay $0x3  }
0x34: {  	[smem:$0x3FBA] =	sst s10  }
0x35: {  	s10 =	sld [smem:$0x3FB9];
	_ =	sdelay $0x3  }
0x36: {  	p1 =	seq.s32 s10, $0x1;
	s10 =	sld [smem:$0x3FBA];
	_ =	sdelay $0x3  }
0x37: {  	[smem:$0x3FBA] =	sst s10  }
0x38: {  	s10 =	sld [smem:$0x3FBB]  }
0x39: {  	_ = 	snop;
	(pc) =	sbr.ind lr, $3  }
0x3a: {  	_ = 	snop  }
0x3b: {  	_ = 	snop  }
0x3c: {  	p2 =	seq.s32 s10, $0x1;
	s10 =	sld [smem:$0x3FBA]  }
0x3d: {  	_ =	shalt  }
0x3e: {  	_ =	shalt  }
0x3f: {  	_ =	shalt  }
0x40: {  	_ =	shalt  }
0x41: {  	_ =	shalt  }
0x42: {  	_ =	shalt  }
0x43: {  	_ =	shalt  }
0x44: {  	_ =	shalt  }
0x45: {  	_ =	shalt  }
0x46: {  	_ =	shalt  }
0x47: {  	_ =	shalt  }
0x48: {  	_ =	shalt  }
0x49: {  	_ =	shalt  }
0x4a: {  	_ =	shalt  }
0x4b: {  	_ =	shalt  }
0x4c: {  	_ =	shalt  }
0x4d: {  	_ =	shalt  }
0x4e: {  	_ =	shalt  }
0x4f: {  	_ =	shalt  }
0x50: {  	_ =	shalt  }
0x51: {  	_ =	shalt  }
0x52: {  	_ =	shalt  }
0x53: {  	_ =	shalt  }
0x54: {  	_ =	shalt  }
0x55: {  	_ =	shalt  }
0x56: {  	_ =	shalt  }
0x57: {  	_ =	shalt  }
0x58: {  	_ =	shalt  }
0x59: {  	_ =	shalt  }
0x5a: {  	_ =	shalt  }
0x5b: {  	_ =	shalt  }
0x5c: {  	_ =	shalt  }
0x5d: {  	_ =	shalt  }
0x5e: {  	_ =	shalt  }
0x5f: {  	_ =	shalt  }
0x60: {  	_ =	shalt  }
0x61: {  	_ =	shalt  }
0x62: {  	_ =	shalt  }
0x63: {  	_ =	shalt  }
0x64: {  	_ =	shalt  }
0x65: {  	_ =	shalt  }
0x66: {  	_ =	shalt  }
0x67: {  	_ =	shalt  }
0x68: {  	_ =	shalt  }
0x69: {  	_ =	shalt  }
0x6a: {  	_ =	shalt  }
0x6b: {  	_ =	shalt  }
0x6c: {  	_ =	shalt  }
0x6d: {  	_ =	shalt  }
0x6e: {  	_ =	shalt  }
0x6f: {  	_ =	shalt  }
0x70: {  	_ =	shalt  }
0x71: {  	_ =	shalt  }
0x72: {  	_ =	shalt  }
0x73: {  	_ =	shalt  }
0x74: {  	_ =	shalt  }
0x75: {  	_ =	shalt  }
0x76: {  	_ =	shalt  }
0x77: {  	_ =	shalt  }
0x78: {  	_ =	shalt  }
0x79: {  	_ =	shalt  }
0x7a: {  	_ =	shalt  }
0x7b: {  	_ =	shalt  }
0x7c: {  	_ =	shalt  }
0x7d: {  	_ =	shalt  }
0x7e: {  	_ =	shalt  }
0x7f: {  	_ =	shalt  }
0x80: {  	_ =	shalt  }
0x81: {  	_ =	shalt  }
0x82: {  	_ =	shalt  }
0x83: {  	_ =	shalt  }
0x84: {  	_ =	shalt  }
0x85: {  	_ =	shalt  }
0x86: {  	_ =	shalt  }
0x87: {  	_ =	shalt  }
.Lfunc_end0:
.L_simem_size_0:
called_computation_lowered:
.L_overlay_start_0:
0x88: {  	s2 =	sld [smem:$0x3FD9]  }
0x89: {  	s3 =	sld [smem:$0x3FFE];
	_ =	sdelay $0x1  }
0x8a: {  	s1 =	srdreg.scid  }
0x8b: {  	s0 =	sand.u32 $0x1, s1  }
0x8c: {  	s17 =	sshll.u32 s0, $0xA;
	s2 =	sadd.s32 s3, s2  }
0x8d: {  	s2 =	sadd.s32 s2, s17  }
0x8e: {  	[smem:$0x3FC6] =	sst s2  }
0x8f: {  	_ = 	snop  }
0x90: {  	s2 =	sld [smem:$0x3FD0];
	(tm) =	ssettm $0x1  }
0x91: {  	s18 =	sld [smem:$0x3FFB];
	_ =	sdelay $0x3  }
0x92: {  	_ =	strace s18  }
0x93: {  	s3 =	sld [smem:$0x3FFC];
	_ =	sdelay $0x3  }
0x94: {  	_ =	strace s3  }
0x95: {  	s3 =	sld [smem:$0x3FFD];
	_ =	sdelay $0x3  }
0x96: {  	_ =	strace s3  }
0x97: {  	_ =	strace $0x8FFFFFFF  }
0x98: {  	s19 =	sld [smem:$0x3FDB];
	_ =	sdelay $0x1  }
0x99: {  	s4 =	simm.s32 $_scs_section_size  }
0x9a: {  	s5 =	simm.s32 $_size__tile_overlayer_lowered;
	s6 =	simm.s32 $_tile_overlayer_lowered  }
0x9b: {  	s22 =	simm.s32 $0x1BFF;
	s21 =	sshll.u32 s6, $0x1;
	s3 =	sadd.s32 s4, s19  }
0x9c: {  	s7 =	simm.s32 $0x0;
	s20 =	sshll.u32 s5, $0x1;
	s5 =	sadd.s32 s21, s3  }
0x9d: {  	[timem:s7], [sflag:s22] =	dma.local [hbm:s5], s20  }
0x9e: {  	_ =	swait.ge [sflag:s22], s20  }
0x9f: {  	s4 =	ssub.s32 $0x0, s20;
	[sflag:s22] =	ssyncset.done $0x0  }
0xa0: {  	[sflag:s22] =	ssyncadd.s32 s4;
	_ =	sdelay $0x1  }
0xa1: {  	s23 =	simm.s32 $0x1B8B  }
0xa2: {  	_ =	swait.ge [sflag:s23], $0x1  }
0xa3: {  	[sflag:s23] =	ssyncset.done $0x0  }
0xa4: {  	s25 =	simm.s32 $0x1B8E;
	s24 =	sld [smem:$0x3FFE];
	[sflag:s23] =	ssyncadd.s32 $0xFFFFFFFF  }
0xa5: {  	s26 =	simm.s32 $execute0_lowered;
	[smem:$0x3FD2] =	sst s25  }
0xa6: {  	s5 =	sshll.u32 s26, $0x1;
	_ =	strace $0x80000046;
	[dreg:$0x1] =	wrdreg $0xFFFFFFFF  }
0xa7: {  	s28 =	simm.s32 $_size_execute0_lowered;
	s3 =	sadd.s32 s3, s5;
	[dreg:$0x0] =	wrdreg $0x0  }
0xa8: {  	s5 =	sshll.u32 s28, $0x1;
	[dreg:$0x2] =	wrdreg s3  }
0xa9: {  	[dreg:$0x3] =	wrdreg s5  }
0xaa: {  	[dreg:$0x4] =	wrdreg $0xC0  }
0xab: {  	_ =	task [dreg:s7], $0x5FFFF  }
0xac: {  	[dreg:$0x1] =	wrdreg $0xFFFFFFFF  }
0xad: {  	[dreg:$0x0] =	wrdreg $0x60  }
0xae: {  	[dreg:$0x2] =	wrdreg s24  }
0xaf: {  	[dreg:$0x3] =	wrdreg s2  }
0xb0: {  	[dreg:$0x4] =	wrdreg $0x3A800  }
0xb1: {  	[dreg:$0x5] =	wrdreg $0x9  }
0xb2: {  	_ =	task.clear_ibuf [dreg:s7], $0x6FFFF;
	_ =	strace $0x90000046  }
0xb3: {  	s29 =	simm.s32 $0x9;
	_ =	strace $0x80000048  }
0xb4: {  	_ =	swait.ge [sflag:s29], $0x1  }
0xb5: {  	[sflag:s29] =	ssyncadd.s32 $0xFFFFFFFF  }
0xb6: {  	_ =	strace $0x90000048  }
0xb7: {  	_ =	sfence  }
0xb8: {  	s30 =	sld [smem:$0x0];
	_ =	sdelay $0x2  }
0xb9: {  	s31 =	sshll.u32 s1, $0xD;
	s1 =	sshrl.u32 s1, $0x2  }
0xba: {  	s3 =	sand.u32 $0x4000, s31;
	s1 =	sadd.s32 s1, s30  }
0xbb: {  	s0 =	sor.u32 s3, s0;
	s1 =	sshll.u32 s1, $0x11  }
0xbc: {  	s0 =	sor.u32 s1, s0  }
0xbd: {  	s0 =	sadd.s32 $0x8F2B, s0  }
0xbe: {  	[sflag:s0] =	ssyncadd.remote.s32 $0x1  }
0xbf: {  	_ =	sfence.sel $0xFFFF  }
0xc0: {  	[dreg:$0x0] =	wrdreg $0xFFFFFFFF;
	(pc) =	sbr.abs _section_cstart, $3  }
0xc1: {  	[dreg:$0x1] =	wrdreg $0xFFFFFFFF  }
0xc2: {  	_ =	task.clear_ibuf [dreg:s7], $0x2FFFF;
	_ =	strace $0x9FFFFFFF  }
0xc3: {  	(tm) =	ssettm $0x7FFFFFFF  }
tec
execute0_lowered:
.L_overlay_start_1:
0x0: {  	(tag) =	ssettag $0x1  }
0x1: {  	s0 =	rddreg [dreg:$0x0];
	s4 =	stileid.u32  }
0x2: {  	s3 =	rddreg [dreg:$0x2];
	s1 =	srdreg.scid;
	s7 =	simm.s32 $0x0  }
0x3: {  	s19 =	simm.s32 $0x3700;
	s28 =	simm.s32 $0x2D00;
	s29 =	simm.s32 $0x3880  }
0x4: {  	s1 =	sand.u32 $0x1, s1;
	s5 =	smul.u32 $0x9E, s4;
	[smem:$0x7FF] =	sst s7  }
0x5: {  	s23 =	sadd.s32 $0x3142, s0;
	s24 =	sadd.s32 $0x2742, s0;
	s25 =	sadd.s32 $0x1D42, s0  }
0x6: {  	s26 =	sadd.s32 $0x1342, s0;
	_ =	strace $0x80000047;
	[dreg:$0xa] =	wrdreg s23  }
0x7: {  	s14 =	sshll.u32 s4, $0x4;
	s30 =	sshll.u32 s4, $0x6;
	[dreg:$0xb] =	wrdreg s24  }
0x8: {  	p0 =	seq.s32 s4, $0xF;
	s2 =	ssub.s32 $0x2, s1;
	[dreg:$0xc] =	wrdreg s25  }
0x9: {  	v0 =	vimm.s32 $0xFFFFFFFF;
	v1 =	vimm.s32 $0x0;
	vm0 =	vmmov $0x1;
	[dreg:$0xd] =	wrdreg s26;
	s31 =	sadd.s32 s14, s3;
	s1 =	sor.u32 s4, s1  }
0xa: {  	v2 =	vlaneseq.u32;
	v10 =	vimm.f32 $0.0e+00;
	v12 =	vimm.s32 $0x4030201;
	s18 =	sshrl.u32 s30, $0x2;
	s23 =	simm.s32 $0x1900;
	s24 =	simm.s32 $0x1E00  }
0xb: {  	vm15 =	vcmask $0x3F24;
	vm7 =	vcmask $0x3F20;
	vm8 =	vcmask $0x3F1C;
	s25 =	simm.s32 $0x2300;
	s5 =	sadd.s32 s0, s5;
	[dreg:$0xf] =	wrdreg s31  }
0xc: {  	vm9 =	vcmask $0x3F18;
	vm2 =	vcmask $0x3F10;
	vm3 =	vcmask $0x3F0C;
	s26 =	simm.s32 $0x2800;
	s0 =	sadd.s32 $0x942, s0;
	[dreg:$0x5] =	wrdreg s5  }
0xd: {  	vm4 =	vcmask $0x3F08;
	v11 =	vmov s4;
	v3 =	vmul.u32 $0x10, v2;
	s6 =	sshrl.u32 s2, $0x1;
	s20 =	sadd.s32 $0x2800, s5;
	[dreg:$0xe] =	wrdreg s0  }
.Ltmp0:
0xe: {  	vm10 =	vmxor vm10, vm10;
	v12 =	vunpack.c.0.s8.s32 v12;
	vm1 =	vgt.u32 v11, v2;
	s21 =	sadd.s32 $0x1E00, s5;
	[dreg:$0x6] =	wrdreg s20;
	(pc) =	sbr.rel .LBB2_1-.Ltmp0, $4  }
0xf: {  	v11 =	vimm.s32 $0x0;
	v4 =	vor.u32 $0x1, v3;
	v5 =	vor.u32 $0x2, v3;
	p1 =	sne.s32 s1, $0x0;
	s22 =	sadd.s32 $0x1400, s5;
	[dreg:$0x7] =	wrdreg s21  }
0x10: {  	v6 =	vor.u32 $0x3, v3;
	v7 =	vor.u32 $0x4, v3;
	v8 =	vor.u32 $0x5, v3;
	s2 =	ssub.s32 s2, s6;
	s5 =	sadd.s32 $0xA00, s5;
	[dreg:$0x8] =	wrdreg s22  }
0x11: {  	v9 =	vor.u32 $0x6, v3;
	v11 =	vsel vm1, $0xFFFFFFFF, v11;
	vm1 =	vcmask $0xF00;
	[dreg:$0x9] =	wrdreg s5;
	s2 =	smax.u32 s2, $0x1;
	s20 =	simm.s32 $0x2  }
0x12: {  	[tilespmem:$0x1FFF0] =	vst v11;
	v11 =	vor.u32 $0x80000000, v2;
	v12 =	vnsel vm1, $0x0, v12;
	vm1 =	vcmask $0x3F14;
	s21 =	simm.s32 $0x3780;
	s22 =	simm.s32 $0x3200;
	[dreg:$0x10] =	wrdreg s2  }
.LBB2_36:
0x13: {  	s0 =	simm.s32 @!p1 $0x0;
	s1 =	simm.s32 @!p1 $0x3880;
	s2 =	rddreg [dreg:$0x1]  }
0x14: {  	[hbm4b:s2+s0] =	stream.linear.scatter @!p1 [tilespmem:s1], [sflag:$0x2], $0x200, $0x38;
	[tilespmem:$0x3AA0] =	vst v63  }
0x15: {  	s0 =	simm.s32 @!p1 $0x2  }
0x16: {  	_ =	swait.ge @!p1 [sflag:s0], $0x200  }
0x17: {  	s7 =	rddreg [dreg:$0x4]  }
0x18: {  	s31 =	rddreg [dreg:$0x10];
	s7 =	sadd.s32 $0x1, s7  }
0x19: {  	p2 =	sne.s32 s7, s31  }
.Ltmp1:
0x1a: {  	_ = 	snop;
	(pc) =	sbr.rel @!p2 .LBB2_37-.Ltmp1, $3  }
0x1b: {  	_ =	sdelay $0x1  }
0x1c: {  	[sflag:s0] =	ssyncset.done @!p1 $0x0  }
0x1d: {  	[sflag:s0] =	ssyncadd.s32 @!p1 $0xFFFFFE00  }
.LBB2_1:
0x1e: {  	[dreg:$0x4] =	wrdreg s7;
	s0 =	simm.s32 $0x40;
	s1 =	simm.s32 $0x0  }
.LBB2_2:
0x1f: {  	p2 =	sne.s32 s0, $0x1380;
	[tilespmem:s1+$0x1400] =	vst v0;
	s1 =	smov.u32 s0;
	s0 =	sadd.s32 $0x40, s0  }
.Ltmp2:
0x20: {  	(pc) =	sbr.rel @p2 .LBB2_2-.Ltmp2, $2  }
0x21: {  	_ =	sdelay $0x2  }
0x22: {  	s1 =	sshra.s32 s1, $0x2  }
0x23: {  	[tilespmem:s1+$0x1400] =	vst v0;
	s0 =	simm.s32 @p0 $0x0;
	s1 =	rddreg [dreg:$0xa]  }
0x24: {  	[tilespmem:s0], [sflag:$0x1] =	stream.linear.gather @p0 [hbm4b:s1+s0], $0x410, $0x38;
	[tilespmem:$0x3AA0] =	vst v63  }
0x25: {  	s2 =	rddreg [dreg:$0xb];
	s1 =	simm.s32 @p0 $0x500  }
0x26: {  	[tilespmem:s1], [sflag:$0x1] =	stream.linear.gather @p0 [hbm4b:s2+s0], $0x410, $0x38;
	[tilespmem:$0x3AA0] =	vst v63  }
0x27: {  	s1 =	simm.s32 @p0 $0xA00;
	s2 =	rddreg [dreg:$0xc]  }
0x28: {  	[tilespmem:s1], [sflag:$0x1] =	stream.linear.gather @p0 [hbm4b:s2+s0], $0x410, $0x38;
	[tilespmem:$0x3AA0] =	vst v63  }
0x29: {  	s1 =	simm.s32 @p0 $0xF00;
	s2 =	rddreg [dreg:$0xd]  }
0x2a: {  	[tilespmem:s1], [sflag:$0x1] =	stream.linear.gather @p0 [hbm4b:s2+s0], $0x410, $0x38;
	[tilespmem:$0x3AA0] =	vst v63  }
0x2b: {  	s1 =	simm.s32 @p0 $0x1400;
	s2 =	rddreg [dreg:$0xe]  }
0x2c: {  	[tilespmem:s1], [sflag:$0x1] =	stream.linear.gather @p0 [hbm4b:s2+s0], $0x410, $0x38;
	[tilespmem:$0x3AA0] =	vst v63  }
0x2d: {  	s0 =	simm.s32 @p0 $0x1  }
0x2e: {  	_ =	swait.ge @p0 [sflag:s0], $0x410  }
0x2f: {  	[sflag:s0] =	ssyncset.done @p0 $0x0  }
0x30: {  	[sflag:s0] =	ssyncadd.s32 @p0 $0xFFFFFBF0  }
0x31: {  	_ =	swait.ge @p0 [sflag:s0], $0x410  }
0x32: {  	[sflag:s0] =	ssyncset.done @p0 $0x0  }
0x33: {  	[sflag:s0] =	ssyncadd.s32 @p0 $0xFFFFFBF0  }
0x34: {  	_ =	swait.ge @p0 [sflag:s0], $0x410  }
0x35: {  	[sflag:s0] =	ssyncset.done @p0 $0x0  }
0x36: {  	[sflag:s0] =	ssyncadd.s32 @p0 $0xFFFFFBF0  }
0x37: {  	_ =	swait.ge @p0 [sflag:s0], $0x410  }
0x38: {  	[sflag:s0] =	ssyncset.done @p0 $0x0  }
0x39: {  	[sflag:s0] =	ssyncadd.s32 @p0 $0xFFFFFBF0  }
0x3a: {  	_ =	swait.ge @p0 [sflag:s0], $0x410  }
0x3b: {  	[sflag:s0] =	ssyncset.done @p0 $0x0  }
0x3c: {  	s1 =	rddreg [dreg:$0x6];
	[sflag:s0] =	ssyncadd.s32 @p0 $0xFFFFFBF0;
	s0 =	simm.s32 @!p0 $0x0  }
0x3d: {  	[tilespmem:s0], [sflag:$0x1] =	stream.linear.gather @!p0 [hbm4b:s1+s0], $0x4F0, $0x38;
	[tilespmem:$0x3AA0] =	vst v63  }
0x3e: {  	s2 =	rddreg [dreg:$0x7];
	s1 =	simm.s32 @!p0 $0x500  }
0x3f: {  	[tilespmem:s1], [sflag:$0x1] =	stream.linear.gather @!p0 [hbm4b:s2+s0], $0x4F0, $0x38;
	[tilespmem:$0x3AA0] =	vst v63  }
0x40: {  	s1 =	simm.s32 @!p0 $0xA00;
	s2 =	rddreg [dreg:$0x8]  }
0x41: {  	[tilespmem:s1], [sflag:$0x1] =	stream.linear.gather @!p0 [hbm4b:s2+s0], $0x4F0, $0x38;
	[tilespmem:$0x3AA0] =	vst v63  }
0x42: {  	s1 =	simm.s32 @!p0 $0xF00;
	s2 =	rddreg [dreg:$0x9]  }
0x43: {  	[tilespmem:s1], [sflag:$0x1] =	stream.linear.gather @!p0 [hbm4b:s2+s0], $0x4F0, $0x38;
	[tilespmem:$0x3AA0] =	vst v63  }
0x44: {  	s1 =	simm.s32 @!p0 $0x1400;
	s2 =	rddreg [dreg:$0x5]  }
0x45: {  	[tilespmem:s1], [sflag:$0x1] =	stream.linear.gather @!p0 [hbm4b:s2+s0], $0x4F0, $0x38;
	[tilespmem:$0x3AA0] =	vst v63  }
0x46: {  	s0 =	simm.s32 @!p0 $0x1  }
0x47: {  	_ =	swait.ge @!p0 [sflag:s0], $0x4F0  }
0x48: {  	[sflag:s0] =	ssyncset.done @!p0 $0x0  }
0x49: {  	[sflag:s0] =	ssyncadd.s32 @!p0 $0xFFFFFB10  }
0x4a: {  	_ =	swait.ge @!p0 [sflag:s0], $0x4F0  }
0x4b: {  	[sflag:s0] =	ssyncset.done @!p0 $0x0  }
0x4c: {  	[sflag:s0] =	ssyncadd.s32 @!p0 $0xFFFFFB10  }
0x4d: {  	_ =	swait.ge @!p0 [sflag:s0], $0x4F0  }
0x4e: {  	[sflag:s0] =	ssyncset.done @!p0 $0x0  }
0x4f: {  	[sflag:s0] =	ssyncadd.s32 @!p0 $0xFFFFFB10  }
0x50: {  	_ =	swait.ge @!p0 [sflag:s0], $0x4F0  }
0x51: {  	[sflag:s0] =	ssyncset.done @!p0 $0x0  }
0x52: {  	[sflag:s0] =	ssyncadd.s32 @!p0 $0xFFFFFB10  }
0x53: {  	_ =	swait.ge @!p0 [sflag:s0], $0x4F0  }
0x54: {  	s1 =	simm.s32 $0x3F800000;
	[sflag:s0] =	ssyncset.done @!p0 $0x0  }
0x55: {  	s2 =	simm.s32 $0x0;
	[sflag:s0] =	ssyncadd.s32 @!p0 $0xFFFFFB10;
	s0 =	simm.s32 $0x0  }
.LBB2_4:
0x56: {  	s6 =	ssub.s32 s1, s0  }
0x57: {  	s8 =	sshra.s32 s6, $0x3  }
0x58: {  	s7 =	simm.s32 $0x0;
	p2 =	sgt.s32 s8, $0x1  }
0x59: {  	v21 =	vld [tilespmem:s7+$0x1400];
	s8 =	simm.s32 @!p2 $0x1  }
0x5a: {  	s9 =	smul.u32 $0x3, s8  }
0x5b: {  	v13 =	vimm.s32 $0x0;
	v25 =	vimm.s32 $0x0;
	s11 =	smul.u32 $0x5, s8;
	s6 =	sadd.s32 s0, s8  }
0x5c: {  	v23 =	vimm.s32 $0x0;
	v24 =	vimm.s32 $0x0;
	v27 =	vimm.s32 $0x0;
	s10 =	sshll.u32 s8, $0x1;
	s17 =	sshll.u32 s8, $0x2;
	s13 =	smul.u32 $0x7, s8  }
0x5d: {  	v28 =	vimm.s32 $0x0;
	v26 =	vimm.s32 $0x0;
	s12 =	smul.u32 $0x6, s8;
	s7 =	sadd.s32 s0, s10;
	s10 =	sadd.s32 s0, s17;
	v19 =	vmov s6  }
0x5e: {  	s8 =	sadd.s32 s0, s9;
	s30 =	sadd.s32 s0, s11;
	v18 =	vmov s7;
	s9 =	sadd.s32 s0, s13;
	v17 =	vmov s10;
	vm5 =	vge.s32 v21, v19  }
0x5f: {  	s31 =	sadd.s32 s0, s12;
	v20 =	vmov s8;
	v16 =	vmov s30;
	v14 =	vmov s9  }
0x60: {  	v15 =	vmov s31;
	vm6 =	vge.s32 v21, v18;
	vm13 =	vge.s32 v21, v14  }
0x61: {  	s12 =	simm.s32 $0x10;
	s11 =	simm.s32 $0x80;
	vm11 =	vge.s32 v21, v17;
	vm12 =	vge.s32 v21, v20;
	v22 =	vsel vm13, $0x1, v1  }
.LBB2_5:
0x62: {  	p2 =	sne.s32 s11, $0x1380;
	vm13 =	vge.s32 v21, v16;
	vm14 =	vge.s32 v21, v15;
	v21 =	vld [tilespmem:s12+$0x1400];
	v13 =	vadd.s32 v22, v13  }
0x63: {  	v22 =	vsel vm5, $0x1, v1;
	v29 =	vsel vm6, $0x1, v1;
	v30 =	vsel vm12, $0x1, v1  }
.Ltmp3:
0x64: {  	v31 =	vsel vm11, $0x1, v1;
	v32 =	vsel vm13, $0x1, v1;
	v33 =	vsel vm14, $0x1, v1;
	(pc) =	sbr.rel @p2 .LBB2_5-.Ltmp3, $4  }
0x65: {  	v25 =	vadd.s32 v22, v25;
	v23 =	vadd.s32 v29, v23;
	v24 =	vadd.s32 v30, v24  }
0x66: {  	v27 =	vadd.s32 v31, v27;
	v28 =	vadd.s32 v32, v28;
	v26 =	vadd.s32 v33, v26  }
0x67: {  	vm5 =	vge.s32 v21, v19;
	vm6 =	vge.s32 v21, v18;
	vm13 =	vge.s32 v21, v14  }
0x68: {  	s12 =	sshra.s32 s11, $0x2;
	s11 =	sadd.s32 $0x40, s11;
	vm12 =	vge.s32 v21, v20;
	vm11 =	vge.s32 v21, v17;
	v22 =	vsel vm13, $0x1, v1  }
0x69: {  	v29 =	vld [tilespmem:s12+$0x1400];
	vm13 =	vge.s32 v21, v16  }
0x6a: {  	vm14 =	vge.s32 v21, v15;
	v50 =	vsel vm5, $0x1, v1;
	v30 =	vsel vm6, $0x1, v1  }
0x6b: {  	v31 =	vsel vm12, $0x1, v1;
	v32 =	vsel vm11, $0x1, v1;
	v33 =	vsel vm13, $0x1, v1  }
0x6c: {  	v21 =	vadd.s32 v50, v25;
	v51 =	vsel vm14, $0x1, v1;
	v23 =	vadd.s32 v30, v23  }
0x6d: {  	v24 =	vadd.s32 v31, v24;
	v27 =	vadd.s32 v32, v27;
	v28 =	vadd.s32 v33, v28  }
0x6e: {  	v52 =	vadd.s32 v51, v26;
	vm5 =	vge.s32 v29, v19;
	vm6 =	vge.s32 v29, v18  }
0x6f: {  	v53 =	vsel vm5, $0x1, v1;
	vm5 =	vge.s32 v29, v20;
	v54 =	vsel vm6, $0x1, v1  }
0x70: {  	vm6 =	vge.s32 v29, v17;
	v18 =	vadd.s32 v53, v21;
	v55 =	vsel vm5, $0x1, v1  }
0x71: {  	v20 =	vadd.s32 v54, v23;
	vm5 =	vge.s32 v29, v16;
	v56 =	vsel vm6, $0x1, v1;
	(xrf0) =	vadd.scan.msk.s32 $0xffff, v18  }
0x72: {  	vm6 =	vge.s32 v29, v15;
	v17 =	vadd.s32 v55, v24;
	v15 =	vsel vm5, $0x1, v1;
	(xrf0) =	vadd.scan.msk.s32 $0xffff, v20  }
0x73: {  	v16 =	vadd.s32 v56, v27;
	vm5 =	vge.s32 v29, v14;
	v14 =	vsel vm6, $0x1, v1;
	(xrf0) =	vadd.scan.msk.s32 $0xffff, v17  }
0x74: {  	v15 =	vadd.s32 v15, v28;
	v14 =	vadd.s32 v14, v52;
	(xrf0) =	vadd.scan.msk.s32 $0xffff, v16  }
0x75: {  	v13 =	vadd.s32 v22, v13;
	v57 =	vsel vm5, $0x1, v1;
	(xrf0) =	vadd.scan.msk.s32 $0xffff, v15  }
0x76: {  	v13 =	vadd.s32 v57, v13;
	(xrf0) =	vadd.scan.msk.s32 $0xffff, v14  }
0x77: {  	v14, _, _ =	vpop (xrf0);
	(xrf0) =	vadd.scan.msk.s32 $0xffff, v13  }
0x78: {  	v13 =	vbroadcast v14, $0xF;
	v14, _, _ =	vpop (xrf0)  }
0x79: {  	v14 =	vbroadcast v14, $0xF;
	v15, _, _ =	vpop (xrf0)  }
0x7a: {  	vm5 =	vcmask $0x31C;
	v13 =	vnsel vm0, $0x0, v13;
	v15 =	vbroadcast v15, $0xF;
	v58, _, _ =	vpop (xrf0)  }
0x7b: {  	v13 =	vsel vm5, v13, v14;
	v14 =	vbroadcast v58, $0xF;
	v59, _, _ =	vpop (xrf0);
	vm5 =	vcmask $0x71C  }
0x7c: {  	v13 =	vsel vm5, v13, v15;
	v15 =	vbroadcast v59, $0xF;
	v60, _, _ =	vpop (xrf0);
	vm5 =	vcmask $0xB1C  }
0x7d: {  	v13 =	vsel vm5, v13, v14;
	v14 =	vbroadcast v60, $0xF;
	v61, _, _ =	vpop (xrf0);
	vm5 =	vcmask $0xF1C  }
0x7e: {  	s11 =	sshll.u32 s2, $0x8;
	v13 =	vsel vm5, v13, v15;
	v15 =	vbroadcast v61, $0xF;
	vm5 =	vcmask $0x131C  }
0x7f: {  	s11 =	sand.u32 $0x100, s11;
	v13 =	vsel vm5, v13, v14;
	vm5 =	vcmask $0x171C  }
0x80: {  	s11 =	sadd.s32 s11, s3;
	v13 =	vsel vm5, v13, v15  }
0x81: {  	s17 =	sadd.s32 s18, s11;
	[tilespmem:$0x3700] =	vst v13  }
0x82: {  	[spmem:s17] =	stream.linear.scatter [tilespmem:s19], [sflag:$0x2], $0x10, $0x38;
	[tilespmem:$0x3AA0] =	vst v63  }
0x83: {  	_ =	swait.ge [sflag:s20], $0x10  }
0x84: {  	[sflag:s20] =	ssyncset.done $0x0  }
0x85: {  	[sflag:s20] =	ssyncadd.s32 $0xFFFFFFF0  }
0x86: {  	[bflag:$0x0] =	sbarrier.arrive $0xFFFF  }
0x87: {  	[tilespmem:s21], [sflag:$0x2] =	stream.linear.gather [spmem:s11], $0x100, $0x38;
	[tilespmem:$0x3AA0] =	vst v63  }
0x88: {  	_ =	swait.ge [sflag:s20], $0x100  }
0x89: {  	[sflag:s20] =	ssyncset.done $0x0  }
0x8a: {  	[sflag:s20] =	ssyncadd.s32 $0xFFFFFF00  }
0x8b: {  	v13 =	vld.idx.msk [tilespmem:v3+s21+$0x0], $0xffff  }
0x8c: {  	v14 =	vld.idx.msk [tilespmem:v4+s21+$0x0], $0xffff  }
0x8d: {  	v15 =	vld.idx.msk [tilespmem:v5+s21+$0x0], $0xffff  }
0x8e: {  	v62 =	vld.idx.msk [tilespmem:v6+s21+$0x0], $0xffff  }
0x8f: {  	v63 =	vld.idx.msk [tilespmem:v7+s21+$0x0], $0xffff  }
0x90: {  	(xrf0) =	vadd.scan.msk.s32 $0xffff, v13;
	v13 =	vld.idx.msk [tilespmem:v8+s21+$0x0], $0xffff  }
0x91: {  	(xrf0) =	vadd.scan.msk.s32 $0xffff, v14;
	v14 =	vld.idx.msk [tilespmem:v9+s21+$0x0], $0xffff  }
0x92: {  	(xrf0) =	vadd.scan.msk.s32 $0xffff, v15  }
0x93: {  	(xrf0) =	vadd.scan.msk.s32 $0xffff, v62  }
0x94: {  	(xrf0) =	vadd.scan.msk.s32 $0xffff, v63  }
0x95: {  	(xrf0) =	vadd.scan.msk.s32 $0xffff, v13  }
0x96: {  	v13, _, _ =	vpop (xrf0);
	(xrf0) =	vadd.scan.msk.s32 $0xffff, v14  }
0x97: {  	v14, _, _ =	vpop (xrf0);
	(v2sf) =	vpush v13, $0xF  }
0x98: {  	v13, _, _ =	vpop (xrf0);
	(v2sf) =	vpush v14, $0xF  }
0x99: {  	v14, _, _ =	vpop (xrf0);
	(v2sf) =	vpush v13, $0xF  }
0x9a: {  	v13, _, _ =	vpop (xrf0);
	(v2sf) =	vpush v14, $0xF  }
0x9b: {  	v14, _, _ =	vpop (xrf0);
	(v2sf) =	vpush v13, $0xF  }
0x9c: {  	(v2sf) =	vpush v14, $0xF;
	v13, _, _ =	vpop (xrf0)  }
0x9d: {  	(v2sf) =	vpush v13, $0xF;
	_ =	sdelay $0x8  }
0x9e: {  	s11 =	spop (v2sf)  }
0x9f: {  	s4 =	spop (v2sf)  }
0xa0: {  	s13 =	spop (v2sf)  }
0xa1: {  	s2 =	sadd.s32 $0x1, s2;
	p2 =	sgt.s32 s11, $0x7CF;
	s15 =	spop (v2sf)  }
0xa2: {  	s0 =	smov.u32 @p2 s6;
	p2 =	sgt.s32 s4, $0x7CF;
	s16 =	spop (v2sf)  }
0xa3: {  	s0 =	smov.u32 @p2 s7;
	p2 =	sgt.s32 s13, $0x7CF;
	s17 =	spop (v2sf)  }
0xa4: {  	s0 =	smov.u32 @p2 s8;
	p2 =	sgt.s32 s15, $0x7CF;
	s5 =	spop (v2sf)  }
0xa5: {  	s0 =	smov.u32 @p2 s10;
	p2 =	sgt.s32 s16, $0x7CF;
	p3 =	slt.s32 s5, $0x7D0  }
0xa6: {  	s0 =	smov.u32 @p2 s30;
	p2 =	slt.s32 s17, $0x7D0;
	s1 =	smov.u32 @p3 s9  }
0xa7: {  	p4 =	seq.s32 s2, $0xC;
	s1 =	smov.u32 @p2 s31;
	p2 =	slt.s32 s16, $0x7D0  }
.Ltmp4:
0xa8: {  	s1 =	smov.u32 @p2 s30;
	p2 =	slt.s32 s15, $0x7D0;
	(pc) =	sbr.rel @!p4 .LBB2_4-.Ltmp4, $4  }
0xa9: {  	p3 =	sgt.s32 s17, $0x7CF;
	s1 =	smov.u32 @p2 s10;
	p2 =	slt.s32 s13, $0x7D0  }
0xaa: {  	s0 =	smov.u32 @p3 s31;
	s1 =	smov.u32 @p2 s8;
	p2 =	slt.s32 s4, $0x7D0  }
0xab: {  	p3 =	sgt.s32 s5, $0x7CF;
	s1 =	smov.u32 @p2 s7;
	p2 =	slt.s32 s11, $0x7D0  }
0xac: {  	s0 =	smov.u32 @p3 s9;
	s1 =	smov.u32 @p2 s6  }
0xad: {  	s1 =	simm.s32 $0x0  }
0xae: {  	v14 =	vld [tilespmem:s1+$0x1400]  }
0xaf: {  	s16 =	simm.s32 $0x10  }
0xb0: {  	v15 =	vld [tilespmem:s16+$0x1400]  }
0xb1: {  	s17 =	simm.s32 $0x20  }
0xb2: {  	v13 =	vmov s0;
	v16 =	vld [tilespmem:s17+$0x1400]  }
0xb3: {  	vm5 =	veq.s32 v14, v13  }
0xb4: {  	vm6 =	vgt.s32 v14, v13;
	v14 =	vsel vm5, $0x1, v1  }
0xb5: {  	vm5 =	veq.s32 v15, v13;
	(xrf0) =	vadd.scan.msk.s32 $0xffff, v14;
	v14 =	vsel vm6, $0x1, v1  }
0xb6: {  	vm6 =	vgt.s32 v15, v13;
	(xrf0) =	vadd.scan.msk.s32 $0xffff, v14;
	v14 =	vsel vm5, $0x1, v1  }
0xb7: {  	v15 =	vsel vm6, $0x1, v1;
	vm5 =	veq.s32 v16, v13;
	(xrf0) =	vadd.scan.msk.s32 $0xffff, v14  }
0xb8: {  	vm6 =	vgt.s32 v16, v13;
	v14 =	vsel vm5, $0x1, v1;
	(xrf0) =	vadd.scan.msk.s32 $0xffff, v15  }
0xb9: {  	s30 =	simm.s32 $0x30;
	v16 =	vsel vm6, $0x1, v1;
	(xrf0) =	vadd.scan.msk.s32 $0xffff, v14  }
0xba: {  	v15 =	vld [tilespmem:s30+$0x1400];
	(xrf0) =	vadd.scan.msk.s32 $0xffff, v16  }
0xbb: {  	v14, _, _ =	vpop (xrf0)  }
0xbc: {  	v61, _, _ =	vpop (xrf0);
	(v2sf) =	vpush v14, $0xF  }
0xbd: {  	v14, _, _ =	vpop (xrf0);
	(v2sf) =	vpush v61, $0xF  }
0xbe: {  	v62, _, _ =	vpop (xrf0);
	(v2sf) =	vpush v14, $0xF  }
0xbf: {  	vm5 =	veq.s32 v15, v13;
	vm6 =	vgt.s32 v15, v13;
	(v2sf) =	vpush v62, $0xF;
	v15, _, _ =	vpop (xrf0)  }
0xc0: {  	v17, _, _ =	vpop (xrf0);
	(v2sf) =	vpush v15, $0xF  }
0xc1: {  	(v2sf) =	vpush v17, $0xF;
	_ =	sdelay $0x4  }
0xc2: {  	s31 =	simm.s32 $0x40;
	v14 =	vsel vm5, $0x1, v1  }
0xc3: {  	(xrf0) =	vadd.scan.msk.s32 $0xffff, v14;
	v14 =	vld [tilespmem:s31+$0x1400]  }
0xc4: {  	v63 =	vsel vm6, $0x1, v1  }
0xc5: {  	(xrf0) =	vadd.scan.msk.s32 $0xffff, v63  }
0xc6: {  	s0 =	simm.s32 $0x0;
	s2 =	simm.s32 $0x140;
	s1 =	simm.s32 $0x0  }
.LBB2_8:
0xc7: {  	s5 =	sshra.s32 s2, $0x2;
	p2 =	sne.s32 s2, $0x1380  }
.Ltmp5:
0xc8: {  	s2 =	sadd.s32 $0x40, s2;
	vm5 =	vgt.s32 v14, v13;
	vm6 =	veq.s32 v14, v13;
	s6 =	spop (v2sf);
	(pc) =	sbr.rel @p2 .LBB2_8-.Ltmp5, $4  }
0xc9: {  	v14 =	vld [tilespmem:s5+$0x1400];
	v18 =	vsel vm5, $0x1, v1;
	v17 =	vsel vm6, $0x1, v1;
	s0 =	sadd.s32 s0, s6;
	s5 =	spop (v2sf)  }
0xca: {  	(xrf0) =	vadd.scan.msk.s32 $0xffff, v17;
	v16, _, _ =	vpop (xrf0);
	s1 =	sadd.s32 s1, s5  }
0xcb: {  	(xrf0) =	vadd.scan.msk.s32 $0xffff, v18;
	v15, _, _ =	vpop (xrf0);
	(v2sf) =	vpush v16, $0xF  }
0xcc: {  	(v2sf) =	vpush v15, $0xF  }
0xcd: {  	_ = 	snop  }
0xce: {  	vm5 =	veq.s32 v14, v13  }
0xcf: {  	vm6 =	vgt.s32 v14, v13;
	v14 =	vsel vm5, $0x1, v1  }
0xd0: {  	v15 =	vsel vm6, $0x1, v1;
	(xrf0) =	vadd.scan.msk.s32 $0xffff, v14  }
0xd1: {  	(xrf0) =	vadd.scan.msk.s32 $0xffff, v15;
	_ =	sdelay $0x2  }
0xd2: {  	v14, _, _ =	vpop (xrf0)  }
0xd3: {  	v15, _, _ =	vpop (xrf0);
	(v2sf) =	vpush v14, $0xF  }
0xd4: {  	(v2sf) =	vpush v15, $0xF;
	v14, _, _ =	vpop (xrf0)  }
0xd5: {  	v15, _, _ =	vpop (xrf0);
	(v2sf) =	vpush v14, $0xF  }
0xd6: {  	(v2sf) =	vpush v15, $0xF;
	_ =	sdelay $0x5  }
0xd7: {  	s2 =	spop (v2sf)  }
0xd8: {  	s5 =	spop (v2sf)  }
0xd9: {  	s6 =	spop (v2sf)  }
0xda: {  	s7 =	spop (v2sf)  }
0xdb: {  	s8 =	spop (v2sf)  }
0xdc: {  	s9 =	spop (v2sf)  }
0xdd: {  	s1 =	sadd.s32 s1, s5;
	s15 =	spop (v2sf)  }
0xde: {  	s1 =	sadd.s32 s1, s7;
	s16 =	spop (v2sf)  }
0xdf: {  	s0 =	sadd.s32 s0, s2;
	s1 =	sadd.s32 s1, s9;
	s17 =	spop (v2sf)  }
0xe0: {  	s0 =	sadd.s32 s0, s6;
	s1 =	sadd.s32 s1, s16;
	s30 =	spop (v2sf)  }
0xe1: {  	s0 =	sadd.s32 s0, s8;
	s1 =	sadd.s32 s1, s30  }
0xe2: {  	vm5 =	vcmask $0x300;
	s0 =	sadd.s32 s0, s15;
	v14 =	vmov s1  }
0xe3: {  	s0 =	sadd.s32 s0, s17;
	v14 =	vnsel vm5, $0x0, v14;
	vm5 =	vcmask $0x704  }
0xe4: {  	v14 =	vsel vm5, s0, v14  }
0xe5: {  	s31 =	rddreg [dreg:$0xf];
	[tilespmem:$0x3700] =	vst v14  }
0xe6: {  	[spmem:s31] =	stream.linear.scatter [tilespmem:s19], [sflag:$0x2], $0x10, $0x38;
	[tilespmem:$0x3AA0] =	vst v63  }
0xe7: {  	_ =	swait.ge [sflag:s20], $0x10  }
0xe8: {  	[sflag:s20] =	ssyncset.done $0x0  }
0xe9: {  	[sflag:s20] =	ssyncadd.s32 $0xFFFFFFF0  }
0xea: {  	[bflag:$0x0] =	sbarrier.arrive $0xFFFF  }
0xeb: {  	[tilespmem:s21], [sflag:$0x2] =	stream.linear.gather [spmem:s3], $0x100, $0x38;
	[tilespmem:$0x3AA0] =	vst v63  }
0xec: {  	_ =	swait.ge [sflag:s20], $0x100  }
0xed: {  	[sflag:s20] =	ssyncset.done $0x0  }
0xee: {  	[sflag:s20] =	ssyncadd.s32 $0xFFFFFF00  }
0xef: {  	s0 =	simm.s32 $0x0;
	v14 =	vld.idx.msk [tilespmem:v3+s21+$0x0], $0xffff  }
0xf0: {  	v15 =	vld.idx.msk [tilespmem:v4+s21+$0x0], $0xffff;
	[tilespmem:s0+$0x2D00] =	vst v10  }
0xf1: {  	[tilespmem:s0+$0x3200] =	vst v0  }
0xf2: {  	[tilespmem:s0+$0x1900] =	vst v10  }
0xf3: {  	[tilespmem:s0+$0x1E00] =	vst v10  }
0xf4: {  	vm14 =	vcmask $0x3F38;
	s1 =	simm.s32 $0x40;
	[tilespmem:s0+$0x2300] =	vst v10  }
.LBB2_10:
0xf5: {  	p2 =	seq.s32 s1, $0x13C0;
	[tilespmem:s0+$0x2800] =	vst v10;
	s0 =	sshra.s32 s1, $0x2;
	s1 =	sadd.s32 $0x40, s1  }
.Ltmp6:
0xf6: {  	[tilespmem:s0+$0x2D00] =	vst v10;
	(pc) =	sbr.rel @!p2 .LBB2_10-.Ltmp6, $4  }
0xf7: {  	[tilespmem:s0+$0x3200] =	vst v0  }
0xf8: {  	[tilespmem:s0+$0x1900] =	vst v10  }
0xf9: {  	[tilespmem:s0+$0x1E00] =	vst v10  }
0xfa: {  	[tilespmem:s0+$0x2300] =	vst v10  }
0xfb: {  	(xrf0) =	vadd.scan.msk.s32 $0xffff, v14;
	v14 =	vld [tilespmem:$0x1FFF0];
	_ =	sdelay $0x4  }
0xfc: {  	vm5 =	vnez.u8 v14  }
0xfd: {  	v14 =	vnsel vm5, $0x0, v15  }
0xfe: {  	(xrf0) =	vadd.scan.msk.s32 $0xffff, v14;
	_ =	sdelay $0x4  }
0xff: {  	v14, _, _ =	vpop (xrf0)  }
0x100: {  	(v2sf) =	vpush v14, $0xF;
	v14, _, _ =	vpop (xrf0)  }
0x101: {  	(v2sf) =	vpush v14, $0xF;
	_ =	sdelay $0x2  }
0x102: {  	[tilespmem:s0+$0x2800] =	vst v10;
	s2 =	simm.s32 $0x0  }
0x103: {  	v15 =	vld [tilespmem:s2+$0x1400];
	_ =	sdelay $0x4  }
0x104: {  	vm5 =	veq.s32 v15, v13  }
0x105: {  	v16 =	vsel vm5, $0x1, v1  }
0x106: {  	(xrf0) =	vadd.scan.msk.s32 $0xffff, v16;
	_ =	sdelay $0x2  }
0x107: {  	s30 =	spop (v2sf)  }
0x108: {  	s1 =	spop (v2sf)  }
0x109: {  	v16 =	vsel vm5, $0xFFFFFFFF, v1;
	s5 =	sadd.s32 $0x0, s1  }
0x10a: {  	v17, _, _ =	vpop (xrf0);
	s0 =	ssub.s32 $0x7D0, s30;
	v16 =	vadd.s32 s5, v16  }
0x10b: {  	v14 =	vmov s0;
	v16 =	vadd.s32 v17, v16  }
0x10c: {  	vm6 =	vlt.s32 v16, v14  }
0x10d: {  	vm11 =	vgt.s32 v15, v13;
	vm5 =	vmand vm5, vm6  }
0x10e: {  	vm5 =	vmor vm11, vm5  }
0x10f: {  	v16 =	vsel vm5, $0x1, v1  }
0x110: {  	(xrf0) =	vadd.scan.msk.s32 $0xffff, v16;
	_ =	sdelay $0x5  }
0x111: {  	v18 =	vld [tilespmem:s2+$0xF00];
	(v2sf) =	vpush v17, $0xF;
	s0 =	simm.s32 $0x0;
	v17 =	vsel vm5, $0xFFFFFFFF, v1;
	v16, _, _ =	vpop (xrf0)  }
0x112: {  	v19 =	vld [tilespmem:s2+$0xA00];
	v17 =	vadd.s32 s0, v17;
	(v2sf) =	vpush v16, $0xF  }
0x113: {  	v20 =	vld [tilespmem:s2+$0x0];
	v16 =	vadd.s32 v16, v17  }
0x114: {  	v17 =	vld [tilespmem:s2+$0x500];
	_ =	sdelay $0x3  }
0x115: {  	[tilespmem:v16+s22+$0x0] =	vst.idx.msk vm5, v15  }
0x116: {  	v15 =	vsub.f32 v18, v17;
	[tilespmem:v16+s23+$0x0] =	vst.idx.msk vm5, v20;
	v20 =	vsub.f32 v19, v20  }
0x117: {  	[tilespmem:v16+s24+$0x0] =	vst.idx.msk vm5, v17  }
0x118: {  	[tilespmem:v16+s25+$0x0] =	vst.idx.msk vm5, v19;
	v15 =	vmul.f32 v15, v20  }
0x119: {  	[tilespmem:v16+s26+$0x0] =	vst.idx.msk vm5, v18  }
0x11a: {  	s2 =	simm.s32 $0x10;
	[tilespmem:v16+s28+$0x0] =	vst.idx.msk vm5, v15  }
0x11b: {  	v15 =	vld [tilespmem:s2+$0x1400];
	_ =	sdelay $0x1  }
0x11c: {  	s31 =	spop (v2sf)  }
0x11d: {  	s7 =	simm.s32 $0x80;
	s6 =	sadd.s32 $0x0, s31;
	s8 =	spop (v2sf)  }
.LBB2_12:
0x11e: {  	p2 =	sne.s32 s7, $0x1380  }
0x11f: {  	vm5 =	veq.s32 v15, v13;
	s0 =	sadd.s32 s0, s8;
	s8 =	smov.u32 s7;
	s7 =	sadd.s32 $0x40, s7  }
0x120: {  	v16 =	vsel vm5, $0xFFFFFFFF, v1;
	v17 =	vsel vm5, $0x1, v1  }
0x121: {  	(xrf0) =	vadd.scan.msk.s32 $0xffff, v17;
	_ =	sdelay $0x4  }
0x122: {  	s5 =	sadd.s32 s1, s6  }
0x123: {  	v16 =	vadd.s32 s5, v16;
	v17, _, _ =	vpop (xrf0)  }
0x124: {  	v16 =	vadd.s32 v17, v16;
	(v2sf) =	vpush v17, $0xF  }
0x125: {  	vm6 =	vlt.s32 v16, v14  }
0x126: {  	vm11 =	vgt.s32 v15, v13;
	vm5 =	vmand vm5, vm6  }
0x127: {  	vm5 =	vmor vm11, vm5  }
0x128: {  	v16 =	vsel vm5, $0xFFFFFFFF, v1;
	v17 =	vsel vm5, $0x1, v1  }
0x129: {  	(xrf0) =	vadd.scan.msk.s32 $0xffff, v17;
	_ =	sdelay $0x4  }
0x12a: {  	v17 =	vld [tilespmem:s2+$0xF00]  }
0x12b: {  	v16 =	vadd.s32 s0, v16;
	v18 =	vld [tilespmem:s2+$0xA00];
	v19, _, _ =	vpop (xrf0)  }
0x12c: {  	v16 =	vadd.s32 v19, v16;
	v20 =	vld [tilespmem:s2+$0x500];
	(v2sf) =	vpush v19, $0xF  }
0x12d: {  	v19 =	vld [tilespmem:s2+$0x0];
	_ =	sdelay $0x1  }
0x12e: {  	s2 =	spop (v2sf)  }
0x12f: {  	s6 =	sadd.s32 s6, s2  }
0x130: {  	[tilespmem:v16+s22+$0x0] =	vst.idx.msk vm5, v15;
	v15 =	vsub.f32 v17, v20  }
0x131: {  	[tilespmem:v16+s23+$0x0] =	vst.idx.msk vm5, v19;
	v19 =	vsub.f32 v18, v19  }
0x132: {  	[tilespmem:v16+s24+$0x0] =	vst.idx.msk vm5, v20  }
0x133: {  	[tilespmem:v16+s25+$0x0] =	vst.idx.msk vm5, v18;
	v15 =	vmul.f32 v15, v19  }
0x134: {  	[tilespmem:v16+s26+$0x0] =	vst.idx.msk vm5, v17  }
0x135: {  	s2 =	sshra.s32 s8, $0x2;
	[tilespmem:v16+s28+$0x0] =	vst.idx.msk vm5, v15  }
.Ltmp7:
0x136: {  	v15 =	vld [tilespmem:s2+$0x1400];
	(pc) =	sbr.rel @p2 .LBB2_12-.Ltmp7, $2  }
0x137: {  	_ =	sdelay $0x2  }
0x138: {  	s8 =	spop (v2sf)  }
0x139: {  	vm5 =	veq.s32 v15, v13  }
0x13a: {  	v16 =	vsel vm5, $0x1, v1  }
0x13b: {  	(xrf0) =	vadd.scan.msk.s32 $0xffff, v16;
	_ =	sdelay $0x4  }
0x13c: {  	s1 =	sadd.s32 s1, s6;
	v61 =	vsel vm5, $0xFFFFFFFF, v1  }
0x13d: {  	v16 =	vadd.s32 s1, v61;
	v17, _, _ =	vpop (xrf0)  }
0x13e: {  	v16 =	vadd.s32 v17, v16  }
0x13f: {  	vm6 =	vlt.s32 v16, v14  }
0x140: {  	vm11 =	vgt.s32 v15, v13;
	vm5 =	vmand vm5, vm6  }
0x141: {  	vm5 =	vmor vm11, vm5  }
0x142: {  	v13 =	vsel vm5, $0x1, v1  }
0x143: {  	(xrf0) =	vadd.scan.msk.s32 $0xffff, v13;
	_ =	sdelay $0x5  }
0x144: {  	(v2sf) =	vpush v17, $0xF;
	v13, _, _ =	vpop (xrf0)  }
0x145: {  	(v2sf) =	vpush v13, $0xF;
	_ =	sdelay $0x8  }
0x146: {  	s0 =	sadd.s32 s0, s8;
	v62 =	vld [tilespmem:s2+$0xF00];
	v14 =	vsel vm5, $0xFFFFFFFF, v1  }
0x147: {  	v63 =	vld [tilespmem:s2+$0xA00];
	v14 =	vadd.s32 s0, v14  }
0x148: {  	v18 =	vld [tilespmem:s2+$0x0];
	v13 =	vadd.s32 v13, v14  }
0x149: {  	v14 =	vld [tilespmem:s2+$0x500];
	_ =	sdelay $0x1  }
0x14a: {  	s17 =	spop (v2sf)  }
0x14b: {  	s1 =	spop (v2sf)  }
0x14c: {  	[tilespmem:v13+s22+$0x0] =	vst.idx.msk vm5, v15;
	s0 =	sadd.s32 s0, s1  }
0x14d: {  	v15 =	vsub.f32 v62, v14;
	[tilespmem:v13+s23+$0x0] =	vst.idx.msk vm5, v18;
	v18 =	vsub.f32 v63, v18;
	s0 =	sadd.s32 $0xF, s0  }
0x14e: {  	[tilespmem:v13+s24+$0x0] =	vst.idx.msk vm5, v14;
	s30 =	sshra.s32 s0, $0x4  }
0x14f: {  	[tilespmem:v13+s25+$0x0] =	vst.idx.msk vm5, v63;
	v14 =	vmul.f32 v15, v18;
	p2 =	sgt.s32 s30, $0x1  }
0x150: {  	[tilespmem:v13+s26+$0x0] =	vst.idx.msk vm5, v62;
	s30 =	simm.s32 @!p2 $0x1  }
0x151: {  	[tilespmem:v13+s28+$0x0] =	vst.idx.msk vm5, v14;
	v13 =	vimm.s32 $0x0;
	v14 =	vimm.s32 $0x0;
	s1 =	simm.s32 $0x0;
	s0 =	simm.s32 $0x0;
	s31 =	sshll.u32 s30, $0x4  }
.LBB2_14:
0x152: {  	p4 =	sne.s32 s31, $0x10  }
.Ltmp8:
0x153: {  	_ = 	snop;
	(pc) =	sbr.rel @!p4 .LBB2_18-.Ltmp8, $3  }
0x154: {  	_ =	sdelay $0x1  }
0x155: {  	s2 =	simm.s32 $0x3200;
	p2 =	por $0x0, $0x0  }
0x156: {  	v17 =	vimm.s32 $0xFFFFFFFE;
	s7 =	simm.s32 $0x3200;
	v18 =	vimm.s32 $0xFFFFFFFE;
	s6 =	simm.s32 $0x0;
	v16 =	vimm.s32 $0x0;
	p3 =	por $0x0, $0x0  }
0x157: {  	v15 =	vld [tilespmem:s2+$0x0];
	p4 =	sne.s32 s31, $0x20  }
.Ltmp9:
0x158: {  	_ = 	snop;
	(pc) =	sbr.rel @!p4 .LBB2_16-.Ltmp9, $3  }
0x159: {  	_ =	sdelay $0x1  }
0x15a: {  	s8 =	simm.s32 $0x20  }
0x15b: {  	s7 =	simm.s32 $0x3210;
	p3 =	por $0x1, $0x1;
	v18 =	vimm.s32 $0xFFFFFFFE;
	s6 =	simm.s32 $0x0;
	v16 =	vimm.s32 $0x0;
	vm5 =	vgt.s32 v15, v17  }
.LBB2_17:
0x15c: {  	s8 =	sadd.s32 $0x10, s8  }
0x15d: {  	v18 =	vsel vm5, v15, v18;
	v15 =	vld [tilespmem:s7+$0x0];
	v16 =	vsel vm5, s6, v16;
	s6 =	sadd.s32 $0x1, s6;
	p4 =	sne.s32 s31, s8  }
.Ltmp10:
0x15e: {  	(pc) =	sbr.rel @p4 .LBB2_17-.Ltmp10, $2  }
0x15f: {  	_ =	sdelay $0x2  }
0x160: {  	s7 =	sadd.s32 $0x10, s7;
	vm5 =	vgt.s32 v15, v18  }
.LBB2_18:
0x161: {  	v19 =	vld [tilespmem:s7+$0x0];
	_ =	sdelay $0x2  }
0x162: {  	v15 =	vsel @p3 vm5, v15, v18  }
0x163: {  	v15 =	vpsel p3, v15, v17  }
0x164: {  	vm6 =	vgt.s32 v19, v15  }
0x165: {  	v15 =	vsel vm6, v19, v15  }
0x166: {  	v18 =	vxor.u32 $0x80000000, v15  }
0x167: {  	(xrf0) =	vmax.scan.msk.u32 $0xffff, v18;
	_ =	sdelay $0x5  }
0x168: {  	v18, _, _ =	vpop (xrf0)  }
0x169: {  	(v2sf) =	vpush v18, $0xF;
	_ =	sdelay $0xc  }
0x16a: {  	v16 =	vsel @p3 vm5, s6, v16;
	s5 =	sadd.s32 @p3 $0x1, s6;
	s6 =	simm.s32 $0x0  }
0x16b: {  	s6 =	smov.u32 @p3 s5;
	v16 =	vpsel p3, v16, v13  }
0x16c: {  	v16 =	vsel vm6, s6, v16;
	s16 =	spop (v2sf)  }
0x16d: {  	v16 =	vshll.u32 v16, $0x4;
	s10 =	sxor.u32 $0x80000000, s16  }
0x16e: {  	vm5 =	veq.s32 v15, s10;
	v15 =	vxor.u32 v11, v16  }
0x16f: {  	v15 =	vnsel vm5, $0xC0000000, v15  }
0x170: {  	(xrf0) =	vmin.scan.msk.u32 $0xffff, v15;
	_ =	sdelay $0x5  }
0x171: {  	v15, _, _ =	vpop (xrf0)  }
0x172: {  	(v2sf) =	vpush v15, $0xF;
	_ =	sdelay $0xb  }
0x173: {  	p3 =	sne.s32 s31, $0x10  }
.Ltmp11:
0x174: {  	_ = 	snop;
	(pc) =	sbr.rel @!p3 .LBB2_19-.Ltmp11, $4  }
0x175: {  	v19 =	vld [tilespmem:s2+$0x0]  }
0x176: {  	s17 =	spop (v2sf)  }
0x177: {  	s5 =	sxor.u32 $0x80000000, s17  }
0x178: {  	s7 =	simm.s32 $0x10;
	s6 =	simm.s32 $0x0;
	v16 =	vimm.s32 $0x0;
	v15 =	vmov s5  }
0x179: {  	p4 =	sne.s32 s31, $0x20  }
.Ltmp12:
0x17a: {  	_ = 	snop;
	(pc) =	sbr.rel @!p4 .LBB2_21-.Ltmp12, $4  }
0x17b: {  	_ = 	snop  }
0x17c: {  	v18 =	vor.u32 s6, v2  }
0x17d: {  	s8 =	simm.s32 $0x20;
	s11 =	simm.s32 $0x3210;
	vm5 =	vgt.s32 v19, v17;
	vm6 =	vne.s32 v18, v15  }
0x17e: {  	p2 =	por $0x1, $0x1;
	v20 =	vimm.s32 $0xFFFFFFFE;
	s2 =	simm.s32 $0x0;
	s9 =	simm.s32 $0x10;
	v21 =	vld [tilespmem:s11+$0x0];
	v18 =	vimm.s32 $0x0;
	vm5 =	vmand vm6, vm5  }
.LBB2_22:
0x17f: {  	s5 =	smov.u32 s8;
	s8 =	sadd.s32 $0x10, s8  }
0x180: {  	v20 =	vsel vm5, v19, v20;
	v18 =	vsel vm5, s2, v18;
	s2 =	sadd.s32 $0x1, s2;
	p4 =	sne.s32 s31, s8  }
.Ltmp13:
0x181: {  	(pc) =	sbr.rel @p4 .LBB2_22-.Ltmp13, $4  }
0x182: {  	_ = 	snop  }
0x183: {  	v22 =	vor.u32 s9, v2;
	s9 =	smov.u32 s5  }
0x184: {  	s11 =	sadd.s32 $0x10, s11;
	vm6 =	vne.s32 v22, v15;
	vm5 =	vgt.s32 v21, v20;
	v19 =	vmov v21  }
0x185: {  	v21 =	vld [tilespmem:s11+$0x0];
	vm5 =	vmand vm6, vm5  }
0x186: {  	_ =	sdelay $0x3  }
0x187: {  	v22 =	vmov v19;
	v19 =	vmov v21  }
.LBB2_24:
0x188: {  	v20 =	vsel @p2 vm5, v22, v20  }
0x189: {  	v21 =	vor.u32 s9, v2;
	v17 =	vpsel p2, v20, v17  }
0x18a: {  	vm11 =	vne.s32 v21, v15;
	vm6 =	vgt.s32 v19, v17  }
0x18b: {  	vm6 =	vmand vm11, vm6  }
0x18c: {  	v17 =	vsel vm6, v19, v17  }
0x18d: {  	v19 =	vxor.u32 $0x80000000, v17  }
0x18e: {  	(xrf0) =	vmax.scan.msk.u32 $0xffff, v19;
	_ =	sdelay $0x5  }
0x18f: {  	v19, _, _ =	vpop (xrf0)  }
0x190: {  	(v2sf) =	vpush v19, $0xF;
	_ =	sdelay $0xc  }
0x191: {  	v18 =	vsel @p2 vm5, s2, v18;
	s2 =	sadd.s32 @p2 $0x1, s2;
	s5 =	simm.s32 $0x0  }
0x192: {  	s5 =	smov.u32 @p2 s2;
	v18 =	vpsel p2, v18, v16  }
0x193: {  	v18 =	vsel vm6, s5, v18;
	s15 =	spop (v2sf)  }
0x194: {  	v18 =	vshll.u32 v18, $0x4;
	s16 =	sxor.u32 $0x80000000, s15  }
0x195: {  	vm5 =	veq.s32 v17, s16;
	v17 =	vxor.u32 v11, v18  }
0x196: {  	v17 =	vnsel vm5, $0xC0000000, v17  }
0x197: {  	(xrf0) =	vmin.scan.msk.u32 $0xffff, v17;
	_ =	sdelay $0x5  }
0x198: {  	v17, _, _ =	vpop (xrf0)  }
0x199: {  	(v2sf) =	vpush v17, $0xF;
	_ =	sdelay $0xc  }
.Ltmp14:
0x19a: {  	s2 =	simm.s32 $0x3200;
	(pc) =	sbr.rel @!p3 .LBB2_25-.Ltmp14, $4  }
0x19b: {  	v21 =	vld [tilespmem:s2+$0x0]  }
0x19c: {  	s17 =	spop (v2sf)  }
0x19d: {  	s8 =	sxor.u32 $0x80000000, s17  }
0x19e: {  	p2 =	por $0x0, $0x0;
	v19 =	vimm.s32 $0xFFFFFFFE;
	v17 =	vmov s16;
	v18 =	vmov s8  }
0x19f: {  	p4 =	sne.s32 s31, $0x20  }
.Ltmp15:
0x1a0: {  	_ = 	snop;
	(pc) =	sbr.rel @!p4 .LBB2_27-.Ltmp15, $4  }
0x1a1: {  	v20 =	vor.u32 s6, v2  }
0x1a2: {  	vm5 =	vne.s32 v20, v15;
	vm6 =	vne.s32 v20, v18  }
0x1a3: {  	s9 =	simm.s32 $0x3210;
	vm11 =	vgt.s32 v21, v19;
	vm5 =	vmand vm5, vm6  }
0x1a4: {  	s11 =	simm.s32 $0x20;
	p3 =	por $0x1, $0x1;
	v22 =	vimm.s32 $0xFFFFFFFE;
	s8 =	simm.s32 $0x0;
	v23 =	vld [tilespmem:s9+$0x0];
	v20 =	vimm.s32 $0x0;
	vm5 =	vmand vm5, vm11  }
.LBB2_28:
0x1a5: {  	s5 =	smov.u32 s11;
	s11 =	sadd.s32 $0x10, s11  }
0x1a6: {  	v22 =	vsel vm5, v21, v22;
	v20 =	vsel vm5, s8, v20;
	s8 =	sadd.s32 $0x1, s8;
	p4 =	sne.s32 s31, s11  }
.Ltmp16:
0x1a7: {  	(pc) =	sbr.rel @p4 .LBB2_28-.Ltmp16, $4  }
0x1a8: {  	v24 =	vor.u32 s7, v2;
	s7 =	smov.u32 s5  }
0x1a9: {  	vm5 =	vne.s32 v24, v15;
	vm6 =	vne.s32 v24, v18  }
0x1aa: {  	s9 =	sadd.s32 $0x10, s9;
	vm5 =	vmand vm5, vm6;
	vm11 =	vgt.s32 v23, v22;
	v21 =	vmov v23  }
0x1ab: {  	v23 =	vld [tilespmem:s9+$0x0];
	vm5 =	vmand vm5, vm11  }
0x1ac: {  	_ =	sdelay $0x3  }
0x1ad: {  	v24 =	vmov v21;
	v21 =	vmov v23  }
.LBB2_30:
0x1ae: {  	v22 =	vsel @p3 vm5, v24, v22;
	v23 =	vor.u32 s7, v2  }
0x1af: {  	vm6 =	vne.s32 v23, v15;
	vm11 =	vne.s32 v23, v18;
	v19 =	vpsel p3, v22, v19  }
0x1b0: {  	vm6 =	vmand vm6, vm11;
	vm11 =	vgt.s32 v21, v19  }
0x1b1: {  	vm6 =	vmand vm6, vm11  }
0x1b2: {  	v19 =	vsel vm6, v21, v19  }
0x1b3: {  	v21 =	vxor.u32 $0x80000000, v19  }
0x1b4: {  	(xrf0) =	vmax.scan.msk.u32 $0xffff, v21;
	_ =	sdelay $0x5  }
0x1b5: {  	v21, _, _ =	vpop (xrf0)  }
0x1b6: {  	(v2sf) =	vpush v21, $0xF;
	_ =	sdelay $0xc  }
0x1b7: {  	v20 =	vsel @p3 vm5, s8, v20;
	s5 =	sadd.s32 @p3 $0x1, s8  }
0x1b8: {  	s6 =	smov.u32 @p3 s5;
	v16 =	vpsel p3, v20, v16  }
0x1b9: {  	v16 =	vsel vm6, s6, v16;
	s12 =	spop (v2sf)  }
0x1ba: {  	v16 =	vshll.u32 v16, $0x4;
	s5 =	sxor.u32 $0x80000000, s12  }
0x1bb: {  	v16 =	vxor.u32 v11, v16;
	vm5 =	veq.s32 v19, s5  }
0x1bc: {  	v16 =	vnsel vm5, $0xC0000000, v16  }
0x1bd: {  	(xrf0) =	vmin.scan.msk.u32 $0xffff, v16;
	_ =	sdelay $0x5  }
0x1be: {  	v16, _, _ =	vpop (xrf0)  }
0x1bf: {  	(v2sf) =	vpush v16, $0xF;
	_ =	sdelay $0xe  }
0x1c0: {  	s13 =	spop (v2sf)  }
0x1c1: {  	s6 =	sxor.u32 $0x80000000, s13  }
0x1c2: {  	v16 =	vmov s6;
	_ =	sdelay $0x3  }
0x1c3: {  	s8 =	simm.s32 $0x2300  }
0x1c4: {  	s6 =	simm.s32 $0x2800;
	v19 =	vld.idx.msk [tilespmem:v16+s8+$0x0], $0xffff  }
0x1c5: {  	s7 =	simm.s32 $0x1E00;
	v20 =	vld.idx.msk [tilespmem:v16+s6+$0x0], $0xffff  }
0x1c6: {  	s9 =	simm.s32 $0x1900;
	v21 =	vld.idx.msk [tilespmem:v16+s7+$0x0], $0xffff  }
0x1c7: {  	v16 =	vld.idx.msk [tilespmem:v16+s9+$0x0], $0xffff;
	_ =	sdelay $0x1  }
0x1c8: {  	v22 =	vld.idx.msk [tilespmem:v18+s6+$0x0], $0xffff  }
0x1c9: {  	v23 =	vld.idx.msk [tilespmem:v18+s8+$0x0], $0xffff;
	vm5 =	vcmask $0x3F34;
	v19 =	vsel vm14, v20, v19  }
0x1ca: {  	v20 =	vld.idx.msk [tilespmem:v18+s7+$0x0], $0xffff;
	v19 =	vsel vm5, v19, v21;
	vm5 =	vcmask $0x3F30  }
0x1cb: {  	v18 =	vld.idx.msk [tilespmem:v18+s9+$0x0], $0xffff;
	v16 =	vsel vm5, v19, v16;
	vm5 =	vcmask $0x2B28  }
0x1cc: {  	v16 =	vsel vm5, s5, v16;
	vm5 =	vcmask $0x3F28  }
0x1cd: {  	v19 =	vld.idx.msk [tilespmem:v15+s6+$0x0], $0xffff;
	v16 =	vsel vm5, v16, v22  }
0x1ce: {  	v21 =	vld.idx.msk [tilespmem:v15+s8+$0x0], $0xffff;
	v16 =	vsel vm15, v16, v23  }
0x1cf: {  	v22 =	vld.idx.msk [tilespmem:v15+s7+$0x0], $0xffff;
	v16 =	vsel vm7, v16, v20  }
0x1d0: {  	v15 =	vld.idx.msk [tilespmem:v15+s9+$0x0], $0xffff;
	v16 =	vsel vm8, v16, v18  }
0x1d1: {  	v16 =	vsel vm9, v16, v17  }
0x1d2: {  	v16 =	vsel vm1, v16, v19  }
0x1d3: {  	s15 =	sxor.u32 $0xFFFFFFFF, s1;
	v16 =	vsel vm2, v16, v21  }
0x1d4: {  	s5 =	sshll.u32 s15, $0x8;
	v16 =	vsel vm3, v16, v22  }
0x1d5: {  	vm5 =	veq.s32 v2, $0x0;
	s5 =	sand.u32 $0x100, s5;
	v15 =	vsel vm4, v16, v15  }
0x1d6: {  	s5 =	sadd.s32 s5, s3;
	v15 =	vsel vm5, s10, v15  }
0x1d7: {  	s16 =	sadd.s32 s14, s5;
	[tilespmem:$0x3700] =	vst v15  }
0x1d8: {  	[spmem:s16] =	stream.linear.scatter [tilespmem:s19], [sflag:$0x2], $0x10, $0x38;
	[tilespmem:$0x3AA0] =	vst v63  }
0x1d9: {  	_ =	swait.ge [sflag:s20], $0x10  }
0x1da: {  	[sflag:s20] =	ssyncset.done $0x0  }
0x1db: {  	[sflag:s20] =	ssyncadd.s32 $0xFFFFFFF0  }
0x1dc: {  	[bflag:$0x0] =	sbarrier.arrive $0xFFFF  }
0x1dd: {  	[tilespmem:s21], [sflag:$0x2] =	stream.linear.gather [spmem:s5], $0x100, $0x38;
	[tilespmem:$0x3AA0] =	vst v63  }
0x1de: {  	_ =	swait.ge [sflag:s20], $0x100  }
0x1df: {  	[sflag:s20] =	ssyncset.done $0x0  }
0x1e0: {  	[sflag:s20] =	ssyncadd.s32 $0xFFFFFF00  }
0x1e1: {  	v15 =	vld.idx.msk [tilespmem:v3+s21+$0x0], $0xffff;
	_ =	sdelay $0x4  }
0x1e2: {  	v16 =	vxor.u32 $0x80000000, v15  }
0x1e3: {  	(xrf0) =	vmax.scan.msk.u32 $0xffff, v16;
	_ =	sdelay $0x5  }
0x1e4: {  	v16, _, _ =	vpop (xrf0)  }
0x1e5: {  	(v2sf) =	vpush v16, $0xF;
	_ =	sdelay $0xe  }
0x1e6: {  	s10 =	spop (v2sf)  }
0x1e7: {  	s17 =	sxor.u32 $0x80000000, s10  }
0x1e8: {  	vm5 =	veq.s32 v15, s17  }
0x1e9: {  	v16 =	vnsel vm5, $0x800003E7, v11  }
0x1ea: {  	(xrf0) =	vmin.scan.msk.u32 $0xffff, v16;
	_ =	sdelay $0x5  }
0x1eb: {  	v16, _, _ =	vpop (xrf0)  }
0x1ec: {  	(v2sf) =	vpush v16, $0xF;
	_ =	sdelay $0xd  }
0x1ed: {  	v16 =	vld.idx.msk [tilespmem:v8+s21+$0x0], $0xffff  }
0x1ee: {  	s4 =	spop (v2sf)  }
0x1ef: {  	s11 =	sxor.u32 $0x80000000, s4  }
0x1f0: {  	v17 =	vmov s11  }
0x1f1: {  	vm5 =	veq.s32 v17, v2  }
0x1f2: {  	v15 =	vsel vm5, v16, v15  }
0x1f3: {  	v17 =	vxor.u32 $0x80000000, v15  }
0x1f4: {  	(xrf0) =	vmax.scan.msk.u32 $0xffff, v17;
	_ =	sdelay $0x5  }
0x1f5: {  	v17, _, _ =	vpop (xrf0)  }
0x1f6: {  	(v2sf) =	vpush v17, $0xF;
	_ =	sdelay $0xe  }
0x1f7: {  	s11 =	spop (v2sf)  }
0x1f8: {  	s12 =	sxor.u32 $0x80000000, s11  }
0x1f9: {  	vm5 =	veq.s32 v15, s12  }
0x1fa: {  	v17 =	vnsel vm5, $0x800003E7, v11  }
0x1fb: {  	(xrf0) =	vmin.scan.msk.u32 $0xffff, v17;
	_ =	sdelay $0x5  }
0x1fc: {  	v17, _, _ =	vpop (xrf0)  }
0x1fd: {  	(v2sf) =	vpush v17, $0xF;
	_ =	sdelay $0x7  }
0x1fe: {  	v17 =	vor.u32 $0xA, v3;
	_ =	sdelay $0x4  }
0x1ff: {  	v17 =	vld.idx.msk [tilespmem:v17+s21+$0x0], $0xffff;
	_ =	sdelay $0x1  }
0x200: {  	s16 =	spop (v2sf)  }
0x201: {  	s17 =	sxor.u32 $0x80000000, s16  }
0x202: {  	p3 =	seq.s32 s16, s4;
	v18 =	vmov s17  }
0x203: {  	v16 =	vpsel p3, v17, v16;
	vm5 =	veq.s32 v18, v2  }
0x204: {  	v15 =	vsel vm5, v16, v15  }
0x205: {  	v16 =	vxor.u32 $0x80000000, v15  }
0x206: {  	(xrf0) =	vmax.scan.msk.u32 $0xffff, v16;
	_ =	sdelay $0x5  }
0x207: {  	v16, _, _ =	vpop (xrf0)  }
0x208: {  	(v2sf) =	vpush v16, $0xF;
	_ =	sdelay $0xe  }
0x209: {  	s12 =	spop (v2sf)  }
0x20a: {  	s13 =	sxor.u32 $0x80000000, s12  }
0x20b: {  	vm5 =	veq.s32 v15, s13  }
0x20c: {  	v15 =	vnsel vm5, $0x800003E7, v11  }
0x20d: {  	(xrf0) =	vmin.scan.msk.u32 $0xffff, v15;
	_ =	sdelay $0x5  }
0x20e: {  	v15, _, _ =	vpop (xrf0)  }
0x20f: {  	(v2sf) =	vpush v15, $0xF;
	_ =	sdelay $0xc  }
0x210: {  	s13 =	sshll.u32 s4, $0x4  }
0x211: {  	s5 =	sor.u32 $0x3, s13  }
0x212: {  	s15 =	sor.u32 $0x1, s13;
	v17 =	vmov s5;
	s5 =	simm.s32 $0x1;
	s17 =	spop (v2sf)  }
0x213: {  	v15 =	vmov s15;
	s15 =	simm.s32 $0x5;
	p4 =	seq.s32 s17, s4;
	s4 =	sor.u32 $0x2, s13  }
0x214: {  	v17 =	vbroadcast v17, $0x0;
	s15 =	simm.s32 @!p3 $0x0;
	p3 =	seq.s32 s17, s16;
	v16 =	vmov s4;
	s4 =	sshll.u32 s16, $0x4  }
0x215: {  	v15 =	vbroadcast v15, $0x0;
	s16 =	simm.s32 $0x1;
	s15 =	sor.u32 s4, s15;
	s4 =	sor.u32 $0x4, s13  }
0x216: {  	s5 =	simm.s32 @!p4 $0x0;
	v16 =	vbroadcast v16, $0x0;
	s16 =	simm.s32 @!p3 $0x0;
	v18 =	vmov s4  }
0x217: {  	s4 =	sadd.s32 $0x1, s15;
	s5 =	sadd.s32 s16, s5;
	s16 =	sadd.s32 $0x4, s15;
	v20 =	vbroadcast v18, $0x0  }
0x218: {  	v18 =	vmov s4;
	s4 =	sor.u32 $0x2, s15;
	v19 =	vmov s16;
	s16 =	sadd.s32 $0x3, s15  }
0x219: {  	s5 =	smul.u32 $0x5, s5;
	v21 =	vbroadcast v18, $0x0;
	v18 =	vmov s4;
	v24 =	vmov s16  }
0x21a: {  	s17 =	sshll.u32 s17, $0x4;
	v26 =	vbroadcast v19, $0x0;
	v19 =	vld.idx.msk [tilespmem:v17+s21+$0x0], $0xffff;
	v23 =	vbroadcast v18, $0x0  }
0x21b: {  	v18 =	vld.idx.msk [tilespmem:v15+s21+$0x0], $0xffff;
	s16 =	sor.u32 s17, s5  }
0x21c: {  	s5 =	sadd.s32 $0x1, s16;
	v15 =	vld.idx.msk [tilespmem:v16+s21+$0x0], $0xffff  }
0x21d: {  	v17 =	vmov s5;
	s5 =	sadd.s32 $0x3, s16;
	v16 =	vld.idx.msk [tilespmem:v20+s21+$0x0], $0xffff  }
0x21e: {  	v27 =	vmov s5;
	v25 =	vld.idx.msk [tilespmem:v24+s21+$0x0], $0xffff  }
0x21f: {  	s17 =	sadd.s32 $0x2, s16;
	v22 =	vld.idx.msk [tilespmem:v21+s21+$0x0], $0xffff  }
0x220: {  	v21 =	vmov s17;
	s17 =	sadd.s32 $0x4, s16;
	v20 =	vld.idx.msk [tilespmem:v23+s21+$0x0], $0xffff  }
0x221: {  	v24 =	vmov s17;
	v23 =	vld.idx.msk [tilespmem:v26+s21+$0x0], $0xffff  }
0x222: {  	v26 =	vld.idx.msk [tilespmem:v17+s21+$0x0], $0xffff  }
0x223: {  	v27 =	vld.idx.msk [tilespmem:v27+s21+$0x0], $0xffff  }
0x224: {  	v17 =	vsub.f32 v19, v18;
	v28 =	vsub.f32 v16, v15  }
0x225: {  	v31 =	vmin.f32 v19, v25;
	v21 =	vld.idx.msk [tilespmem:v21+s21+$0x0], $0xffff;
	v29 =	vsub.f32 v25, v22  }
0x226: {  	v24 =	vld.idx.msk [tilespmem:v24+s21+$0x0], $0xffff;
	v30 =	vsub.f32 v23, v20;
	v17 =	vmul.f32 v28, v17;
	v33 =	vmax.f32 v15, v20  }
0x227: {  	v34 =	vmin.f32 v16, v23;
	v57 =	vmax.f32 v18, v26;
	v61 =	vmax.f32 v22, v26  }
0x228: {  	v32 =	vmul.f32 v30, v29;
	v28 =	vsub.f32 v27, v26;
	v30 =	vmax.f32 v18, v22  }
0x229: {  	v58 =	vmin.f32 v19, v27;
	v36 =	vmin.f32 v25, v27;
	v30 =	vsub.f32 v31, v30  }
0x22a: {  	v31 =	vsub.f32 v34, v33;
	v34 =	vsub.f32 v36, v61;
	v59 =	vmax.f32 v15, v21  }
0x22b: {  	v35 =	vmax.f32 v20, v21;
	v29 =	vsub.f32 v24, v21;
	v60 =	vmin.f32 v16, v24  }
0x22c: {  	v31 =	vmax.f32 v31, $0.0e+00;
	v37 =	vmin.f32 v23, v24;
	v33 =	vsub.f32 v60, v59  }
0x22d: {  	v28 =	vmul.f32 v29, v28;
	v29 =	vmax.f32 v30, $0.0e+00;
	v30 =	vsub.f32 v58, v57  }
0x22e: {  	v34 =	vmax.f32 v34, $0.0e+00;
	v35 =	vsub.f32 v37, v35;
	v33 =	vmax.f32 v33, $0.0e+00  }
0x22f: {  	v29 =	vmul.f32 v31, v29;
	v31 =	vadd.f32 v32, v17;
	v30 =	vmax.f32 v30, $0.0e+00  }
0x230: {  	v35 =	vmax.f32 v35, $0.0e+00;
	v62 =	vadd.f32 v28, v17;
	v30 =	vmul.f32 v33, v30  }
0x231: {  	v34 =	vmul.f32 v35, v34;
	v63 =	vadd.f32 v28, v32;
	v31 =	vsub.f32 v31, v29  }
0x232: {  	v33 =	vsub.f32 v62, v30  }
0x233: {  	v35 =	vsub.f32 v63, v34;
	v31 =	vadd.f32 $9.999999930e-09, v31  }
0x234: {  	v33 =	vadd.f32 $9.999999930e-09, v33  }
0x235: {  	(erf) = vrcp.f32 v31;
	v31 =	vadd.f32 $9.999999930e-09, v35  }
0x236: {  	(erf) = vrcp.f32 v33  }
0x237: {  	(erf) = vrcp.f32 v31;
	_ =	sdelay $0x6  }
0x238: {  	v31 =	vpop (erf)  }
0x239: {  	v29 =	vmul.f32 v31, v29;
	v33 =	vpop (erf)  }
0x23a: {  	v30 =	vmul.f32 v33, v30;
	v31 =	vpop (erf)  }
0x23b: {  	vm5 =	vle.f32 v29, $5.000000000e-01;
	v29 =	vmul.f32 v31, v34  }
0x23c: {  	v31 =	vsel vm5, $0x1, v1;
	vm5 =	vle.f32 v30, $5.000000000e-01  }
0x23d: {  	v30 =	vor.u32 $0x80000000, v31;
	v31 =	vsel vm5, $0x1, v1;
	vm5 =	vle.f32 v29, $5.000000000e-01  }
0x23e: {  	(xrf0) =	vmax.scan.msk.u32 $0xffff, v30;
	v29 =	vor.u32 $0x80000000, v31;
	v30 =	vsel vm5, $0x1, v1  }
0x23f: {  	(xrf0) =	vmax.scan.msk.u32 $0xffff, v29;
	v29 =	vor.u32 $0x80000000, v30  }
0x240: {  	(xrf0) =	vmax.scan.msk.u32 $0xffff, v29;
	_ =	sdelay $0x3  }
0x241: {  	v29, _, _ =	vpop (xrf0)  }
0x242: {  	(v2sf) =	vpush v29, $0xF;
	v30, _, _ =	vpop (xrf0)  }
0x243: {  	(v2sf) =	vpush v30, $0xF;
	v29, _, _ =	vpop (xrf0)  }
0x244: {  	(v2sf) =	vpush v29, $0xF;
	_ =	sdelay $0xc  }
0x245: {  	v31 =	vadd.s32 s16, v12;
	s16 =	sand.u32 s10, s11;
	s5 =	spop (v2sf)  }
0x246: {  	p5 =	slt.s32 s12, $0x0;
	p4 =	slt.s32 s16, $0x0;
	v29 =	vor.u32 s13, v12;
	s13 =	spop (v2sf)  }
0x247: {  	v30 =	vadd.s32 s15, v12;
	p3 =	seq.s32 s5, $0x80000001;
	s15 =	spop (v2sf);
	p6 =	seq.s32 s13, $0x80000001  }
0x248: {  	p4 =	por !p4, !p3;
	p5 =	por !p6, !p5;
	p6 =	seq.s32 s15, $0x80000001  }
0x249: {  	p3 =	por !p5, !p5;
	p5 =	por p6, p4  }
0x24a: {  	p5 =	por !p5, !p3  }
0x24b: {  	v36 =	vld [tilespmem:s8+$0x0];
	p3 =	slt.s32 s10, $0x0;
	p5 =	por !p5, !p5  }
0x24c: {  	s17 =	simm.s32 $0x2D00;
	v37 =	vld [tilespmem:s9+$0x0];
	p6 =	por !p3, !p5  }
0x24d: {  	v35 =	vld [tilespmem:s6+$0x0];
	p5 =	por !p4, !p4;
	p4 =	por !p6, !p6;
	p6 =	sne.s32 s30, $0x1  }
.Ltmp17:
0x24e: {  	v33 =	vld [tilespmem:s17+$0x0];
	(pc) =	sbr.rel @!p6 .LBB2_31-.Ltmp17, $4  }
0x24f: {  	v34 =	vld [tilespmem:s7+$0x0]  }
0x250: {  	v31 =	vld.idx.msk [tilespmem:v31+s21+$0x0], $0xffff  }
0x251: {  	vm6 =	vmmov vm10;
	vm5 =	vmmov vm10;
	v30 =	vld.idx.msk [tilespmem:v30+s21+$0x0], $0xffff  }
0x252: {  	s6 =	sadd.s32 $0xFFFFFFFF, s30;
	v29 =	vld.idx.msk [tilespmem:v29+s21+$0x0], $0xffff;
	vm5 =	vmneg @p5 vm5;
	vm6 =	vmneg @p4 vm6  }
0x253: {  	v38 =	vmax.f32 v37, v18;
	v39 =	vmax.f32 v37, v22;
	v40 =	vadd.f32 v33, v32  }
0x254: {  	v41 =	vmin.f32 v36, v19;
	v42 =	vmin.f32 v36, v25;
	v45 =	vmax.f32 v37, v26  }
0x255: {  	v46 =	vmin.f32 v36, v27;
	v48 =	vmin.f32 v35, v23;
	v51 =	vmin.f32 v35, v24  }
0x256: {  	v53 =	vmin.f32 v35, v16;
	v38 =	vsub.f32 v41, v38;
	v47 =	vmax.f32 v34, v20  }
0x257: {  	v39 =	vsub.f32 v42, v39;
	v50 =	vmax.f32 v34, v21;
	v49 =	vsub.f32 v48, v47  }
0x258: {  	v36 =	vsub.f32 v46, v45;
	v52 =	vmax.f32 v34, v15;
	v41 =	vsub.f32 v51, v50  }
0x259: {  	v34 =	vsub.f32 v53, v52;
	v39 =	vmax.f32 v39, $0.0e+00;
	v37 =	vmax.f32 v49, $0.0e+00  }
0x25a: {  	v36 =	vmax.f32 v36, $0.0e+00;
	v55 =	vmax.f32 v41, $0.0e+00;
	v54 =	vmul.f32 v37, v39  }
0x25b: {  	v56 =	vadd.f32 v33, v28;
	v36 =	vmul.f32 v55, v36  }
0x25c: {  	v38 =	vmax.f32 v38, $0.0e+00;
	v34 =	vmax.f32 v34, $0.0e+00;
	v39 =	vsub.f32 v40, v54  }
0x25d: {  	v57 =	vadd.f32 v33, v17;
	v34 =	vmul.f32 v34, v38;
	v37 =	vsub.f32 v56, v36  }
0x25e: {  	v58 =	vadd.f32 $9.999999930e-09, v39  }
0x25f: {  	v33 =	vsub.f32 v57, v34;
	v37 =	vadd.f32 $9.999999930e-09, v37  }
0x260: {  	(erf) = vrcp.f32 v58  }
0x261: {  	v33 =	vadd.f32 $9.999999930e-09, v33;
	(erf) = vrcp.f32 v37;
	_ =	sdelay $0x1  }
0x262: {  	(erf) = vrcp.f32 v33;
	_ =	sdelay $0x5  }
0x263: {  	v59 =	vpop (erf)  }
0x264: {  	v37 =	vpop (erf)  }
0x265: {  	v33 =	vmul.f32 v59, v54;
	v60 =	vmul.f32 v37, v36  }
0x266: {  	v61 =	vld [tilespmem:s2+$0x0];
	v62 =	vpop (erf)  }
0x267: {  	v34 =	vmul.f32 v62, v34;
	vm11 =	vgt.f32 v33, $5.000000000e-01;
	vm12 =	vgt.f32 v60, $5.000000000e-01  }
0x268: {  	vm11 =	vmand vm5, vm11;
	vm12 =	vmand vm6, vm12  }
0x269: {  	vm13 =	vgt.f32 v34, $5.000000000e-01;
	vm11 =	vmor vm11, vm12  }
0x26a: {  	vm11 =	vmor vm13, vm11  }
0x26b: {  	v63 =	vsel vm11, $0xFFFFFFFF, v61  }
0x26c: {  	s7 =	simm.s32 $0x2D10;
	[tilespmem:s2+$0x0] =	vst v63  }
0x26d: {  	s8 =	simm.s32 $0x1910;
	p6 =	sne.s32 s6, $0x1;
	v33 =	vld [tilespmem:s7+$0x0]  }
.Ltmp18:
0x26e: {  	s9 =	simm.s32 $0x2310;
	v37 =	vld [tilespmem:s8+$0x0];
	(pc) =	sbr.rel @!p6 .LBB2_33-.Ltmp18, $4  }
0x26f: {  	s10 =	simm.s32 $0x1E10;
	v36 =	vld [tilespmem:s9+$0x0]  }
0x270: {  	s11 =	simm.s32 $0x2810;
	v34 =	vld [tilespmem:s10+$0x0]  }
0x271: {  	v35 =	vld [tilespmem:s11+$0x0]  }
0x272: {  	s12 =	sadd.s32 $0xFFFFFFFF, s6;
	p2 =	por $0x1, $0x1;
	s6 =	simm.s32 $0x3200  }
.LBB2_34:
0x273: {  	p6 =	sne.s32 s12, $0x1;
	v38 =	vmax.f32 v37, v18;
	v39 =	vmax.f32 v37, v22;
	v40 =	vadd.f32 v33, v32  }
0x274: {  	v37 =	vmax.f32 v37, v26;
	v41 =	vmin.f32 v36, v19;
	v42 =	vmin.f32 v36, v25  }
0x275: {  	v36 =	vmin.f32 v36, v27;
	v38 =	vsub.f32 v41, v38;
	v39 =	vsub.f32 v42, v39  }
0x276: {  	v41 =	vmax.f32 v34, v20;
	v36 =	vsub.f32 v36, v37;
	v42 =	vmin.f32 v35, v23  }
0x277: {  	v37 =	vsub.f32 v42, v41;
	v41 =	vmax.f32 v34, v21;
	v42 =	vmin.f32 v35, v24  }
0x278: {  	v39 =	vmax.f32 v39, $0.0e+00;
	v36 =	vmax.f32 v36, $0.0e+00;
	v41 =	vsub.f32 v42, v41  }
0x279: {  	v34 =	vmax.f32 v34, v15;
	v35 =	vmin.f32 v35, v16;
	v37 =	vmax.f32 v37, $0.0e+00  }
0x27a: {  	v34 =	vsub.f32 v35, v34;
	v35 =	vmul.f32 v37, v39;
	v37 =	vmax.f32 v41, $0.0e+00  }
0x27b: {  	v36 =	vmul.f32 v37, v36;
	v37 =	vadd.f32 v33, v28  }
0x27c: {  	v38 =	vmax.f32 v38, $0.0e+00;
	v34 =	vmax.f32 v34, $0.0e+00;
	v39 =	vsub.f32 v40, v35  }
0x27d: {  	v34 =	vmul.f32 v34, v38;
	v33 =	vadd.f32 v33, v17;
	v37 =	vsub.f32 v37, v36  }
0x27e: {  	v38 =	vadd.f32 $9.999999930e-09, v39  }
0x27f: {  	v33 =	vsub.f32 v33, v34;
	v37 =	vadd.f32 $9.999999930e-09, v37  }
0x280: {  	(erf) = vrcp.f32 v38  }
0x281: {  	v33 =	vadd.f32 $9.999999930e-09, v33;
	(erf) = vrcp.f32 v37;
	_ =	sdelay $0x1  }
0x282: {  	(erf) = vrcp.f32 v33;
	_ =	sdelay $0x5  }
0x283: {  	v33 =	vpop (erf)  }
0x284: {  	v37 =	vpop (erf)  }
0x285: {  	s6 =	sadd.s32 $0x10, s6;
	v33 =	vmul.f32 v33, v35;
	v35 =	vmul.f32 v37, v36  }
0x286: {  	v36 =	vld [tilespmem:s6+$0x0];
	v37 =	vpop (erf)  }
0x287: {  	vm11 =	vgt.f32 v33, $5.000000000e-01;
	v34 =	vmul.f32 v37, v34;
	vm12 =	vgt.f32 v35, $5.000000000e-01  }
0x288: {  	vm11 =	vmand vm5, vm11;
	vm12 =	vmand vm6, vm12  }
0x289: {  	vm13 =	vgt.f32 v34, $5.000000000e-01;
	vm11 =	vmor vm11, vm12  }
0x28a: {  	vm11 =	vmor vm13, vm11  }
0x28b: {  	v33 =	vsel vm11, $0xFFFFFFFF, v36  }
0x28c: {  	s7 =	sadd.s32 $0x10, s7;
	[tilespmem:s6+$0x0] =	vst v33  }
0x28d: {  	s8 =	sadd.s32 $0x10, s8;
	v33 =	vld [tilespmem:s7+$0x0]  }
.Ltmp19:
0x28e: {  	s9 =	sadd.s32 $0x10, s9;
	v37 =	vld [tilespmem:s8+$0x0];
	(pc) =	sbr.rel @p6 .LBB2_34-.Ltmp19, $4  }
0x28f: {  	s10 =	sadd.s32 $0x10, s10;
	v36 =	vld [tilespmem:s9+$0x0]  }
0x290: {  	s11 =	sadd.s32 $0x10, s11;
	v34 =	vld [tilespmem:s10+$0x0]  }
0x291: {  	v35 =	vld [tilespmem:s11+$0x0]  }
0x292: {  	s12 =	sadd.s32 $0xFFFFFFFF, s12  }
.LBB2_35:
0x293: {  	v18 =	vmax.f32 v37, v18;
	v22 =	vmax.f32 v37, v22  }
0x294: {  	v32 =	vadd.f32 v33, v32;
	v26 =	vmax.f32 v37, v26;
	v25 =	vmin.f32 v36, v25  }
0x295: {  	v19 =	vmin.f32 v36, v19;
	v47 =	vmin.f32 v36, v27;
	v22 =	vsub.f32 v25, v22  }
0x296: {  	v20 =	vmax.f32 v34, v20;
	v25 =	vsub.f32 v47, v26;
	v23 =	vmin.f32 v35, v23  }
0x297: {  	v21 =	vmax.f32 v34, v21;
	v48 =	vmin.f32 v35, v24;
	v20 =	vsub.f32 v23, v20  }
0x298: {  	v18 =	vsub.f32 v19, v18;
	v15 =	vmax.f32 v34, v15;
	v21 =	vsub.f32 v48, v21  }
0x299: {  	v16 =	vmin.f32 v35, v16;
	v49 =	vmax.f32 v22, $0.0e+00;
	v20 =	vmax.f32 v20, $0.0e+00  }
0x29a: {  	v50 =	vmax.f32 v25, $0.0e+00;
	v51 =	vmax.f32 v21, $0.0e+00;
	v19 =	vmul.f32 v20, v49  }
0x29b: {  	v53 =	vadd.f32 v33, v28;
	v15 =	vsub.f32 v16, v15;
	v52 =	vmul.f32 v51, v50  }
0x29c: {  	v54 =	vsub.f32 v32, v19  }
0x29d: {  	v18 =	vmax.f32 v18, $0.0e+00;
	v15 =	vmax.f32 v15, $0.0e+00;
	v20 =	vsub.f32 v53, v52  }
0x29e: {  	v17 =	vadd.f32 v33, v17;
	v15 =	vmul.f32 v15, v18;
	v55 =	vadd.f32 $9.999999930e-09, v54  }
0x29f: {  	v20 =	vadd.f32 $9.999999930e-09, v20  }
0x2a0: {  	v17 =	vsub.f32 v17, v15;
	(erf) = vrcp.f32 v55  }
0x2a1: {  	(erf) = vrcp.f32 v20  }
0x2a2: {  	v17 =	vadd.f32 $9.999999930e-09, v17;
	_ =	sdelay $0x1  }
0x2a3: {  	(erf) = vrcp.f32 v17;
	_ =	sdelay $0x1  }
0x2a4: {  	s4 =	simm.s32 $0x1  }
0x2a5: {  	s4 =	simm.s32 @!p5 $0x0  }
0x2a6: {  	s4 =	sadd.s32 s4, s0  }
0x2a7: {  	s16 =	smul.u32 $0x5, s0;
	s4 =	sadd.s32 $0x1, s4;
	v56 =	vpop (erf)  }
0x2a8: {  	s17 =	smul.u32 $0x5, s4;
	v57 =	vpop (erf);
	v17 =	vmul.f32 v56, v19  }
0x2a9: {  	p6 =	sne.s32 s0, $0x63;
	v60 =	vadd.s32 s16, v2;
	s0 =	sadd.s32 $0x5, s16;
	v16 =	vmul.f32 v57, v52  }
0x2aa: {  	s5 =	sadd.s32 @p2 $0x10, s6;
	p5 =	por !p6, !p5;
	v61 =	vadd.s32 s0, v2;
	v62 =	vadd.s32 s17, v2;
	vm11 =	vgt.f32 v17, $5.000000000e-01  }
0x2ab: {  	s2 =	smov.u32 @p2 s5;
	p2 =	por !p5, !p5;
	p6 =	slt.s32 s4, $0x64;
	v58 =	vpop (erf);
	vm12 =	vgt.f32 v16, $5.000000000e-01;
	vm5 =	vmand vm5, vm11;
	vm11 =	vmmov vm10  }
0x2ac: {  	v59 =	vld [tilespmem:s2+$0x0];
	p6 =	por !p6, !p4;
	v15 =	vmul.f32 v58, v15;
	vm6 =	vmand vm6, vm12;
	vm11 =	vmneg @p2 vm11  }
0x2ad: {  	s0 =	simm.s32 $0x1;
	p2 =	por !p6, !p6;
	vm12 =	vmmov $0x1f;
	vm5 =	vmor vm5, vm6;
	vm6 =	vmmov vm10  }
0x2ae: {  	s0 =	simm.s32 @!p4 $0x0;
	vm11 =	vmand vm11, vm12;
	v17 =	vnsel vm12, $0x0, v60;
	vm6 =	vmneg @p2 vm6  }
0x2af: {  	s0 =	sadd.s32 s0, s4;
	vm6 =	vmand vm6, vm12;
	vm12 =	vgt.f32 v15, $5.000000000e-01;
	v15 =	vnsel vm11, $0x0, v61  }
0x2b0: {  	v63 =	vpsel p3, v29, v14;
	p3 =	slt.s32 s0, $0x64;
	vm5 =	vmor vm12, vm5;
	v18 =	vnsel vm6, $0x0, v62  }
.Ltmp20:
0x2b1: {  	v16 =	vsel vm5, $0xFFFFFFFF, v59;
	(pc) =	sbr.rel @p3 .LBB2_14-.Ltmp20, $4  }
.Ltmp21:
0x2b2: {  	[tilespmem:s2+$0x0] =	vst v16;
	(pc) =	sbr.rel @!p3 .LBB2_36-.Ltmp21, $4  }
0x2b3: {  	[tilespmem:v17+s29+$0x0] =	vst.idx.msk $0x1f, v63  }
0x2b4: {  	p6 =	seq.s32 s1, $0x0;
	[tilespmem:v15+s29+$0x0] =	vst.idx.msk vm11, v30  }
0x2b5: {  	s1 =	sadd.s32 $0x1, s1;
	v14 =	vpsel p6, v63, v14;
	[tilespmem:v18+s29+$0x0] =	vst.idx.msk vm6, v31  }
0x2b6: {  	_ = 	snop  }
.LBB2_19:
.Ltmp22:
0x2b7: {  	(pc) =	sbr.rel .LBB2_24-.Ltmp22, $2  }
0x2b8: {  	_ =	sdelay $0x2  }
0x2b9: {  	v20 =	vimm.s32 $0xFFFFFFFE;
	s2 =	simm.s32 $0x0;
	v18 =	vimm.s32 $0x0;
	s9 =	simm.s32 $0x0  }
.LBB2_25:
.Ltmp23:
0x2ba: {  	(pc) =	sbr.rel .LBB2_30-.Ltmp23, $2  }
0x2bb: {  	_ =	sdelay $0x2  }
0x2bc: {  	v22 =	vimm.s32 $0xFFFFFFFE;
	s8 =	simm.s32 $0x0;
	v20 =	vimm.s32 $0x0;
	s7 =	simm.s32 $0x0;
	p3 =	por $0x0, $0x0  }
.LBB2_31:
.Ltmp24:
0x2bd: {  	(pc) =	sbr.rel .LBB2_35-.Ltmp24, $2  }
0x2be: {  	_ =	sdelay $0x2  }
0x2bf: {  	s6 =	simm.s32 $0x3200  }
.LBB2_16:
.Ltmp25:
0x2c0: {  	(pc) =	sbr.rel .LBB2_18-.Ltmp25, $2  }
0x2c1: {  	_ =	sdelay $0x2  }
0x2c2: {  	v18 =	vimm.s32 $0xFFFFFFFE;
	s6 =	simm.s32 $0x0;
	v16 =	vimm.s32 $0x0  }
.LBB2_21:
.Ltmp26:
0x2c3: {  	_ = 	snop;
	(pc) =	sbr.rel .LBB2_24-.Ltmp26, $2  }
0x2c4: {  	_ =	sdelay $0x2  }
0x2c5: {  	v22 =	vmovc v19;
	v20 =	vimm.s32 $0xFFFFFFFE;
	s2 =	simm.s32 $0x0;
	v18 =	vimm.s32 $0x0;
	s9 =	simm.s32 $0x10;
	v19 =	vmov v21  }
.LBB2_27:
.Ltmp27:
0x2c6: {  	_ = 	snop;
	(pc) =	sbr.rel .LBB2_30-.Ltmp27, $2  }
0x2c7: {  	_ =	sdelay $0x2  }
0x2c8: {  	v24 =	vmovc v21;
	v22 =	vimm.s32 $0xFFFFFFFE;
	s8 =	simm.s32 $0x0;
	v20 =	vimm.s32 $0x0;
	v21 =	vmov v23  }
.LBB2_33:
.Ltmp28:
0x2c9: {  	(pc) =	sbr.rel .LBB2_35-.Ltmp28, $2  }
0x2ca: {  	_ =	sdelay $0x2  }
0x2cb: {  	s6 =	simm.s32 $0x3200  }
.LBB2_37:
0x2cc: {  	_ =	sfence.sel $0x180000  }
0x2cd: {  	[bflag:$0x0] =	sbarrier.arrive $0xFFFF  }
0x2ce: {  	_ =	strace $0x90000047  }
0x2cf: {  	s0 =	stileid.u32;
	[bflag:$0x2] =	sbarrier.arrive $0xFFFF  }
0x2d0: {  	p0 =	sne.s32 s0, $0x0;
	s0 =	rddreg [dreg:$0x3]  }
0x2d1: {  	s0 =	sadd.s32 @!p0 $0x100000, s0  }
0x2d2: {  	[sflag:s0] =	ssyncadd.tile.s32 @!p0 $0x1;
	_ =	shalt  }
.Lfunc_end2:
_tile_overlayer_lowered:
.L_overlay_start_2:
0x2d3: {  	(tag) =	ssettag $0x2  }
0x2d4: {  	s0 =	rddreg [dreg:$0x0];
	s2 =	stileid.u32  }
0x2d5: {  	s1 =	rddreg [dreg:$0x1];
	p0 =	sne.s32 s2, $0x0  }
0x2d6: {  	s3 =	rddreg [dreg:$0x2];
	[bflag:$0x3] =	sbarrier.arrive $0xFFFF;
	s2 =	simm.s32 @!p0 $0x1C02  }
0x2d7: {  	[timem:s3], [sflag:s2] =	dma.local @!p0 [hbm:s0], s1  }
0x2d8: {  	s0 =	simm.s32 @!p0 $0x2  }
0x2d9: {  	_ =	swait.ge @!p0 [sflag:s0], s1  }
0x2da: {  	s1 =	ssub.s32 @!p0 $0x0, s1;
	[sflag:s0] =	ssyncset.done @!p0 $0x0  }
0x2db: {  	[sflag:s0] =	ssyncadd.s32 @!p0 s1  }
0x2dc: {  	[bflag:$0x3] =	sbarrier.arrive $0xFFFF  }
0x2dd: {  	_ =	shalt  }

</sc_bundles>
